<compile_context>
chip_gen: v7x
topology: tpu7x:2x2x1
jax: 0.10.2.dev20260603
libtpu: 0.0.44.dev20260713+nightly
codegen_flags: <defaults>
</compile_context>

<pallas_src>
import dataclasses
import functools

import jax
import jax.numpy as jnp
from jax.experimental import pallas as pl
from jax.experimental.pallas import tpu as pltpu
from jax.experimental.pallas import tpu_sc as plsc

TOKENS = 2048
D_IN = 1024
N_EXPERTS = 8
D_HID = 1024
D_OUT = 1024
TOP_K = 2

TILE_M = 128
M_PAD = TOKENS * TOP_K + N_EXPERTS * TILE_M
N_TILES = M_PAD // TILE_M

SC_LANES = 16
SC_ROW = 128
ROW_SPLIT = D_IN // SC_ROW
SC_W = 128

@functools.cache
def _vector_mesh():
    return plsc.VectorSubcoreMesh(core_axis_name="c", subcore_axis_name="s")


def _sc_compiler_params():
    cp = pltpu.CompilerParams()
    if "needs_layout_passes" in pltpu.CompilerParams.__dataclass_fields__:
        cp = dataclasses.replace(cp, needs_layout_passes=False)
    return cp



def _gate_body(x_ref, gw_ref, gb_ref, idx_ref, wts_ref):
    logits = jnp.dot(x_ref[...], gw_ref[...],
                     preferred_element_type=jnp.float32) + gb_ref[...]
    col = jax.lax.broadcasted_iota(jnp.int32, logits.shape, 1)
    m1 = jnp.max(logits, axis=1, keepdims=True)
    i1 = jnp.min(jnp.where(logits == m1, col, N_EXPERTS), axis=1,
                 keepdims=True)
    l2 = jnp.where(col == i1, -jnp.inf, logits)
    m2 = jnp.max(l2, axis=1, keepdims=True)
    i2 = jnp.min(jnp.where(l2 == m2, col, N_EXPERTS), axis=1,
                 keepdims=True)
    b = jnp.exp(m2 - m1)
    wa = 1.0 / (1.0 + b)
    wb = b / (1.0 + b)
    idx_ref[...] = jnp.concatenate([i1, i2], axis=1)
    wts_ref[...] = jnp.concatenate([wa, wb], axis=1)


def _gate(x, gate_W, gb2d):
    return pl.pallas_call(
        _gate_body,
        grid=(1,),
        in_specs=[
            pl.BlockSpec((TOKENS, D_IN), lambda i: (0, 0)),
            pl.BlockSpec((D_IN, N_EXPERTS), lambda i: (0, 0)),
            pl.BlockSpec((1, N_EXPERTS), lambda i: (0, 0)),
        ],
        out_specs=[
            pl.BlockSpec((TOKENS, TOP_K), lambda i: (0, 0)),
            pl.BlockSpec((TOKENS, TOP_K), lambda i: (0, 0)),
        ],
        out_shape=[
            jax.ShapeDtypeStruct((TOKENS, TOP_K), jnp.int32),
            jax.ShapeDtypeStruct((TOKENS, TOP_K), jnp.float32),
        ],
    )(x, gate_W, gb2d)



def _dispatch(x_r, pos0e, pos1e, wts0B, wts1B, pos0t, pos1t):
    n_rows = TOKENS * ROW_SPLIT

    @pl.kernel(
        out_type=[
            jax.ShapeDtypeStruct((M_PAD * ROW_SPLIT, SC_ROW), jnp.float32),
            jax.ShapeDtypeStruct((M_PAD, SC_ROW), jnp.float32),
        ],
        mesh=_vector_mesh(),
        compiler_params=_sc_compiler_params(),
    )
    def k(x_hbm, p0_hbm, p1_hbm, w0_hbm, w1_hbm, t0_hbm, t1_hbm,
          xs_hbm, wpad_hbm):
        def scatter_rows(v_hbm, p_hbm, o_hbm, n):
            def sbody(x_v, i_v):
                pltpu.sync_copy(x_v, o_hbm.at[i_v.at[0]])
            pltpu.emit_pipeline(
                sbody,
                grid=(n // SC_W,),
                in_specs=[
                    pl.BlockSpec((SC_W, SC_ROW), lambda i: (i, 0)),
                    pl.BlockSpec((1, SC_W), lambda i: (0, i)),
                ],
                out_specs=[],
                core_axis_name=("c", "s"),
                dimension_semantics=(pltpu.PARALLEL,),
            )(v_hbm, p_hbm)

        scatter_rows(x_hbm, p0_hbm, xs_hbm, n_rows)
        scatter_rows(x_hbm, p1_hbm, xs_hbm, n_rows)
        scatter_rows(w0_hbm, t0_hbm, wpad_hbm, TOKENS)
        scatter_rows(w1_hbm, t1_hbm, wpad_hbm, TOKENS)

    return k(x_r, pos0e, pos1e, wts0B, wts1B, pos0t, pos1t)



def _gmm_body(te_ref, xs_ref, wp_ref, w1_ref, b1_ref, w2_ref, b2_ref, y_ref):
    h = jnp.maximum(
        jnp.dot(xs_ref[...].astype(jnp.bfloat16), w1_ref[0],
                preferred_element_type=jnp.float32) + b1_ref[0], 0.0)
    y = jnp.dot(h.astype(jnp.bfloat16), w2_ref[0],
                preferred_element_type=jnp.float32) + b2_ref[0]
    y_ref[...] = y * wp_ref[:, 0:1]


def _gmm(tile_expert, xs, wpad, w1bf, b1r, w2bf, b2r):
    grid_spec = pltpu.PrefetchScalarGridSpec(
        num_scalar_prefetch=1,
        grid=(N_TILES,),
        in_specs=[
            pl.BlockSpec((TILE_M, D_IN), lambda i, s: (i, 0)),
            pl.BlockSpec((TILE_M, SC_ROW), lambda i, s: (i, 0)),
            pl.BlockSpec((1, D_IN, D_HID), lambda i, s: (s[i], 0, 0)),
            pl.BlockSpec((1, 1, D_HID), lambda i, s: (s[i], 0, 0)),
            pl.BlockSpec((1, D_HID, D_OUT), lambda i, s: (s[i], 0, 0)),
            pl.BlockSpec((1, 1, D_OUT), lambda i, s: (s[i], 0, 0)),
        ],
        out_specs=pl.BlockSpec((TILE_M, D_OUT), lambda i, s: (i, 0)),
    )
    return pl.pallas_call(
        _gmm_body,
        grid_spec=grid_spec,
        out_shape=jax.ShapeDtypeStruct((M_PAD, D_OUT), jnp.float32),
    )(tile_expert, xs, wpad, w1bf, b1r, w2bf, b2r)



def _combine(y_r, pos0e, pos1e):
    n_rows = TOKENS * ROW_SPLIT

    @pl.kernel(
        out_type=jax.ShapeDtypeStruct((n_rows, SC_ROW), jnp.float32),
        mesh=_vector_mesh(),
        scratch_types=[
            pltpu.VMEM((SC_W, SC_ROW), jnp.float32),
        ],
        compiler_params=_sc_compiler_params(),
    )
    def k(y_hbm, p0_hbm, p1_hbm, o_hbm, bufb):
        def cbody(i0_v, i1_v, o_v):
            pltpu.sync_copy(y_hbm.at[i0_v.at[0]], o_v)
            pltpu.sync_copy(y_hbm.at[i1_v.at[0]], bufb)

            @pl.loop(0, SC_W)
            def _(r):
                @pl.loop(0, SC_ROW, step=SC_LANES)
                def _(c):
                    slc = (r, pl.ds(c, SC_LANES))
                    o_v.at[*slc][...] = (
                        o_v.at[*slc][...] + bufb.at[*slc][...])

        pltpu.emit_pipeline(
            cbody,
            grid=(n_rows // SC_W,),
            in_specs=[
                pl.BlockSpec((1, SC_W), lambda i: (0, i)),
                pl.BlockSpec((1, SC_W), lambda i: (0, i)),
            ],
            out_specs=[
                pl.BlockSpec((SC_W, SC_ROW), lambda i: (i, 0)),
            ],
            core_axis_name=("c", "s"),
            dimension_semantics=(pltpu.PARALLEL,),
        )(p0_hbm, p1_hbm, o_hbm)

    return k(y_r, pos0e, pos1e)



@jax.jit
def kernel(x, gate_W, gate_b, W1, b1, W2, b2):
    gb2d = gate_b.reshape(1, N_EXPERTS)
    b1r = b1.reshape(N_EXPERTS, 1, D_HID)
    b2r = b2.reshape(N_EXPERTS, 1, D_OUT)
    w1bf = W1.astype(jnp.bfloat16)
    w2bf = W2.astype(jnp.bfloat16)
    idx, wts = _gate(x, gate_W, gb2d)

    entries = idx.reshape(TOKENS * TOP_K)
    oh = (entries[:, None] == jnp.arange(N_EXPERTS)[None, :]).astype(jnp.int32)
    cum = jnp.cumsum(oh, axis=0)
    counts = cum[-1]
    padded = ((counts + TILE_M - 1) // TILE_M) * TILE_M
    cum_end = jnp.cumsum(padded)
    off = cum_end - padded
    pos = jnp.sum((cum - 1 + off[None, :]) * oh, axis=1).astype(jnp.int32)
    pos2 = pos.reshape(TOKENS, TOP_K)
    tile_start = jnp.arange(N_TILES, dtype=jnp.int32) * TILE_M
    tile_expert = jnp.minimum(
        jnp.sum((tile_start[:, None] >= cum_end[None, :]).astype(jnp.int32),
                axis=1),
        N_EXPERTS - 1).astype(jnp.int32)

    sub = jnp.arange(ROW_SPLIT, dtype=jnp.int32)[None, :]
    pos0e = (pos2[:, 0:1] * ROW_SPLIT + sub).reshape(1, TOKENS * ROW_SPLIT)
    pos1e = (pos2[:, 1:2] * ROW_SPLIT + sub).reshape(1, TOKENS * ROW_SPLIT)
    pos0t = pos2[:, 0].reshape(1, TOKENS)
    pos1t = pos2[:, 1].reshape(1, TOKENS)
    wts0B = jnp.broadcast_to(wts[:, 0:1], (TOKENS, SC_ROW))
    wts1B = jnp.broadcast_to(wts[:, 1:2], (TOKENS, SC_ROW))

    x_r = x.reshape(TOKENS * ROW_SPLIT, SC_ROW)
    xs_r, wpad = _dispatch(x_r, pos0e, pos1e, wts0B, wts1B, pos0t, pos1t)
    xs = xs_r.reshape(M_PAD, D_IN)
    y = _gmm(tile_expert, xs, wpad, w1bf, b1r, w2bf, b2r)
    y_r = y.reshape(M_PAD * ROW_SPLIT, SC_ROW)
    out_r = _combine(y_r, pos0e, pos1e)
    return out_r.reshape(TOKENS, D_OUT)

# --- scband reference (transcript-rebuilt; emitter-appended) ---
"""Pipeline reference for scband-mo-elayer-85856396247455 (READ-ONLY COPY).

The authoritative reference and input builder live on the scoring server;
editing this copy changes nothing except your own understanding.
"""

import jax, jax.numpy as jnp
import numpy as np

TOKENS = 2048
D_IN = 1024
N_EXPERTS = 8
D_HID = 1024
D_OUT = 1024
TOP_K = 2


def setup_inputs(seed: int = 0) -> dict:
    key = jax.random.key(seed)
    ks = jax.random.split(key, 6)
    x = jax.random.normal(ks[0], (TOKENS, D_IN), dtype=jnp.float32)
    gate_W = jax.random.normal(ks[1], (D_IN, N_EXPERTS), dtype=jnp.float32) * 0.02
    gate_b = jnp.zeros((N_EXPERTS,), dtype=jnp.float32)
    W1 = jax.random.normal(ks[2], (N_EXPERTS, D_IN, D_HID), dtype=jnp.float32) * 0.02
    b1 = jnp.zeros((N_EXPERTS, D_HID), dtype=jnp.float32)
    W2 = jax.random.normal(ks[3], (N_EXPERTS, D_HID, D_OUT), dtype=jnp.float32) * 0.02
    b2 = jnp.zeros((N_EXPERTS, D_OUT), dtype=jnp.float32)
    return {"x": x, "gate_W": gate_W, "gate_b": gate_b, "W1": W1, "b1": b1, "W2": W2, "b2": b2}


def reference(x, gate_W, gate_b, W1, b1, W2, b2):
    # gate
    gate_logits = x @ gate_W + gate_b
    gate_weights = jax.nn.softmax(gate_logits, axis=-1)
    topk_weights, topk_indices = jax.lax.top_k(gate_weights, TOP_K)
    topk_weights = topk_weights / jnp.sum(topk_weights, axis=-1, keepdims=True)
    # all experts computed densely (faithful to the torch module's stack over experts)
    h = jax.nn.relu(jnp.einsum('bd,edh->beh', x, W1) + b1[None, :, :])
    expert_outputs = jnp.einsum('beh,eho->beo', h, W2) + b2[None, :, :]  # [B, E, D_OUT]
    # gather top-k expert outputs
    sel = jnp.take_along_axis(expert_outputs, topk_indices[:, :, None], axis=1)  # [B, K, D_OUT]
    final_output = jnp.sum(sel * topk_weights[:, :, None], axis=1)
    return final_output

if __name__ == "__main__":
    import jax
    _d = setup_inputs()
    print(jax.jit(kernel)(*tuple(_d.values())))

</pallas_src>

<mosaic_0001>
#map = affine_map<(d0, d1) -> (0, 0)>
module attributes {stable_mosaic.version = 14 : i64} {
  func.func @k(%arg0: i32, %arg1: i32, %arg2: memref<16384x128xf32, #tpu.memory_space<hbm>>, %arg3: memref<1x16384xi32, #tpu.memory_space<hbm>>, %arg4: memref<1x16384xi32, #tpu.memory_space<hbm>>, %arg5: memref<2048x128xf32, #tpu.memory_space<hbm>>, %arg6: memref<2048x128xf32, #tpu.memory_space<hbm>>, %arg7: memref<1x2048xi32, #tpu.memory_space<hbm>>, %arg8: memref<1x2048xi32, #tpu.memory_space<hbm>>, %arg9: memref<40960x128xf32, #tpu.memory_space<hbm>>, %arg10: memref<5120x128xf32, #tpu.memory_space<hbm>>) attributes {dimension_semantics = [#tpu.dimension_semantics<core_parallel>, #tpu.dimension_semantics<subcore_parallel>], iteration_bounds = array<i64: 2, 16>, scalar_prefetch = 0 : i64, scratch_operands = 0 : i64, tpu.core_type = #tpu.core_type<sc_vector_subcore>, window_params = [{transform_indices = #map}, {transform_indices = #map}, {transform_indices = #map}, {transform_indices = #map}, {transform_indices = #map}, {transform_indices = #map}, {transform_indices = #map}, {transform_indices = #map}, {transform_indices = #map}]} {
    %mul3A = arith.constant 1 : i32
    %mul3A_0 = arith.muli %arg1, %mul3A : i32
    %add3A = arith.constant 0 : i32
    %add3A_1 = arith.addi %add3A, %mul3A_0 : i32
    %mul3A_2 = arith.constant 16 : i32
    %mul3A_3 = arith.muli %arg0, %mul3A_2 : i32
    %add3A_4 = arith.addi %add3A_1, %mul3A_3 : i32
    %mul3A_5 = arith.constant 4 : i32
    %mul3A_6 = arith.muli %add3A_4, %mul3A_5 : i32
    "tpu.region"() ({
      %run_scoped3A = memref.alloca() : memref<2x128x128xf32, #tpu.memory_space<vmem>>
      %run_scoped3A_57 = tpu.sem_alloc : memref<2x!tpu.dma_semaphore, #tpu.memory_space<semaphore_mem>>
      %run_scoped3A_58 = memref.alloca() : memref<2x1x128xi32, #tpu.memory_space<vmem>>
      %run_scoped3A_59 = tpu.sem_alloc : memref<2x!tpu.dma_semaphore, #tpu.memory_space<semaphore_mem>>
      %add3A_60 = arith.constant 0 : i32
      %add3A_61 = arith.addi %add3A_60, %mul3A_6 : i32
      %select_n3A_62 = arith.constant true
      %select_n3A_63 = arith.constant 0 : i32
      %select_n3A_64 = arith.constant -1 : i32
      %select_n3A_65 = arith.select %select_n3A_62, %select_n3A_64, %select_n3A_63 : i32
      %eq3A = arith.constant -1 : i32
      %eq3A_66 = arith.cmpi eq, %select_n3A_65, %eq3A : i32
      %select_n3A_67 = arith.constant 3 : i32
      %select_n3A_68 = arith.select %eq3A_66, %select_n3A_67, %select_n3A_65 : i32
      %add3A_69 = arith.addi %select_n3A_68, %mul3A_6 : i32
      %select_n3A_70 = arith.constant true
      %select_n3A_71 = arith.constant 0 : i32
      %select_n3A_72 = arith.constant 1 : i32
      %select_n3A_73 = arith.select %select_n3A_70, %select_n3A_72, %select_n3A_71 : i32
      %eq3A_74 = arith.constant 4 : i32
      %eq3A_75 = arith.cmpi eq, %select_n3A_73, %eq3A_74 : i32
      %select_n3A_76 = arith.constant 0 : i32
      %select_n3A_77 = arith.select %eq3A_75, %select_n3A_76, %select_n3A_73 : i32
      %add3A_78 = arith.addi %select_n3A_77, %mul3A_6 : i32
      %add3A_79 = arith.constant 1 : i32
      %add3A_80 = arith.addi %select_n3A_77, %add3A_79 : i32
      %select_n3A_81 = arith.constant true
      %select_n3A_82 = arith.select %select_n3A_81, %add3A_80, %select_n3A_77 : i32
      %eq3A_83 = arith.constant 4 : i32
      %eq3A_84 = arith.cmpi eq, %select_n3A_82, %eq3A_83 : i32
      %select_n3A_85 = arith.constant 0 : i32
      %select_n3A_86 = arith.select %eq3A_84, %select_n3A_85, %select_n3A_82 : i32
      %add3A_87 = arith.addi %select_n3A_86, %mul3A_6 : i32
      "tpu.trace_start"() <{level = 10 : i32, message = "ep_initialize_0"}> : () -> ()
      %rem3A = arith.constant 0 : i32
      %rem3A_88 = arith.constant 2 : i32
      %rem3A_89 = arith.remui %rem3A, %rem3A_88 : i32
      %mul3A_90 = arith.constant 128 : i32
      %mul3A_91 = arith.muli %mul3A_90, %add3A_61 : i32
      %dma_start3A = arith.constant 0 : i32
      %dma_start3A_92 = arith.constant 0 : i32
      %dma_start3A_93 = tpu.memref_slice %run_scoped3A[%rem3A_89, %dma_start3A, %dma_start3A_92] : memref<2x128x128xf32, #tpu.memory_space<vmem>> -> memref<1x128x128xf32, #tpu.memory_space<vmem>>
      %dma_start3A_94 = tpu.memref_squeeze %dma_start3A_93 : memref<1x128x128xf32, #tpu.memory_space<vmem>> -> memref<128x128xf32, #tpu.memory_space<vmem>>
      %dma_start3A_95 = arith.constant 0 : i32
      %dma_start3A_96 = tpu.memref_slice %arg2[%mul3A_91, %dma_start3A_95] : memref<16384x128xf32, #tpu.memory_space<hbm>> -> memref<128x128xf32, #tpu.memory_space<hbm>>
      %dma_start3A_97 = tpu.memref_slice %run_scoped3A_57[%rem3A_89] : memref<2x!tpu.dma_semaphore, #tpu.memory_space<semaphore_mem>> -> memref<1x!tpu.dma_semaphore, #tpu.memory_space<semaphore_mem>>
      %dma_start3A_98 = tpu.memref_squeeze %dma_start3A_97 : memref<1x!tpu.dma_semaphore, #tpu.memory_space<semaphore_mem>> -> memref<!tpu.dma_semaphore, #tpu.memory_space<semaphore_mem>>
      %dma_start3A_99 = arith.constant 0 : i32
      %dma_start3A_100 = arith.constant 0 : i32
      %dma_start3A_101 = tpu.memref_slice %run_scoped3A[%rem3A_89, %dma_start3A_99, %dma_start3A_100] : memref<2x128x128xf32, #tpu.memory_space<vmem>> -> memref<1x128x128xf32, #tpu.memory_space<vmem>>
      %dma_start3A_102 = tpu.memref_squeeze %dma_start3A_101 : memref<1x128x128xf32, #tpu.memory_space<vmem>> -> memref<128x128xf32, #tpu.memory_space<vmem>>
      %dma_start3A_103 = arith.constant 0 : i32
      %dma_start3A_104 = tpu.memref_slice %arg2[%mul3A_91, %dma_start3A_103] : memref<16384x128xf32, #tpu.memory_space<hbm>> -> memref<128x128xf32, #tpu.memory_space<hbm>>
      tpu.enqueue_dma source(%dma_start3A_104 : memref<128x128xf32, #tpu.memory_space<hbm>>) target(%dma_start3A_102 : memref<128x128xf32, #tpu.memory_space<vmem>>) target_semaphore(%dma_start3A_98 : memref<!tpu.dma_semaphore, #tpu.memory_space<semaphore_mem>>)
      %add3A_105 = arith.constant 0 : i32
      %add3A_106 = arith.constant 1 : i32
      %add3A_107 = arith.addi %add3A_105, %add3A_106 : i32
      %select_n3A_108 = arith.constant true
      %select_n3A_109 = arith.constant 0 : i32
      %select_n3A_110 = arith.select %select_n3A_108, %add3A_107, %select_n3A_109 : i32
      %rem3A_111 = arith.constant 0 : i32
      %rem3A_112 = arith.constant 2 : i32
      %rem3A_113 = arith.remui %rem3A_111, %rem3A_112 : i32
      %mul3A_114 = arith.constant 128 : i32
      %mul3A_115 = arith.muli %mul3A_114, %add3A_61 : i32
      %dma_start3A_116 = arith.constant 0 : i32
      %dma_start3A_117 = arith.constant 0 : i32
      %dma_start3A_118 = tpu.memref_slice %run_scoped3A_58[%rem3A_113, %dma_start3A_116, %dma_start3A_117] : memref<2x1x128xi32, #tpu.memory_space<vmem>> -> memref<1x1x128xi32, #tpu.memory_space<vmem>>
      %dma_start3A_119 = tpu.memref_squeeze %dma_start3A_118 : memref<1x1x128xi32, #tpu.memory_space<vmem>> -> memref<1x128xi32, #tpu.memory_space<vmem>>
      %dma_start3A_120 = arith.constant 0 : i32
      %dma_start3A_121 = tpu.memref_slice %arg3[%dma_start3A_120, %mul3A_115] : memref<1x16384xi32, #tpu.memory_space<hbm>> -> memref<1x128xi32, #tpu.memory_space<hbm>>
      %dma_start3A_122 = tpu.memref_slice %run_scoped3A_59[%rem3A_113] : memref<2x!tpu.dma_semaphore, #tpu.memory_space<semaphore_mem>> -> memref<1x!tpu.dma_semaphore, #tpu.memory_space<semaphore_mem>>
      %dma_start3A_123 = tpu.memref_squeeze %dma_start3A_122 : memref<1x!tpu.dma_semaphore, #tpu.memory_space<semaphore_mem>> -> memref<!tpu.dma_semaphore, #tpu.memory_space<semaphore_mem>>
      %dma_start3A_124 = arith.constant 0 : i32
      %dma_start3A_125 = arith.constant 0 : i32
      %dma_start3A_126 = tpu.memref_slice %run_scoped3A_58[%rem3A_113, %dma_start3A_124, %dma_start3A_125] : memref<2x1x128xi32, #tpu.memory_space<vmem>> -> memref<1x1x128xi32, #tpu.memory_space<vmem>>
      %dma_start3A_127 = tpu.memref_squeeze %dma_start3A_126 : memref<1x1x128xi32, #tpu.memory_space<vmem>> -> memref<1x128xi32, #tpu.memory_space<vmem>>
      %dma_start3A_128 = arith.constant 0 : i32
      %dma_start3A_129 = tpu.memref_slice %arg3[%dma_start3A_128, %mul3A_115] : memref<1x16384xi32, #tpu.memory_space<hbm>> -> memref<1x128xi32, #tpu.memory_space<hbm>>
      tpu.enqueue_dma source(%dma_start3A_129 : memref<1x128xi32, #tpu.memory_space<hbm>>) target(%dma_start3A_127 : memref<1x128xi32, #tpu.memory_space<vmem>>) target_semaphore(%dma_start3A_123 : memref<!tpu.dma_semaphore, #tpu.memory_space<semaphore_mem>>)
      %add3A_130 = arith.constant 0 : i32
      %add3A_131 = arith.constant 1 : i32
      %add3A_132 = arith.addi %add3A_130, %add3A_131 : i32
      %select_n3A_133 = arith.constant true
      %select_n3A_134 = arith.constant 0 : i32
      %select_n3A_135 = arith.select %select_n3A_133, %add3A_132, %select_n3A_134 : i32
      "tpu.trace_stop"() : () -> ()
      %scan3A = arith.constant 0 : i32
      %scan3A_136 = arith.constant 0 : i32
      %scan3A_137 = arith.constant 0 : i32
      %scan3A_138 = arith.constant 0 : i32
      %scan3A_139 = arith.constant 4 : i32
      %scan3A_140 = arith.addi %scan3A_138, %scan3A_139 : i32
      %scan3A_141 = arith.constant 1 : i32
      %scan3A_142:5 = scf.for %scan3A_179 = %scan3A_138 to %scan3A_140 step %scan3A_141 iter_args(%scan3A_180 = %select_n3A_110, %scan3A_181 = %scan3A, %scan3A_182 = %select_n3A_135, %scan3A_183 = %scan3A_136, %scan3A_184 = %scan3A_137) -> (i32, i32, i32, i32, i32)  : i32 {
        %eq3A_185 = arith.constant 0 : i32
        %eq3A_186 = arith.cmpi eq, %scan3A_179, %eq3A_185 : i32
        %eq3A_187 = arith.constant 3 : i32
        %eq3A_188 = arith.cmpi eq, %scan3A_179, %eq3A_187 : i32
        %add3A_189 = arith.addi %scan3A_184, %mul3A_6 : i32
        %sub3A_190 = arith.constant 1 : i32
        %sub3A_191 = arith.subi %scan3A_184, %sub3A_190 : i32
        %select_n3A_192 = arith.constant true
        %select_n3A_193 = arith.select %select_n3A_192, %sub3A_191, %scan3A_184 : i32
        %eq3A_194 = arith.constant -1 : i32
        %eq3A_195 = arith.cmpi eq, %select_n3A_193, %eq3A_194 : i32
        %select_n3A_196 = arith.constant 3 : i32
        %select_n3A_197 = arith.select %eq3A_195, %select_n3A_196, %select_n3A_193 : i32
        %add3A_198 = arith.addi %select_n3A_197, %mul3A_6 : i32
        %add3A_199 = arith.constant 1 : i32
        %add3A_200 = arith.addi %scan3A_184, %add3A_199 : i32
        %select_n3A_201 = arith.constant true
        %select_n3A_202 = arith.select %select_n3A_201, %add3A_200, %scan3A_184 : i32
        %eq3A_203 = arith.constant 4 : i32
        %eq3A_204 = arith.cmpi eq, %select_n3A_202, %eq3A_203 : i32
        %select_n3A_205 = arith.constant 0 : i32
        %select_n3A_206 = arith.select %eq3A_204, %select_n3A_205, %select_n3A_202 : i32
        %add3A_207 = arith.addi %select_n3A_206, %mul3A_6 : i32
        %add3A_208 = arith.constant 1 : i32
        %add3A_209 = arith.addi %select_n3A_206, %add3A_208 : i32
        %select_n3A_210 = arith.constant true
        %select_n3A_211 = arith.select %select_n3A_210, %add3A_209, %select_n3A_206 : i32
        %eq3A_212 = arith.constant 4 : i32
        %eq3A_213 = arith.cmpi eq, %select_n3A_211, %eq3A_212 : i32
        %select_n3A_214 = arith.constant 0 : i32
        %select_n3A_215 = arith.select %eq3A_213, %select_n3A_214, %select_n3A_211 : i32
        %add3A_216 = arith.addi %select_n3A_215, %mul3A_6 : i32
        %ne3A = arith.cmpi ne, %add3A_189, %add3A_207 : i32
        %or3A = arith.constant false
        %or3A_217 = arith.ori %or3A, %ne3A : i1
        %or3A_218 = arith.constant false
        %or3A_219 = arith.ori %or3A_217, %or3A_218 : i1
        %ge3A = arith.constant 3 : i32
        %ge3A_220 = arith.cmpi sge, %scan3A_179, %ge3A : i32
        %not3A = arith.constant true
        %not3A_221 = arith.xori %ge3A_220, %not3A : i1
        %and3A = arith.andi %or3A_219, %not3A_221 : i1
        %convert_element_type3A = arith.extui %and3A : i1 to i32
        %cond3A = arith.constant 0 : i32
        %cond3A_222 = arith.cmpi ne, %convert_element_type3A, %cond3A : i32
        scf.if %cond3A_222 {
          "tpu.trace_start"() <{level = 10 : i32, message = "ep_copy_in"}> : () -> ()
          %rem3A_333 = arith.constant 2 : i32
          %rem3A_334 = arith.remui %scan3A_180, %rem3A_333 : i32
          %mul3A_335 = arith.constant 128 : i32
          %mul3A_336 = arith.muli %mul3A_335, %add3A_207 : i32
          %dma_start3A_337 = arith.constant 0 : i32
          %dma_start3A_338 = arith.constant 0 : i32
          %dma_start3A_339 = tpu.memref_slice %run_scoped3A[%rem3A_334, %dma_start3A_337, %dma_start3A_338] : memref<2x128x128xf32, #tpu.memory_space<vmem>> -> memref<1x128x128xf32, #tpu.memory_space<vmem>>
          %dma_start3A_340 = tpu.memref_squeeze %dma_start3A_339 : memref<1x128x128xf32, #tpu.memory_space<vmem>> -> memref<128x128xf32, #tpu.memory_space<vmem>>
          %dma_start3A_341 = arith.constant 0 : i32
          %dma_start3A_342 = tpu.memref_slice %arg2[%mul3A_336, %dma_start3A_341] : memref<16384x128xf32, #tpu.memory_space<hbm>> -> memref<128x128xf32, #tpu.memory_space<hbm>>
          %dma_start3A_343 = tpu.memref_slice %run_scoped3A_57[%rem3A_334] : memref<2x!tpu.dma_semaphore, #tpu.memory_space<semaphore_mem>> -> memref<1x!tpu.dma_semaphore, #tpu.memory_space<semaphore_mem>>
          %dma_start3A_344 = tpu.memref_squeeze %dma_start3A_343 : memref<1x!tpu.dma_semaphore, #tpu.memory_space<semaphore_mem>> -> memref<!tpu.dma_semaphore, #tpu.memory_space<semaphore_mem>>
          %dma_start3A_345 = arith.constant 0 : i32
          %dma_start3A_346 = arith.constant 0 : i32
          %dma_start3A_347 = tpu.memref_slice %run_scoped3A[%rem3A_334, %dma_start3A_345, %dma_start3A_346] : memref<2x128x128xf32, #tpu.memory_space<vmem>> -> memref<1x128x128xf32, #tpu.memory_space<vmem>>
          %dma_start3A_348 = tpu.memref_squeeze %dma_start3A_347 : memref<1x128x128xf32, #tpu.memory_space<vmem>> -> memref<128x128xf32, #tpu.memory_space<vmem>>
          %dma_start3A_349 = arith.constant 0 : i32
          %dma_start3A_350 = tpu.memref_slice %arg2[%mul3A_336, %dma_start3A_349] : memref<16384x128xf32, #tpu.memory_space<hbm>> -> memref<128x128xf32, #tpu.memory_space<hbm>>
          tpu.enqueue_dma source(%dma_start3A_350 : memref<128x128xf32, #tpu.memory_space<hbm>>) target(%dma_start3A_348 : memref<128x128xf32, #tpu.memory_space<vmem>>) target_semaphore(%dma_start3A_344 : memref<!tpu.dma_semaphore, #tpu.memory_space<semaphore_mem>>)
          "tpu.trace_stop"() : () -> ()
        } else {
        }
        %and3A_223 = arith.constant true
        %and3A_224 = arith.andi %and3A, %and3A_223 : i1
        %add3A_225 = arith.constant 1 : i32
        %add3A_226 = arith.addi %scan3A_180, %add3A_225 : i32
        %select_n3A_227 = arith.select %and3A_224, %add3A_226, %scan3A_180 : i32
        %ne3A_228 = arith.cmpi ne, %add3A_189, %add3A_207 : i32
        %or3A_229 = arith.constant false
        %or3A_230 = arith.ori %or3A_229, %ne3A_228 : i1
        %ge3A_231 = arith.constant 3 : i32
        %ge3A_232 = arith.cmpi sge, %scan3A_179, %ge3A_231 : i32
        %not3A_233 = arith.constant true
        %not3A_234 = arith.xori %ge3A_232, %not3A_233 : i1
        %and3A_235 = arith.andi %or3A_230, %not3A_234 : i1
        %convert_element_type3A_236 = arith.extui %and3A_235 : i1 to i32
        %cond3A_237 = arith.constant 0 : i32
        %cond3A_238 = arith.cmpi ne, %convert_element_type3A_236, %cond3A_237 : i32
        scf.if %cond3A_238 {
          "tpu.trace_start"() <{level = 10 : i32, message = "ep_copy_in"}> : () -> ()
          %rem3A_333 = arith.constant 2 : i32
          %rem3A_334 = arith.remui %scan3A_182, %rem3A_333 : i32
          %mul3A_335 = arith.constant 128 : i32
          %mul3A_336 = arith.muli %mul3A_335, %add3A_207 : i32
          %dma_start3A_337 = arith.constant 0 : i32
          %dma_start3A_338 = arith.constant 0 : i32
          %dma_start3A_339 = tpu.memref_slice %run_scoped3A_58[%rem3A_334, %dma_start3A_337, %dma_start3A_338] : memref<2x1x128xi32, #tpu.memory_space<vmem>> -> memref<1x1x128xi32, #tpu.memory_space<vmem>>
          %dma_start3A_340 = tpu.memref_squeeze %dma_start3A_339 : memref<1x1x128xi32, #tpu.memory_space<vmem>> -> memref<1x128xi32, #tpu.memory_space<vmem>>
          %dma_start3A_341 = arith.constant 0 : i32
          %dma_start3A_342 = tpu.memref_slice %arg3[%dma_start3A_341, %mul3A_336] : memref<1x16384xi32, #tpu.memory_space<hbm>> -> memref<1x128xi32, #tpu.memory_space<hbm>>
          %dma_start3A_343 = tpu.memref_slice %run_scoped3A_59[%rem3A_334] : memref<2x!tpu.dma_semaphore, #tpu.memory_space<semaphore_mem>> -> memref<1x!tpu.dma_semaphore, #tpu.memory_space<semaphore_mem>>
          %dma_start3A_344 = tpu.memref_squeeze %dma_start3A_343 : memref<1x!tpu.dma_semaphore, #tpu.memory_space<semaphore_mem>> -> memref<!tpu.dma_semaphore, #tpu.memory_space<semaphore_mem>>
          %dma_start3A_345 = arith.constant 0 : i32
          %dma_start3A_346 = arith.constant 0 : i32
          %dma_start3A_347 = tpu.memref_slice %run_scoped3A_58[%rem3A_334, %dma_start3A_345, %dma_start3A_346] : memref<2x1x128xi32, #tpu.memory_space<vmem>> -> memref<1x1x128xi32, #tpu.memory_space<vmem>>
          %dma_start3A_348 = tpu.memref_squeeze %dma_start3A_347 : memref<1x1x128xi32, #tpu.memory_space<vmem>> -> memref<1x128xi32, #tpu.memory_space<vmem>>
          %dma_start3A_349 = arith.constant 0 : i32
          %dma_start3A_350 = tpu.memref_slice %arg3[%dma_start3A_349, %mul3A_336] : memref<1x16384xi32, #tpu.memory_space<hbm>> -> memref<1x128xi32, #tpu.memory_space<hbm>>
          tpu.enqueue_dma source(%dma_start3A_350 : memref<1x128xi32, #tpu.memory_space<hbm>>) target(%dma_start3A_348 : memref<1x128xi32, #tpu.memory_space<vmem>>) target_semaphore(%dma_start3A_344 : memref<!tpu.dma_semaphore, #tpu.memory_space<semaphore_mem>>)
          "tpu.trace_stop"() : () -> ()
        } else {
        }
        %and3A_239 = arith.constant true
        %and3A_240 = arith.andi %and3A_235, %and3A_239 : i1
        %add3A_241 = arith.constant 1 : i32
        %add3A_242 = arith.addi %scan3A_182, %add3A_241 : i32
        %select_n3A_243 = arith.select %and3A_240, %add3A_242, %scan3A_182 : i32
        %ne3A_244 = arith.cmpi ne, %add3A_189, %add3A_198 : i32
        %or3A_245 = arith.constant false
        %or3A_246 = arith.ori %or3A_245, %ne3A_244 : i1
        %or3A_247 = arith.constant false
        %or3A_248 = arith.ori %or3A_246, %or3A_247 : i1
        %or3A_249 = arith.ori %or3A_248, %eq3A_186 : i1
        %convert_element_type3A_250 = arith.extui %or3A_249 : i1 to i32
        %cond3A_251 = arith.constant 0 : i32
        %cond3A_252 = arith.cmpi ne, %convert_element_type3A_250, %cond3A_251 : i32
        scf.if %cond3A_252 {
          "tpu.trace_start"() <{level = 10 : i32, message = "ep_wait_in"}> : () -> ()
          %mul3A_333 = arith.constant 128 : i32
          %mul3A_334 = arith.muli %mul3A_333, %add3A_189 : i32
          %rem3A_335 = arith.constant 2 : i32
          %rem3A_336 = arith.remui %scan3A_181, %rem3A_335 : i32
          %dma_wait3A = arith.constant 0 : i32
          %dma_wait3A_337 = arith.constant 0 : i32
          %dma_wait3A_338 = tpu.memref_slice %run_scoped3A[%rem3A_336, %dma_wait3A, %dma_wait3A_337] : memref<2x128x128xf32, #tpu.memory_space<vmem>> -> memref<1x128x128xf32, #tpu.memory_space<vmem>>
          %dma_wait3A_339 = tpu.memref_squeeze %dma_wait3A_338 : memref<1x128x128xf32, #tpu.memory_space<vmem>> -> memref<128x128xf32, #tpu.memory_space<vmem>>
          %dma_wait3A_340 = arith.constant 0 : i32
          %dma_wait3A_341 = tpu.memref_slice %arg2[%mul3A_334, %dma_wait3A_340] : memref<16384x128xf32, #tpu.memory_space<hbm>> -> memref<128x128xf32, #tpu.memory_space<hbm>>
          %dma_wait3A_342 = tpu.memref_slice %run_scoped3A_57[%rem3A_336] : memref<2x!tpu.dma_semaphore, #tpu.memory_space<semaphore_mem>> -> memref<1x!tpu.dma_semaphore, #tpu.memory_space<semaphore_mem>>
          %dma_wait3A_343 = tpu.memref_squeeze %dma_wait3A_342 : memref<1x!tpu.dma_semaphore, #tpu.memory_space<semaphore_mem>> -> memref<!tpu.dma_semaphore, #tpu.memory_space<semaphore_mem>>
          %dma_wait3A_344 = arith.constant 0 : i32
          %dma_wait3A_345 = arith.constant 0 : i32
          %dma_wait3A_346 = tpu.memref_slice %run_scoped3A[%rem3A_336, %dma_wait3A_344, %dma_wait3A_345] : memref<2x128x128xf32, #tpu.memory_space<vmem>> -> memref<1x128x128xf32, #tpu.memory_space<vmem>>
          %dma_wait3A_347 = tpu.memref_squeeze %dma_wait3A_346 : memref<1x128x128xf32, #tpu.memory_space<vmem>> -> memref<128x128xf32, #tpu.memory_space<vmem>>
          %dma_wait3A_348 = arith.constant 0 : i32
          %dma_wait3A_349 = tpu.memref_slice %arg2[%mul3A_334, %dma_wait3A_348] : memref<16384x128xf32, #tpu.memory_space<hbm>> -> memref<128x128xf32, #tpu.memory_space<hbm>>
          tpu.wait_dma2 semaphore(%dma_wait3A_343 : memref<!tpu.dma_semaphore, #tpu.memory_space<semaphore_mem>>) src(%dma_wait3A_349 : memref<128x128xf32, #tpu.memory_space<hbm>>) dst(%dma_wait3A_347 : memref<128x128xf32, #tpu.memory_space<vmem>>)
          "tpu.trace_stop"() : () -> ()
        } else {
        }
        %ne3A_253 = arith.cmpi ne, %add3A_189, %add3A_198 : i32
        %or3A_254 = arith.constant false
        %or3A_255 = arith.ori %or3A_254, %ne3A_253 : i1
        %or3A_256 = arith.ori %or3A_255, %eq3A_186 : i1
        %convert_element_type3A_257 = arith.extui %or3A_256 : i1 to i32
        %cond3A_258 = arith.constant 0 : i32
        %cond3A_259 = arith.cmpi ne, %convert_element_type3A_257, %cond3A_258 : i32
        scf.if %cond3A_259 {
          "tpu.trace_start"() <{level = 10 : i32, message = "ep_wait_in"}> : () -> ()
          %mul3A_333 = arith.constant 128 : i32
          %mul3A_334 = arith.muli %mul3A_333, %add3A_189 : i32
          %rem3A_335 = arith.constant 2 : i32
          %rem3A_336 = arith.remui %scan3A_183, %rem3A_335 : i32
          %dma_wait3A = arith.constant 0 : i32
          %dma_wait3A_337 = arith.constant 0 : i32
          %dma_wait3A_338 = tpu.memref_slice %run_scoped3A_58[%rem3A_336, %dma_wait3A, %dma_wait3A_337] : memref<2x1x128xi32, #tpu.memory_space<vmem>> -> memref<1x1x128xi32, #tpu.memory_space<vmem>>
          %dma_wait3A_339 = tpu.memref_squeeze %dma_wait3A_338 : memref<1x1x128xi32, #tpu.memory_space<vmem>> -> memref<1x128xi32, #tpu.memory_space<vmem>>
          %dma_wait3A_340 = arith.constant 0 : i32
          %dma_wait3A_341 = tpu.memref_slice %arg3[%dma_wait3A_340, %mul3A_334] : memref<1x16384xi32, #tpu.memory_space<hbm>> -> memref<1x128xi32, #tpu.memory_space<hbm>>
          %dma_wait3A_342 = tpu.memref_slice %run_scoped3A_59[%rem3A_336] : memref<2x!tpu.dma_semaphore, #tpu.memory_space<semaphore_mem>> -> memref<1x!tpu.dma_semaphore, #tpu.memory_space<semaphore_mem>>
          %dma_wait3A_343 = tpu.memref_squeeze %dma_wait3A_342 : memref<1x!tpu.dma_semaphore, #tpu.memory_space<semaphore_mem>> -> memref<!tpu.dma_semaphore, #tpu.memory_space<semaphore_mem>>
          %dma_wait3A_344 = arith.constant 0 : i32
          %dma_wait3A_345 = arith.constant 0 : i32
          %dma_wait3A_346 = tpu.memref_slice %run_scoped3A_58[%rem3A_336, %dma_wait3A_344, %dma_wait3A_345] : memref<2x1x128xi32, #tpu.memory_space<vmem>> -> memref<1x1x128xi32, #tpu.memory_space<vmem>>
          %dma_wait3A_347 = tpu.memref_squeeze %dma_wait3A_346 : memref<1x1x128xi32, #tpu.memory_space<vmem>> -> memref<1x128xi32, #tpu.memory_space<vmem>>
          %dma_wait3A_348 = arith.constant 0 : i32
          %dma_wait3A_349 = tpu.memref_slice %arg3[%dma_wait3A_348, %mul3A_334] : memref<1x16384xi32, #tpu.memory_space<hbm>> -> memref<1x128xi32, #tpu.memory_space<hbm>>
          tpu.wait_dma2 semaphore(%dma_wait3A_343 : memref<!tpu.dma_semaphore, #tpu.memory_space<semaphore_mem>>) src(%dma_wait3A_349 : memref<1x128xi32, #tpu.memory_space<hbm>>) dst(%dma_wait3A_347 : memref<1x128xi32, #tpu.memory_space<vmem>>)
          "tpu.trace_stop"() : () -> ()
        } else {
        }
        %rem3A_260 = arith.constant 2 : i32
        %rem3A_261 = arith.remui %scan3A_181, %rem3A_260 : i32
        %rem3A_262 = arith.constant 2 : i32
        %rem3A_263 = arith.remui %scan3A_183, %rem3A_262 : i32
        %run_scoped3A_264 = arith.constant 0 : i32
        "tpu.trace_start"() <{level = 10 : i32, message = "ep_run_kernel"}> : () -> ()
        "tpu.region"() ({
          %run_scoped3A_333 = tpu.sem_alloc : memref<!tpu.dma_semaphore, #tpu.memory_space<semaphore_mem>>
          %dma_start3A_334 = arith.constant 0 : i32
          %dma_start3A_335 = arith.constant 0 : i32
          %dma_start3A_336 = tpu.memref_slice %run_scoped3A[%rem3A_261, %dma_start3A_334, %dma_start3A_335] : memref<2x128x128xf32, #tpu.memory_space<vmem>> -> memref<1x128x128xf32, #tpu.memory_space<vmem>>
          %dma_start3A_337 = tpu.memref_squeeze %dma_start3A_336 : memref<1x128x128xf32, #tpu.memory_space<vmem>> -> memref<128x128xf32, #tpu.memory_space<vmem>>
          %dma_start3A_338 = arith.constant 0 : i32
          %dma_start3A_339 = arith.constant 0 : i32
          %dma_start3A_340 = tpu.memref_slice %run_scoped3A_58[%rem3A_263, %dma_start3A_338, %dma_start3A_339] : memref<2x1x128xi32, #tpu.memory_space<vmem>> -> memref<1x1x128xi32, #tpu.memory_space<vmem>>
          %dma_start3A_341 = tpu.memref_squeeze %dma_start3A_340 : memref<1x1x128xi32, #tpu.memory_space<vmem>> -> memref<1x128xi32, #tpu.memory_space<vmem>>
          %dma_start3A_342 = arith.constant 0 : i32
          %dma_start3A_343 = tpu.memref_slice %dma_start3A_341[%run_scoped3A_264, %dma_start3A_342] : memref<1x128xi32, #tpu.memory_space<vmem>> -> memref<1x128xi32, #tpu.memory_space<vmem>>
          %dma_start3A_344 = tpu.memref_squeeze %dma_start3A_343 : memref<1x128xi32, #tpu.memory_space<vmem>> -> memref<128xi32, #tpu.memory_space<vmem>>
          %dma_start3A_345 = arith.constant 0 : i32
          %dma_start3A_346 = arith.constant 0 : i32
          %dma_start3A_347 = tpu.memref_slice %arg9[%dma_start3A_345, %dma_start3A_346] : memref<40960x128xf32, #tpu.memory_space<hbm>> -> memref<40960x128xf32, #tpu.memory_space<hbm>>
          tpu.enqueue_indirect_dma source(%dma_start3A_337 : memref<128x128xf32, #tpu.memory_space<vmem>>) target(%dma_start3A_347 : memref<40960x128xf32, #tpu.memory_space<hbm>>) offsets(%dma_start3A_344 : memref<128xi32, #tpu.memory_space<vmem>>) semaphore(%run_scoped3A_333 : memref<!tpu.dma_semaphore, #tpu.memory_space<semaphore_mem>>)
          %dma_wait3A = arith.constant 0 : i32
          %dma_wait3A_348 = arith.constant 0 : i32
          %dma_wait3A_349 = tpu.memref_slice %run_scoped3A[%rem3A_261, %dma_wait3A, %dma_wait3A_348] : memref<2x128x128xf32, #tpu.memory_space<vmem>> -> memref<1x128x128xf32, #tpu.memory_space<vmem>>
          %dma_wait3A_350 = tpu.memref_squeeze %dma_wait3A_349 : memref<1x128x128xf32, #tpu.memory_space<vmem>> -> memref<128x128xf32, #tpu.memory_space<vmem>>
          %dma_wait3A_351 = arith.constant 0 : i32
          %dma_wait3A_352 = arith.constant 0 : i32
          %dma_wait3A_353 = tpu.memref_slice %run_scoped3A_58[%rem3A_263, %dma_wait3A_351, %dma_wait3A_352] : memref<2x1x128xi32, #tpu.memory_space<vmem>> -> memref<1x1x128xi32, #tpu.memory_space<vmem>>
          %dma_wait3A_354 = tpu.memref_squeeze %dma_wait3A_353 : memref<1x1x128xi32, #tpu.memory_space<vmem>> -> memref<1x128xi32, #tpu.memory_space<vmem>>
          %dma_wait3A_355 = arith.constant 0 : i32
          %dma_wait3A_356 = tpu.memref_slice %dma_wait3A_354[%run_scoped3A_264, %dma_wait3A_355] : memref<1x128xi32, #tpu.memory_space<vmem>> -> memref<1x128xi32, #tpu.memory_space<vmem>>
          %dma_wait3A_357 = tpu.memref_squeeze %dma_wait3A_356 : memref<1x128xi32, #tpu.memory_space<vmem>> -> memref<128xi32, #tpu.memory_space<vmem>>
          %dma_wait3A_358 = arith.constant 0 : i32
          %dma_wait3A_359 = arith.constant 0 : i32
          %dma_wait3A_360 = tpu.memref_slice %arg9[%dma_wait3A_358, %dma_wait3A_359] : memref<40960x128xf32, #tpu.memory_space<hbm>> -> memref<40960x128xf32, #tpu.memory_space<hbm>>
          tpu.wait_indirect_dma semaphore(%run_scoped3A_333 : memref<!tpu.dma_semaphore, #tpu.memory_space<semaphore_mem>>) src(%dma_wait3A_350 : memref<128x128xf32, #tpu.memory_space<vmem>>) dst(%dma_wait3A_360 : memref<40960x128xf32, #tpu.memory_space<hbm>>)
          tpu.yield
        }) : () -> ()
        "tpu.trace_stop"() : () -> ()
        %ne3A_265 = arith.cmpi ne, %add3A_189, %add3A_207 : i32
        %or3A_266 = arith.constant false
        %or3A_267 = arith.ori %or3A_266, %ne3A_265 : i1
        %or3A_268 = arith.constant false
        %or3A_269 = arith.ori %or3A_267, %or3A_268 : i1
        %or3A_270 = arith.ori %or3A_269, %eq3A_188 : i1
        %convert_element_type3A_271 = arith.extui %or3A_270 : i1 to i32
        %cond3A_272 = arith.constant 0 : i32
        %cond3A_273 = arith.cmpi ne, %convert_element_type3A_271, %cond3A_272 : i32
        scf.if %cond3A_273 {
        } else {
        }
        %and3A_274 = arith.constant false
        %and3A_275 = arith.andi %or3A_270, %and3A_274 : i1
        %ne3A_276 = arith.cmpi ne, %add3A_189, %add3A_207 : i32
        %or3A_277 = arith.constant false
        %or3A_278 = arith.ori %or3A_277, %ne3A_276 : i1
        %or3A_279 = arith.ori %or3A_278, %eq3A_188 : i1
        %convert_element_type3A_280 = arith.extui %or3A_279 : i1 to i32
        %cond3A_281 = arith.constant 0 : i32
        %cond3A_282 = arith.cmpi ne, %convert_element_type3A_280, %cond3A_281 : i32
        scf.if %cond3A_282 {
        } else {
        }
        %and3A_283 = arith.constant false
        %and3A_284 = arith.andi %or3A_279, %and3A_283 : i1
        %ne3A_285 = arith.cmpi ne, %add3A_189, %add3A_198 : i32
        %or3A_286 = arith.constant false
        %or3A_287 = arith.ori %or3A_286, %ne3A_285 : i1
        %or3A_288 = arith.constant false
        %or3A_289 = arith.ori %or3A_287, %or3A_288 : i1
        %not3A_290 = arith.constant true
        %not3A_291 = arith.xori %eq3A_186, %not3A_290 : i1
        %and3A_292 = arith.andi %or3A_289, %not3A_291 : i1
        %convert_element_type3A_293 = arith.extui %and3A_292 : i1 to i32
        %cond3A_294 = arith.constant 0 : i32
        %cond3A_295 = arith.cmpi ne, %convert_element_type3A_293, %cond3A_294 : i32
        scf.if %cond3A_295 {
        } else {
        }
        %and3A_296 = arith.constant false
        %and3A_297 = arith.andi %and3A_292, %and3A_296 : i1
        %ne3A_298 = arith.cmpi ne, %add3A_189, %add3A_198 : i32
        %or3A_299 = arith.constant false
        %or3A_300 = arith.ori %or3A_299, %ne3A_298 : i1
        %not3A_301 = arith.constant true
        %not3A_302 = arith.xori %eq3A_186, %not3A_301 : i1
        %and3A_303 = arith.andi %or3A_300, %not3A_302 : i1
        %convert_element_type3A_304 = arith.extui %and3A_303 : i1 to i32
        %cond3A_305 = arith.constant 0 : i32
        %cond3A_306 = arith.cmpi ne, %convert_element_type3A_304, %cond3A_305 : i32
        scf.if %cond3A_306 {
        } else {
        }
        %and3A_307 = arith.constant false
        %and3A_308 = arith.andi %and3A_303, %and3A_307 : i1
        %ne3A_309 = arith.cmpi ne, %add3A_189, %add3A_207 : i32
        %or3A_310 = arith.constant false
        %or3A_311 = arith.ori %or3A_310, %ne3A_309 : i1
        %or3A_312 = arith.constant false
        %or3A_313 = arith.ori %or3A_311, %or3A_312 : i1
        %or3A_314 = arith.ori %or3A_313, %eq3A_188 : i1
        %add3A_315 = arith.constant 1 : i32
        %add3A_316 = arith.addi %scan3A_181, %add3A_315 : i32
        %select_n3A_317 = arith.select %or3A_314, %add3A_316, %scan3A_181 : i32
        %ne3A_318 = arith.cmpi ne, %add3A_189, %add3A_207 : i32
        %or3A_319 = arith.constant false
        %or3A_320 = arith.ori %or3A_319, %ne3A_318 : i1
        %or3A_321 = arith.ori %or3A_320, %eq3A_188 : i1
        %add3A_322 = arith.constant 1 : i32
        %add3A_323 = arith.addi %scan3A_183, %add3A_322 : i32
        %select_n3A_324 = arith.select %or3A_321, %add3A_323, %scan3A_183 : i32
        %add3A_325 = arith.constant 1 : i32
        %add3A_326 = arith.addi %scan3A_184, %add3A_325 : i32
        %select_n3A_327 = arith.constant true
        %select_n3A_328 = arith.select %select_n3A_327, %add3A_326, %scan3A_184 : i32
        %eq3A_329 = arith.constant 4 : i32
        %eq3A_330 = arith.cmpi eq, %select_n3A_328, %eq3A_329 : i32
        %select_n3A_331 = arith.constant 0 : i32
        %select_n3A_332 = arith.select %eq3A_330, %select_n3A_331, %select_n3A_328 : i32
        scf.yield %select_n3A_227, %select_n3A_317, %select_n3A_243, %select_n3A_324, %select_n3A_332 : i32, i32, i32, i32, i32
      }
      %scan3A_143 = arith.constant 4 : i32
      %sub3A = arith.constant 1 : i32
      %sub3A_144 = arith.subi %scan3A_142#4, %sub3A : i32
      %select_n3A_145 = arith.constant true
      %select_n3A_146 = arith.select %select_n3A_145, %sub3A_144, %scan3A_142#4 : i32
      %eq3A_147 = arith.constant -1 : i32
      %eq3A_148 = arith.cmpi eq, %select_n3A_146, %eq3A_147 : i32
      %select_n3A_149 = arith.constant 3 : i32
      %select_n3A_150 = arith.select %eq3A_148, %select_n3A_149, %select_n3A_146 : i32
      %add3A_151 = arith.addi %select_n3A_150, %mul3A_6 : i32
      %sub3A_152 = arith.constant 1 : i32
      %sub3A_153 = arith.subi %select_n3A_150, %sub3A_152 : i32
      %select_n3A_154 = arith.constant true
      %select_n3A_155 = arith.select %select_n3A_154, %sub3A_153, %select_n3A_150 : i32
      %eq3A_156 = arith.constant -1 : i32
      %eq3A_157 = arith.cmpi eq, %select_n3A_155, %eq3A_156 : i32
      %select_n3A_158 = arith.constant 3 : i32
      %select_n3A_159 = arith.select %eq3A_157, %select_n3A_158, %select_n3A_155 : i32
      %add3A_160 = arith.addi %select_n3A_159, %mul3A_6 : i32
      %add3A_161 = arith.constant 1 : i32
      %add3A_162 = arith.addi %select_n3A_150, %add3A_161 : i32
      %select_n3A_163 = arith.constant true
      %select_n3A_164 = arith.select %select_n3A_163, %add3A_162, %select_n3A_150 : i32
      %eq3A_165 = arith.constant 4 : i32
      %eq3A_166 = arith.cmpi eq, %select_n3A_164, %eq3A_165 : i32
      %select_n3A_167 = arith.constant 0 : i32
      %select_n3A_168 = arith.select %eq3A_166, %select_n3A_167, %select_n3A_164 : i32
      %add3A_169 = arith.addi %select_n3A_168, %mul3A_6 : i32
      %add3A_170 = arith.constant 1 : i32
      %add3A_171 = arith.addi %select_n3A_168, %add3A_170 : i32
      %select_n3A_172 = arith.constant true
      %select_n3A_173 = arith.select %select_n3A_172, %add3A_171, %select_n3A_168 : i32
      %eq3A_174 = arith.constant 4 : i32
      %eq3A_175 = arith.cmpi eq, %select_n3A_173, %eq3A_174 : i32
      %select_n3A_176 = arith.constant 0 : i32
      %select_n3A_177 = arith.select %eq3A_175, %select_n3A_176, %select_n3A_173 : i32
      %add3A_178 = arith.addi %select_n3A_177, %mul3A_6 : i32
      tpu.yield
    }) : () -> ()
    %mul3A_7 = arith.constant 1 : i32
    %mul3A_8 = arith.muli %arg1, %mul3A_7 : i32
    %add3A_9 = arith.constant 0 : i32
    %add3A_10 = arith.addi %add3A_9, %mul3A_8 : i32
    %mul3A_11 = arith.constant 16 : i32
    %mul3A_12 = arith.muli %arg0, %mul3A_11 : i32
    %add3A_13 = arith.addi %add3A_10, %mul3A_12 : i32
    %mul3A_14 = arith.constant 4 : i32
    %mul3A_15 = arith.muli %add3A_13, %mul3A_14 : i32
    "tpu.region"() ({
      %run_scoped3A = memref.alloca() : memref<2x128x128xf32, #tpu.memory_space<vmem>>
      %run_scoped3A_57 = tpu.sem_alloc : memref<2x!tpu.dma_semaphore, #tpu.memory_space<semaphore_mem>>
      %run_scoped3A_58 = memref.alloca() : memref<2x1x128xi32, #tpu.memory_space<vmem>>
      %run_scoped3A_59 = tpu.sem_alloc : memref<2x!tpu.dma_semaphore, #tpu.memory_space<semaphore_mem>>
      %add3A_60 = arith.constant 0 : i32
      %add3A_61 = arith.addi %add3A_60, %mul3A_15 : i32
      %select_n3A_62 = arith.constant true
      %select_n3A_63 = arith.constant 0 : i32
      %select_n3A_64 = arith.constant -1 : i32
      %select_n3A_65 = arith.select %select_n3A_62, %select_n3A_64, %select_n3A_63 : i32
      %eq3A = arith.constant -1 : i32
      %eq3A_66 = arith.cmpi eq, %select_n3A_65, %eq3A : i32
      %select_n3A_67 = arith.constant 3 : i32
      %select_n3A_68 = arith.select %eq3A_66, %select_n3A_67, %select_n3A_65 : i32
      %add3A_69 = arith.addi %select_n3A_68, %mul3A_15 : i32
      %select_n3A_70 = arith.constant true
      %select_n3A_71 = arith.constant 0 : i32
      %select_n3A_72 = arith.constant 1 : i32
      %select_n3A_73 = arith.select %select_n3A_70, %select_n3A_72, %select_n3A_71 : i32
      %eq3A_74 = arith.constant 4 : i32
      %eq3A_75 = arith.cmpi eq, %select_n3A_73, %eq3A_74 : i32
      %select_n3A_76 = arith.constant 0 : i32
      %select_n3A_77 = arith.select %eq3A_75, %select_n3A_76, %select_n3A_73 : i32
      %add3A_78 = arith.addi %select_n3A_77, %mul3A_15 : i32
      %add3A_79 = arith.constant 1 : i32
      %add3A_80 = arith.addi %select_n3A_77, %add3A_79 : i32
      %select_n3A_81 = arith.constant true
      %select_n3A_82 = arith.select %select_n3A_81, %add3A_80, %select_n3A_77 : i32
      %eq3A_83 = arith.constant 4 : i32
      %eq3A_84 = arith.cmpi eq, %select_n3A_82, %eq3A_83 : i32
      %select_n3A_85 = arith.constant 0 : i32
      %select_n3A_86 = arith.select %eq3A_84, %select_n3A_85, %select_n3A_82 : i32
      %add3A_87 = arith.addi %select_n3A_86, %mul3A_15 : i32
      "tpu.trace_start"() <{level = 10 : i32, message = "ep_initialize_0"}> : () -> ()
      %rem3A = arith.constant 0 : i32
      %rem3A_88 = arith.constant 2 : i32
      %rem3A_89 = arith.remui %rem3A, %rem3A_88 : i32
      %mul3A_90 = arith.constant 128 : i32
      %mul3A_91 = arith.muli %mul3A_90, %add3A_61 : i32
      %dma_start3A = arith.constant 0 : i32
      %dma_start3A_92 = arith.constant 0 : i32
      %dma_start3A_93 = tpu.memref_slice %run_scoped3A[%rem3A_89, %dma_start3A, %dma_start3A_92] : memref<2x128x128xf32, #tpu.memory_space<vmem>> -> memref<1x128x128xf32, #tpu.memory_space<vmem>>
      %dma_start3A_94 = tpu.memref_squeeze %dma_start3A_93 : memref<1x128x128xf32, #tpu.memory_space<vmem>> -> memref<128x128xf32, #tpu.memory_space<vmem>>
      %dma_start3A_95 = arith.constant 0 : i32
      %dma_start3A_96 = tpu.memref_slice %arg2[%mul3A_91, %dma_start3A_95] : memref<16384x128xf32, #tpu.memory_space<hbm>> -> memref<128x128xf32, #tpu.memory_space<hbm>>
      %dma_start3A_97 = tpu.memref_slice %run_scoped3A_57[%rem3A_89] : memref<2x!tpu.dma_semaphore, #tpu.memory_space<semaphore_mem>> -> memref<1x!tpu.dma_semaphore, #tpu.memory_space<semaphore_mem>>
      %dma_start3A_98 = tpu.memref_squeeze %dma_start3A_97 : memref<1x!tpu.dma_semaphore, #tpu.memory_space<semaphore_mem>> -> memref<!tpu.dma_semaphore, #tpu.memory_space<semaphore_mem>>
      %dma_start3A_99 = arith.constant 0 : i32
      %dma_start3A_100 = arith.constant 0 : i32
      %dma_start3A_101 = tpu.memref_slice %run_scoped3A[%rem3A_89, %dma_start3A_99, %dma_start3A_100] : memref<2x128x128xf32, #tpu.memory_space<vmem>> -> memref<1x128x128xf32, #tpu.memory_space<vmem>>
      %dma_start3A_102 = tpu.memref_squeeze %dma_start3A_101 : memref<1x128x128xf32, #tpu.memory_space<vmem>> -> memref<128x128xf32, #tpu.memory_space<vmem>>
      %dma_start3A_103 = arith.constant 0 : i32
      %dma_start3A_104 = tpu.memref_slice %arg2[%mul3A_91, %dma_start3A_103] : memref<16384x128xf32, #tpu.memory_space<hbm>> -> memref<128x128xf32, #tpu.memory_space<hbm>>
      tpu.enqueue_dma source(%dma_start3A_104 : memref<128x128xf32, #tpu.memory_space<hbm>>) target(%dma_start3A_102 : memref<128x128xf32, #tpu.memory_space<vmem>>) target_semaphore(%dma_start3A_98 : memref<!tpu.dma_semaphore, #tpu.memory_space<semaphore_mem>>)
      %add3A_105 = arith.constant 0 : i32
      %add3A_106 = arith.constant 1 : i32
      %add3A_107 = arith.addi %add3A_105, %add3A_106 : i32
      %select_n3A_108 = arith.constant true
      %select_n3A_109 = arith.constant 0 : i32
      %select_n3A_110 = arith.select %select_n3A_108, %add3A_107, %select_n3A_109 : i32
      %rem3A_111 = arith.constant 0 : i32
      %rem3A_112 = arith.constant 2 : i32
      %rem3A_113 = arith.remui %rem3A_111, %rem3A_112 : i32
      %mul3A_114 = arith.constant 128 : i32
      %mul3A_115 = arith.muli %mul3A_114, %add3A_61 : i32
      %dma_start3A_116 = arith.constant 0 : i32
      %dma_start3A_117 = arith.constant 0 : i32
      %dma_start3A_118 = tpu.memref_slice %run_scoped3A_58[%rem3A_113, %dma_start3A_116, %dma_start3A_117] : memref<2x1x128xi32, #tpu.memory_space<vmem>> -> memref<1x1x128xi32, #tpu.memory_space<vmem>>
      %dma_start3A_119 = tpu.memref_squeeze %dma_start3A_118 : memref<1x1x128xi32, #tpu.memory_space<vmem>> -> memref<1x128xi32, #tpu.memory_space<vmem>>
      %dma_start3A_120 = arith.constant 0 : i32
      %dma_start3A_121 = tpu.memref_slice %arg4[%dma_start3A_120, %mul3A_115] : memref<1x16384xi32, #tpu.memory_space<hbm>> -> memref<1x128xi32, #tpu.memory_space<hbm>>
      %dma_start3A_122 = tpu.memref_slice %run_scoped3A_59[%rem3A_113] : memref<2x!tpu.dma_semaphore, #tpu.memory_space<semaphore_mem>> -> memref<1x!tpu.dma_semaphore, #tpu.memory_space<semaphore_mem>>
      %dma_start3A_123 = tpu.memref_squeeze %dma_start3A_122 : memref<1x!tpu.dma_semaphore, #tpu.memory_space<semaphore_mem>> -> memref<!tpu.dma_semaphore, #tpu.memory_space<semaphore_mem>>
      %dma_start3A_124 = arith.constant 0 : i32
      %dma_start3A_125 = arith.constant 0 : i32
      %dma_start3A_126 = tpu.memref_slice %run_scoped3A_58[%rem3A_113, %dma_start3A_124, %dma_start3A_125] : memref<2x1x128xi32, #tpu.memory_space<vmem>> -> memref<1x1x128xi32, #tpu.memory_space<vmem>>
      %dma_start3A_127 = tpu.memref_squeeze %dma_start3A_126 : memref<1x1x128xi32, #tpu.memory_space<vmem>> -> memref<1x128xi32, #tpu.memory_space<vmem>>
      %dma_start3A_128 = arith.constant 0 : i32
      %dma_start3A_129 = tpu.memref_slice %arg4[%dma_start3A_128, %mul3A_115] : memref<1x16384xi32, #tpu.memory_space<hbm>> -> memref<1x128xi32, #tpu.memory_space<hbm>>
      tpu.enqueue_dma source(%dma_start3A_129 : memref<1x128xi32, #tpu.memory_space<hbm>>) target(%dma_start3A_127 : memref<1x128xi32, #tpu.memory_space<vmem>>) target_semaphore(%dma_start3A_123 : memref<!tpu.dma_semaphore, #tpu.memory_space<semaphore_mem>>)
      %add3A_130 = arith.constant 0 : i32
      %add3A_131 = arith.constant 1 : i32
      %add3A_132 = arith.addi %add3A_130, %add3A_131 : i32
      %select_n3A_133 = arith.constant true
      %select_n3A_134 = arith.constant 0 : i32
      %select_n3A_135 = arith.select %select_n3A_133, %add3A_132, %select_n3A_134 : i32
      "tpu.trace_stop"() : () -> ()
      %scan3A = arith.constant 0 : i32
      %scan3A_136 = arith.constant 0 : i32
      %scan3A_137 = arith.constant 0 : i32
      %scan3A_138 = arith.constant 0 : i32
      %scan3A_139 = arith.constant 4 : i32
      %scan3A_140 = arith.addi %scan3A_138, %scan3A_139 : i32
      %scan3A_141 = arith.constant 1 : i32
      %scan3A_142:5 = scf.for %scan3A_179 = %scan3A_138 to %scan3A_140 step %scan3A_141 iter_args(%scan3A_180 = %select_n3A_110, %scan3A_181 = %scan3A, %scan3A_182 = %select_n3A_135, %scan3A_183 = %scan3A_136, %scan3A_184 = %scan3A_137) -> (i32, i32, i32, i32, i32)  : i32 {
        %eq3A_185 = arith.constant 0 : i32
        %eq3A_186 = arith.cmpi eq, %scan3A_179, %eq3A_185 : i32
        %eq3A_187 = arith.constant 3 : i32
        %eq3A_188 = arith.cmpi eq, %scan3A_179, %eq3A_187 : i32
        %add3A_189 = arith.addi %scan3A_184, %mul3A_15 : i32
        %sub3A_190 = arith.constant 1 : i32
        %sub3A_191 = arith.subi %scan3A_184, %sub3A_190 : i32
        %select_n3A_192 = arith.constant true
        %select_n3A_193 = arith.select %select_n3A_192, %sub3A_191, %scan3A_184 : i32
        %eq3A_194 = arith.constant -1 : i32
        %eq3A_195 = arith.cmpi eq, %select_n3A_193, %eq3A_194 : i32
        %select_n3A_196 = arith.constant 3 : i32
        %select_n3A_197 = arith.select %eq3A_195, %select_n3A_196, %select_n3A_193 : i32
        %add3A_198 = arith.addi %select_n3A_197, %mul3A_15 : i32
        %add3A_199 = arith.constant 1 : i32
        %add3A_200 = arith.addi %scan3A_184, %add3A_199 : i32
        %select_n3A_201 = arith.constant true
        %select_n3A_202 = arith.select %select_n3A_201, %add3A_200, %scan3A_184 : i32
        %eq3A_203 = arith.constant 4 : i32
        %eq3A_204 = arith.cmpi eq, %select_n3A_202, %eq3A_203 : i32
        %select_n3A_205 = arith.constant 0 : i32
        %select_n3A_206 = arith.select %eq3A_204, %select_n3A_205, %select_n3A_202 : i32
        %add3A_207 = arith.addi %select_n3A_206, %mul3A_15 : i32
        %add3A_208 = arith.constant 1 : i32
        %add3A_209 = arith.addi %select_n3A_206, %add3A_208 : i32
        %select_n3A_210 = arith.constant true
        %select_n3A_211 = arith.select %select_n3A_210, %add3A_209, %select_n3A_206 : i32
        %eq3A_212 = arith.constant 4 : i32
        %eq3A_213 = arith.cmpi eq, %select_n3A_211, %eq3A_212 : i32
        %select_n3A_214 = arith.constant 0 : i32
        %select_n3A_215 = arith.select %eq3A_213, %select_n3A_214, %select_n3A_211 : i32
        %add3A_216 = arith.addi %select_n3A_215, %mul3A_15 : i32
        %ne3A = arith.cmpi ne, %add3A_189, %add3A_207 : i32
        %or3A = arith.constant false
        %or3A_217 = arith.ori %or3A, %ne3A : i1
        %or3A_218 = arith.constant false
        %or3A_219 = arith.ori %or3A_217, %or3A_218 : i1
        %ge3A = arith.constant 3 : i32
        %ge3A_220 = arith.cmpi sge, %scan3A_179, %ge3A : i32
        %not3A = arith.constant true
        %not3A_221 = arith.xori %ge3A_220, %not3A : i1
        %and3A = arith.andi %or3A_219, %not3A_221 : i1
        %convert_element_type3A = arith.extui %and3A : i1 to i32
        %cond3A = arith.constant 0 : i32
        %cond3A_222 = arith.cmpi ne, %convert_element_type3A, %cond3A : i32
        scf.if %cond3A_222 {
          "tpu.trace_start"() <{level = 10 : i32, message = "ep_copy_in"}> : () -> ()
          %rem3A_333 = arith.constant 2 : i32
          %rem3A_334 = arith.remui %scan3A_180, %rem3A_333 : i32
          %mul3A_335 = arith.constant 128 : i32
          %mul3A_336 = arith.muli %mul3A_335, %add3A_207 : i32
          %dma_start3A_337 = arith.constant 0 : i32
          %dma_start3A_338 = arith.constant 0 : i32
          %dma_start3A_339 = tpu.memref_slice %run_scoped3A[%rem3A_334, %dma_start3A_337, %dma_start3A_338] : memref<2x128x128xf32, #tpu.memory_space<vmem>> -> memref<1x128x128xf32, #tpu.memory_space<vmem>>
          %dma_start3A_340 = tpu.memref_squeeze %dma_start3A_339 : memref<1x128x128xf32, #tpu.memory_space<vmem>> -> memref<128x128xf32, #tpu.memory_space<vmem>>
          %dma_start3A_341 = arith.constant 0 : i32
          %dma_start3A_342 = tpu.memref_slice %arg2[%mul3A_336, %dma_start3A_341] : memref<16384x128xf32, #tpu.memory_space<hbm>> -> memref<128x128xf32, #tpu.memory_space<hbm>>
          %dma_start3A_343 = tpu.memref_slice %run_scoped3A_57[%rem3A_334] : memref<2x!tpu.dma_semaphore, #tpu.memory_space<semaphore_mem>> -> memref<1x!tpu.dma_semaphore, #tpu.memory_space<semaphore_mem>>
          %dma_start3A_344 = tpu.memref_squeeze %dma_start3A_343 : memref<1x!tpu.dma_semaphore, #tpu.memory_space<semaphore_mem>> -> memref<!tpu.dma_semaphore, #tpu.memory_space<semaphore_mem>>
          %dma_start3A_345 = arith.constant 0 : i32
          %dma_start3A_346 = arith.constant 0 : i32
          %dma_start3A_347 = tpu.memref_slice %run_scoped3A[%rem3A_334, %dma_start3A_345, %dma_start3A_346] : memref<2x128x128xf32, #tpu.memory_space<vmem>> -> memref<1x128x128xf32, #tpu.memory_space<vmem>>
          %dma_start3A_348 = tpu.memref_squeeze %dma_start3A_347 : memref<1x128x128xf32, #tpu.memory_space<vmem>> -> memref<128x128xf32, #tpu.memory_space<vmem>>
          %dma_start3A_349 = arith.constant 0 : i32
          %dma_start3A_350 = tpu.memref_slice %arg2[%mul3A_336, %dma_start3A_349] : memref<16384x128xf32, #tpu.memory_space<hbm>> -> memref<128x128xf32, #tpu.memory_space<hbm>>
          tpu.enqueue_dma source(%dma_start3A_350 : memref<128x128xf32, #tpu.memory_space<hbm>>) target(%dma_start3A_348 : memref<128x128xf32, #tpu.memory_space<vmem>>) target_semaphore(%dma_start3A_344 : memref<!tpu.dma_semaphore, #tpu.memory_space<semaphore_mem>>)
          "tpu.trace_stop"() : () -> ()
        } else {
        }
        %and3A_223 = arith.constant true
        %and3A_224 = arith.andi %and3A, %and3A_223 : i1
        %add3A_225 = arith.constant 1 : i32
        %add3A_226 = arith.addi %scan3A_180, %add3A_225 : i32
        %select_n3A_227 = arith.select %and3A_224, %add3A_226, %scan3A_180 : i32
        %ne3A_228 = arith.cmpi ne, %add3A_189, %add3A_207 : i32
        %or3A_229 = arith.constant false
        %or3A_230 = arith.ori %or3A_229, %ne3A_228 : i1
        %ge3A_231 = arith.constant 3 : i32
        %ge3A_232 = arith.cmpi sge, %scan3A_179, %ge3A_231 : i32
        %not3A_233 = arith.constant true
        %not3A_234 = arith.xori %ge3A_232, %not3A_233 : i1
        %and3A_235 = arith.andi %or3A_230, %not3A_234 : i1
        %convert_element_type3A_236 = arith.extui %and3A_235 : i1 to i32
        %cond3A_237 = arith.constant 0 : i32
        %cond3A_238 = arith.cmpi ne, %convert_element_type3A_236, %cond3A_237 : i32
        scf.if %cond3A_238 {
          "tpu.trace_start"() <{level = 10 : i32, message = "ep_copy_in"}> : () -> ()
          %rem3A_333 = arith.constant 2 : i32
          %rem3A_334 = arith.remui %scan3A_182, %rem3A_333 : i32
          %mul3A_335 = arith.constant 128 : i32
          %mul3A_336 = arith.muli %mul3A_335, %add3A_207 : i32
          %dma_start3A_337 = arith.constant 0 : i32
          %dma_start3A_338 = arith.constant 0 : i32
          %dma_start3A_339 = tpu.memref_slice %run_scoped3A_58[%rem3A_334, %dma_start3A_337, %dma_start3A_338] : memref<2x1x128xi32, #tpu.memory_space<vmem>> -> memref<1x1x128xi32, #tpu.memory_space<vmem>>
          %dma_start3A_340 = tpu.memref_squeeze %dma_start3A_339 : memref<1x1x128xi32, #tpu.memory_space<vmem>> -> memref<1x128xi32, #tpu.memory_space<vmem>>
          %dma_start3A_341 = arith.constant 0 : i32
          %dma_start3A_342 = tpu.memref_slice %arg4[%dma_start3A_341, %mul3A_336] : memref<1x16384xi32, #tpu.memory_space<hbm>> -> memref<1x128xi32, #tpu.memory_space<hbm>>
          %dma_start3A_343 = tpu.memref_slice %run_scoped3A_59[%rem3A_334] : memref<2x!tpu.dma_semaphore, #tpu.memory_space<semaphore_mem>> -> memref<1x!tpu.dma_semaphore, #tpu.memory_space<semaphore_mem>>
          %dma_start3A_344 = tpu.memref_squeeze %dma_start3A_343 : memref<1x!tpu.dma_semaphore, #tpu.memory_space<semaphore_mem>> -> memref<!tpu.dma_semaphore, #tpu.memory_space<semaphore_mem>>
          %dma_start3A_345 = arith.constant 0 : i32
          %dma_start3A_346 = arith.constant 0 : i32
          %dma_start3A_347 = tpu.memref_slice %run_scoped3A_58[%rem3A_334, %dma_start3A_345, %dma_start3A_346] : memref<2x1x128xi32, #tpu.memory_space<vmem>> -> memref<1x1x128xi32, #tpu.memory_space<vmem>>
          %dma_start3A_348 = tpu.memref_squeeze %dma_start3A_347 : memref<1x1x128xi32, #tpu.memory_space<vmem>> -> memref<1x128xi32, #tpu.memory_space<vmem>>
          %dma_start3A_349 = arith.constant 0 : i32
          %dma_start3A_350 = tpu.memref_slice %arg4[%dma_start3A_349, %mul3A_336] : memref<1x16384xi32, #tpu.memory_space<hbm>> -> memref<1x128xi32, #tpu.memory_space<hbm>>
          tpu.enqueue_dma source(%dma_start3A_350 : memref<1x128xi32, #tpu.memory_space<hbm>>) target(%dma_start3A_348 : memref<1x128xi32, #tpu.memory_space<vmem>>) target_semaphore(%dma_start3A_344 : memref<!tpu.dma_semaphore, #tpu.memory_space<semaphore_mem>>)
          "tpu.trace_stop"() : () -> ()
        } else {
        }
        %and3A_239 = arith.constant true
        %and3A_240 = arith.andi %and3A_235, %and3A_239 : i1
        %add3A_241 = arith.constant 1 : i32
        %add3A_242 = arith.addi %scan3A_182, %add3A_241 : i32
        %select_n3A_243 = arith.select %and3A_240, %add3A_242, %scan3A_182 : i32
        %ne3A_244 = arith.cmpi ne, %add3A_189, %add3A_198 : i32
        %or3A_245 = arith.constant false
        %or3A_246 = arith.ori %or3A_245, %ne3A_244 : i1
        %or3A_247 = arith.constant false
        %or3A_248 = arith.ori %or3A_246, %or3A_247 : i1
        %or3A_249 = arith.ori %or3A_248, %eq3A_186 : i1
        %convert_element_type3A_250 = arith.extui %or3A_249 : i1 to i32
        %cond3A_251 = arith.constant 0 : i32
        %cond3A_252 = arith.cmpi ne, %convert_element_type3A_250, %cond3A_251 : i32
        scf.if %cond3A_252 {
          "tpu.trace_start"() <{level = 10 : i32, message = "ep_wait_in"}> : () -> ()
          %mul3A_333 = arith.constant 128 : i32
          %mul3A_334 = arith.muli %mul3A_333, %add3A_189 : i32
          %rem3A_335 = arith.constant 2 : i32
          %rem3A_336 = arith.remui %scan3A_181, %rem3A_335 : i32
          %dma_wait3A = arith.constant 0 : i32
          %dma_wait3A_337 = arith.constant 0 : i32
          %dma_wait3A_338 = tpu.memref_slice %run_scoped3A[%rem3A_336, %dma_wait3A, %dma_wait3A_337] : memref<2x128x128xf32, #tpu.memory_space<vmem>> -> memref<1x128x128xf32, #tpu.memory_space<vmem>>
          %dma_wait3A_339 = tpu.memref_squeeze %dma_wait3A_338 : memref<1x128x128xf32, #tpu.memory_space<vmem>> -> memref<128x128xf32, #tpu.memory_space<vmem>>
          %dma_wait3A_340 = arith.constant 0 : i32
          %dma_wait3A_341 = tpu.memref_slice %arg2[%mul3A_334, %dma_wait3A_340] : memref<16384x128xf32, #tpu.memory_space<hbm>> -> memref<128x128xf32, #tpu.memory_space<hbm>>
          %dma_wait3A_342 = tpu.memref_slice %run_scoped3A_57[%rem3A_336] : memref<2x!tpu.dma_semaphore, #tpu.memory_space<semaphore_mem>> -> memref<1x!tpu.dma_semaphore, #tpu.memory_space<semaphore_mem>>
          %dma_wait3A_343 = tpu.memref_squeeze %dma_wait3A_342 : memref<1x!tpu.dma_semaphore, #tpu.memory_space<semaphore_mem>> -> memref<!tpu.dma_semaphore, #tpu.memory_space<semaphore_mem>>
          %dma_wait3A_344 = arith.constant 0 : i32
          %dma_wait3A_345 = arith.constant 0 : i32
          %dma_wait3A_346 = tpu.memref_slice %run_scoped3A[%rem3A_336, %dma_wait3A_344, %dma_wait3A_345] : memref<2x128x128xf32, #tpu.memory_space<vmem>> -> memref<1x128x128xf32, #tpu.memory_space<vmem>>
          %dma_wait3A_347 = tpu.memref_squeeze %dma_wait3A_346 : memref<1x128x128xf32, #tpu.memory_space<vmem>> -> memref<128x128xf32, #tpu.memory_space<vmem>>
          %dma_wait3A_348 = arith.constant 0 : i32
          %dma_wait3A_349 = tpu.memref_slice %arg2[%mul3A_334, %dma_wait3A_348] : memref<16384x128xf32, #tpu.memory_space<hbm>> -> memref<128x128xf32, #tpu.memory_space<hbm>>
          tpu.wait_dma2 semaphore(%dma_wait3A_343 : memref<!tpu.dma_semaphore, #tpu.memory_space<semaphore_mem>>) src(%dma_wait3A_349 : memref<128x128xf32, #tpu.memory_space<hbm>>) dst(%dma_wait3A_347 : memref<128x128xf32, #tpu.memory_space<vmem>>)
          "tpu.trace_stop"() : () -> ()
        } else {
        }
        %ne3A_253 = arith.cmpi ne, %add3A_189, %add3A_198 : i32
        %or3A_254 = arith.constant false
        %or3A_255 = arith.ori %or3A_254, %ne3A_253 : i1
        %or3A_256 = arith.ori %or3A_255, %eq3A_186 : i1
        %convert_element_type3A_257 = arith.extui %or3A_256 : i1 to i32
        %cond3A_258 = arith.constant 0 : i32
        %cond3A_259 = arith.cmpi ne, %convert_element_type3A_257, %cond3A_258 : i32
        scf.if %cond3A_259 {
          "tpu.trace_start"() <{level = 10 : i32, message = "ep_wait_in"}> : () -> ()
          %mul3A_333 = arith.constant 128 : i32
          %mul3A_334 = arith.muli %mul3A_333, %add3A_189 : i32
          %rem3A_335 = arith.constant 2 : i32
          %rem3A_336 = arith.remui %scan3A_183, %rem3A_335 : i32
          %dma_wait3A = arith.constant 0 : i32
          %dma_wait3A_337 = arith.constant 0 : i32
          %dma_wait3A_338 = tpu.memref_slice %run_scoped3A_58[%rem3A_336, %dma_wait3A, %dma_wait3A_337] : memref<2x1x128xi32, #tpu.memory_space<vmem>> -> memref<1x1x128xi32, #tpu.memory_space<vmem>>
          %dma_wait3A_339 = tpu.memref_squeeze %dma_wait3A_338 : memref<1x1x128xi32, #tpu.memory_space<vmem>> -> memref<1x128xi32, #tpu.memory_space<vmem>>
          %dma_wait3A_340 = arith.constant 0 : i32
          %dma_wait3A_341 = tpu.memref_slice %arg4[%dma_wait3A_340, %mul3A_334] : memref<1x16384xi32, #tpu.memory_space<hbm>> -> memref<1x128xi32, #tpu.memory_space<hbm>>
          %dma_wait3A_342 = tpu.memref_slice %run_scoped3A_59[%rem3A_336] : memref<2x!tpu.dma_semaphore, #tpu.memory_space<semaphore_mem>> -> memref<1x!tpu.dma_semaphore, #tpu.memory_space<semaphore_mem>>
          %dma_wait3A_343 = tpu.memref_squeeze %dma_wait3A_342 : memref<1x!tpu.dma_semaphore, #tpu.memory_space<semaphore_mem>> -> memref<!tpu.dma_semaphore, #tpu.memory_space<semaphore_mem>>
          %dma_wait3A_344 = arith.constant 0 : i32
          %dma_wait3A_345 = arith.constant 0 : i32
          %dma_wait3A_346 = tpu.memref_slice %run_scoped3A_58[%rem3A_336, %dma_wait3A_344, %dma_wait3A_345] : memref<2x1x128xi32, #tpu.memory_space<vmem>> -> memref<1x1x128xi32, #tpu.memory_space<vmem>>
          %dma_wait3A_347 = tpu.memref_squeeze %dma_wait3A_346 : memref<1x1x128xi32, #tpu.memory_space<vmem>> -> memref<1x128xi32, #tpu.memory_space<vmem>>
          %dma_wait3A_348 = arith.constant 0 : i32
          %dma_wait3A_349 = tpu.memref_slice %arg4[%dma_wait3A_348, %mul3A_334] : memref<1x16384xi32, #tpu.memory_space<hbm>> -> memref<1x128xi32, #tpu.memory_space<hbm>>
          tpu.wait_dma2 semaphore(%dma_wait3A_343 : memref<!tpu.dma_semaphore, #tpu.memory_space<semaphore_mem>>) src(%dma_wait3A_349 : memref<1x128xi32, #tpu.memory_space<hbm>>) dst(%dma_wait3A_347 : memref<1x128xi32, #tpu.memory_space<vmem>>)
          "tpu.trace_stop"() : () -> ()
        } else {
        }
        %rem3A_260 = arith.constant 2 : i32
        %rem3A_261 = arith.remui %scan3A_181, %rem3A_260 : i32
        %rem3A_262 = arith.constant 2 : i32
        %rem3A_263 = arith.remui %scan3A_183, %rem3A_262 : i32
        %run_scoped3A_264 = arith.constant 0 : i32
        "tpu.trace_start"() <{level = 10 : i32, message = "ep_run_kernel"}> : () -> ()
        "tpu.region"() ({
          %run_scoped3A_333 = tpu.sem_alloc : memref<!tpu.dma_semaphore, #tpu.memory_space<semaphore_mem>>
          %dma_start3A_334 = arith.constant 0 : i32
          %dma_start3A_335 = arith.constant 0 : i32
          %dma_start3A_336 = tpu.memref_slice %run_scoped3A[%rem3A_261, %dma_start3A_334, %dma_start3A_335] : memref<2x128x128xf32, #tpu.memory_space<vmem>> -> memref<1x128x128xf32, #tpu.memory_space<vmem>>
          %dma_start3A_337 = tpu.memref_squeeze %dma_start3A_336 : memref<1x128x128xf32, #tpu.memory_space<vmem>> -> memref<128x128xf32, #tpu.memory_space<vmem>>
          %dma_start3A_338 = arith.constant 0 : i32
          %dma_start3A_339 = arith.constant 0 : i32
          %dma_start3A_340 = tpu.memref_slice %run_scoped3A_58[%rem3A_263, %dma_start3A_338, %dma_start3A_339] : memref<2x1x128xi32, #tpu.memory_space<vmem>> -> memref<1x1x128xi32, #tpu.memory_space<vmem>>
          %dma_start3A_341 = tpu.memref_squeeze %dma_start3A_340 : memref<1x1x128xi32, #tpu.memory_space<vmem>> -> memref<1x128xi32, #tpu.memory_space<vmem>>
          %dma_start3A_342 = arith.constant 0 : i32
          %dma_start3A_343 = tpu.memref_slice %dma_start3A_341[%run_scoped3A_264, %dma_start3A_342] : memref<1x128xi32, #tpu.memory_space<vmem>> -> memref<1x128xi32, #tpu.memory_space<vmem>>
          %dma_start3A_344 = tpu.memref_squeeze %dma_start3A_343 : memref<1x128xi32, #tpu.memory_space<vmem>> -> memref<128xi32, #tpu.memory_space<vmem>>
          %dma_start3A_345 = arith.constant 0 : i32
          %dma_start3A_346 = arith.constant 0 : i32
          %dma_start3A_347 = tpu.memref_slice %arg9[%dma_start3A_345, %dma_start3A_346] : memref<40960x128xf32, #tpu.memory_space<hbm>> -> memref<40960x128xf32, #tpu.memory_space<hbm>>
          tpu.enqueue_indirect_dma source(%dma_start3A_337 : memref<128x128xf32, #tpu.memory_space<vmem>>) target(%dma_start3A_347 : memref<40960x128xf32, #tpu.memory_space<hbm>>) offsets(%dma_start3A_344 : memref<128xi32, #tpu.memory_space<vmem>>) semaphore(%run_scoped3A_333 : memref<!tpu.dma_semaphore, #tpu.memory_space<semaphore_mem>>)
          %dma_wait3A = arith.constant 0 : i32
          %dma_wait3A_348 = arith.constant 0 : i32
          %dma_wait3A_349 = tpu.memref_slice %run_scoped3A[%rem3A_261, %dma_wait3A, %dma_wait3A_348] : memref<2x128x128xf32, #tpu.memory_space<vmem>> -> memref<1x128x128xf32, #tpu.memory_space<vmem>>
          %dma_wait3A_350 = tpu.memref_squeeze %dma_wait3A_349 : memref<1x128x128xf32, #tpu.memory_space<vmem>> -> memref<128x128xf32, #tpu.memory_space<vmem>>
          %dma_wait3A_351 = arith.constant 0 : i32
          %dma_wait3A_352 = arith.constant 0 : i32
          %dma_wait3A_353 = tpu.memref_slice %run_scoped3A_58[%rem3A_263, %dma_wait3A_351, %dma_wait3A_352] : memref<2x1x128xi32, #tpu.memory_space<vmem>> -> memref<1x1x128xi32, #tpu.memory_space<vmem>>
          %dma_wait3A_354 = tpu.memref_squeeze %dma_wait3A_353 : memref<1x1x128xi32, #tpu.memory_space<vmem>> -> memref<1x128xi32, #tpu.memory_space<vmem>>
          %dma_wait3A_355 = arith.constant 0 : i32
          %dma_wait3A_356 = tpu.memref_slice %dma_wait3A_354[%run_scoped3A_264, %dma_wait3A_355] : memref<1x128xi32, #tpu.memory_space<vmem>> -> memref<1x128xi32, #tpu.memory_space<vmem>>
          %dma_wait3A_357 = tpu.memref_squeeze %dma_wait3A_356 : memref<1x128xi32, #tpu.memory_space<vmem>> -> memref<128xi32, #tpu.memory_space<vmem>>
          %dma_wait3A_358 = arith.constant 0 : i32
          %dma_wait3A_359 = arith.constant 0 : i32
          %dma_wait3A_360 = tpu.memref_slice %arg9[%dma_wait3A_358, %dma_wait3A_359] : memref<40960x128xf32, #tpu.memory_space<hbm>> -> memref<40960x128xf32, #tpu.memory_space<hbm>>
          tpu.wait_indirect_dma semaphore(%run_scoped3A_333 : memref<!tpu.dma_semaphore, #tpu.memory_space<semaphore_mem>>) src(%dma_wait3A_350 : memref<128x128xf32, #tpu.memory_space<vmem>>) dst(%dma_wait3A_360 : memref<40960x128xf32, #tpu.memory_space<hbm>>)
          tpu.yield
        }) : () -> ()
        "tpu.trace_stop"() : () -> ()
        %ne3A_265 = arith.cmpi ne, %add3A_189, %add3A_207 : i32
        %or3A_266 = arith.constant false
        %or3A_267 = arith.ori %or3A_266, %ne3A_265 : i1
        %or3A_268 = arith.constant false
        %or3A_269 = arith.ori %or3A_267, %or3A_268 : i1
        %or3A_270 = arith.ori %or3A_269, %eq3A_188 : i1
        %convert_element_type3A_271 = arith.extui %or3A_270 : i1 to i32
        %cond3A_272 = arith.constant 0 : i32
        %cond3A_273 = arith.cmpi ne, %convert_element_type3A_271, %cond3A_272 : i32
        scf.if %cond3A_273 {
        } else {
        }
        %and3A_274 = arith.constant false
        %and3A_275 = arith.andi %or3A_270, %and3A_274 : i1
        %ne3A_276 = arith.cmpi ne, %add3A_189, %add3A_207 : i32
        %or3A_277 = arith.constant false
        %or3A_278 = arith.ori %or3A_277, %ne3A_276 : i1
        %or3A_279 = arith.ori %or3A_278, %eq3A_188 : i1
        %convert_element_type3A_280 = arith.extui %or3A_279 : i1 to i32
        %cond3A_281 = arith.constant 0 : i32
        %cond3A_282 = arith.cmpi ne, %convert_element_type3A_280, %cond3A_281 : i32
        scf.if %cond3A_282 {
        } else {
        }
        %and3A_283 = arith.constant false
        %and3A_284 = arith.andi %or3A_279, %and3A_283 : i1
        %ne3A_285 = arith.cmpi ne, %add3A_189, %add3A_198 : i32
        %or3A_286 = arith.constant false
        %or3A_287 = arith.ori %or3A_286, %ne3A_285 : i1
        %or3A_288 = arith.constant false
        %or3A_289 = arith.ori %or3A_287, %or3A_288 : i1
        %not3A_290 = arith.constant true
        %not3A_291 = arith.xori %eq3A_186, %not3A_290 : i1
        %and3A_292 = arith.andi %or3A_289, %not3A_291 : i1
        %convert_element_type3A_293 = arith.extui %and3A_292 : i1 to i32
        %cond3A_294 = arith.constant 0 : i32
        %cond3A_295 = arith.cmpi ne, %convert_element_type3A_293, %cond3A_294 : i32
        scf.if %cond3A_295 {
        } else {
        }
        %and3A_296 = arith.constant false
        %and3A_297 = arith.andi %and3A_292, %and3A_296 : i1
        %ne3A_298 = arith.cmpi ne, %add3A_189, %add3A_198 : i32
        %or3A_299 = arith.constant false
        %or3A_300 = arith.ori %or3A_299, %ne3A_298 : i1
        %not3A_301 = arith.constant true
        %not3A_302 = arith.xori %eq3A_186, %not3A_301 : i1
        %and3A_303 = arith.andi %or3A_300, %not3A_302 : i1
        %convert_element_type3A_304 = arith.extui %and3A_303 : i1 to i32
        %cond3A_305 = arith.constant 0 : i32
        %cond3A_306 = arith.cmpi ne, %convert_element_type3A_304, %cond3A_305 : i32
        scf.if %cond3A_306 {
        } else {
        }
        %and3A_307 = arith.constant false
        %and3A_308 = arith.andi %and3A_303, %and3A_307 : i1
        %ne3A_309 = arith.cmpi ne, %add3A_189, %add3A_207 : i32
        %or3A_310 = arith.constant false
        %or3A_311 = arith.ori %or3A_310, %ne3A_309 : i1
        %or3A_312 = arith.constant false
        %or3A_313 = arith.ori %or3A_311, %or3A_312 : i1
        %or3A_314 = arith.ori %or3A_313, %eq3A_188 : i1
        %add3A_315 = arith.constant 1 : i32
        %add3A_316 = arith.addi %scan3A_181, %add3A_315 : i32
        %select_n3A_317 = arith.select %or3A_314, %add3A_316, %scan3A_181 : i32
        %ne3A_318 = arith.cmpi ne, %add3A_189, %add3A_207 : i32
        %or3A_319 = arith.constant false
        %or3A_320 = arith.ori %or3A_319, %ne3A_318 : i1
        %or3A_321 = arith.ori %or3A_320, %eq3A_188 : i1
        %add3A_322 = arith.constant 1 : i32
        %add3A_323 = arith.addi %scan3A_183, %add3A_322 : i32
        %select_n3A_324 = arith.select %or3A_321, %add3A_323, %scan3A_183 : i32
        %add3A_325 = arith.constant 1 : i32
        %add3A_326 = arith.addi %scan3A_184, %add3A_325 : i32
        %select_n3A_327 = arith.constant true
        %select_n3A_328 = arith.select %select_n3A_327, %add3A_326, %scan3A_184 : i32
        %eq3A_329 = arith.constant 4 : i32
        %eq3A_330 = arith.cmpi eq, %select_n3A_328, %eq3A_329 : i32
        %select_n3A_331 = arith.constant 0 : i32
        %select_n3A_332 = arith.select %eq3A_330, %select_n3A_331, %select_n3A_328 : i32
        scf.yield %select_n3A_227, %select_n3A_317, %select_n3A_243, %select_n3A_324, %select_n3A_332 : i32, i32, i32, i32, i32
      }
      %scan3A_143 = arith.constant 4 : i32
      %sub3A = arith.constant 1 : i32
      %sub3A_144 = arith.subi %scan3A_142#4, %sub3A : i32
      %select_n3A_145 = arith.constant true
      %select_n3A_146 = arith.select %select_n3A_145, %sub3A_144, %scan3A_142#4 : i32
      %eq3A_147 = arith.constant -1 : i32
      %eq3A_148 = arith.cmpi eq, %select_n3A_146, %eq3A_147 : i32
      %select_n3A_149 = arith.constant 3 : i32
      %select_n3A_150 = arith.select %eq3A_148, %select_n3A_149, %select_n3A_146 : i32
      %add3A_151 = arith.addi %select_n3A_150, %mul3A_15 : i32
      %sub3A_152 = arith.constant 1 : i32
      %sub3A_153 = arith.subi %select_n3A_150, %sub3A_152 : i32
      %select_n3A_154 = arith.constant true
      %select_n3A_155 = arith.select %select_n3A_154, %sub3A_153, %select_n3A_150 : i32
      %eq3A_156 = arith.constant -1 : i32
      %eq3A_157 = arith.cmpi eq, %select_n3A_155, %eq3A_156 : i32
      %select_n3A_158 = arith.constant 3 : i32
      %select_n3A_159 = arith.select %eq3A_157, %select_n3A_158, %select_n3A_155 : i32
      %add3A_160 = arith.addi %select_n3A_159, %mul3A_15 : i32
      %add3A_161 = arith.constant 1 : i32
      %add3A_162 = arith.addi %select_n3A_150, %add3A_161 : i32
      %select_n3A_163 = arith.constant true
      %select_n3A_164 = arith.select %select_n3A_163, %add3A_162, %select_n3A_150 : i32
      %eq3A_165 = arith.constant 4 : i32
      %eq3A_166 = arith.cmpi eq, %select_n3A_164, %eq3A_165 : i32
      %select_n3A_167 = arith.constant 0 : i32
      %select_n3A_168 = arith.select %eq3A_166, %select_n3A_167, %select_n3A_164 : i32
      %add3A_169 = arith.addi %select_n3A_168, %mul3A_15 : i32
      %add3A_170 = arith.constant 1 : i32
      %add3A_171 = arith.addi %select_n3A_168, %add3A_170 : i32
      %select_n3A_172 = arith.constant true
      %select_n3A_173 = arith.select %select_n3A_172, %add3A_171, %select_n3A_168 : i32
      %eq3A_174 = arith.constant 4 : i32
      %eq3A_175 = arith.cmpi eq, %select_n3A_173, %eq3A_174 : i32
      %select_n3A_176 = arith.constant 0 : i32
      %select_n3A_177 = arith.select %eq3A_175, %select_n3A_176, %select_n3A_173 : i32
      %add3A_178 = arith.addi %select_n3A_177, %mul3A_15 : i32
      tpu.yield
    }) : () -> ()
    %mul3A_16 = arith.constant 1 : i32
    %mul3A_17 = arith.muli %arg1, %mul3A_16 : i32
    %add3A_18 = arith.constant 0 : i32
    %add3A_19 = arith.addi %add3A_18, %mul3A_17 : i32
    %mul3A_20 = arith.constant 16 : i32
    %mul3A_21 = arith.muli %arg0, %mul3A_20 : i32
    %add3A_22 = arith.addi %add3A_19, %mul3A_21 : i32
    %lt3A = arith.constant 16 : i32
    %lt3A_23 = arith.cmpi slt, %add3A_22, %lt3A : i32
    %jit3A = arith.constant 1 : i32
    %jit3A_24 = arith.constant 0 : i32
    %select_n3A = arith.select %lt3A_23, %jit3A, %jit3A_24 : i32
    %lt3A_25 = arith.constant 16 : i32
    %lt3A_26 = arith.cmpi slt, %add3A_22, %lt3A_25 : i32
    %mul3A_27 = arith.muli %add3A_22, %select_n3A : i32
    %mul3A_28 = arith.constant 0 : i32
    %mul3A_29 = arith.muli %add3A_22, %mul3A_28 : i32
    %add3A_30 = arith.constant 16 : i32
    %add3A_31 = arith.addi %mul3A_29, %add3A_30 : i32
    %select_n3A_32 = arith.select %lt3A_26, %mul3A_27, %add3A_31 : i32
    %mul3A_33 = arith.constant 1 : i32
    %mul3A_34 = arith.muli %mul3A_33, %select_n3A : i32
    "tpu.region"() ({
      %run_scoped3A = memref.alloca() : memref<2x128x128xf32, #tpu.memory_space<vmem>>
      %run_scoped3A_57 = tpu.sem_alloc : memref<2x!tpu.dma_semaphore, #tpu.memory_space<semaphore_mem>>
      %run_scoped3A_58 = memref.alloca() : memref<2x1x128xi32, #tpu.memory_space<vmem>>
      %run_scoped3A_59 = tpu.sem_alloc : memref<2x!tpu.dma_semaphore, #tpu.memory_space<semaphore_mem>>
      %gt3A = arith.constant 0 : i32
      %gt3A_60 = arith.cmpi sgt, %mul3A_34, %gt3A : i32
      %convert_element_type3A = arith.extui %gt3A_60 : i1 to i32
      %cond3A = arith.constant 0 : i32
      %cond3A_61 = arith.cmpi ne, %convert_element_type3A, %cond3A : i32
      scf.if %cond3A_61 {
        %mul3A_62 = arith.constant 1 : i32
        %mul3A_63 = arith.muli %mul3A_62, %select_n3A : i32
        %sub3A = arith.constant 1 : i32
        %sub3A_64 = arith.subi %mul3A_63, %sub3A : i32
        %eq3A = arith.constant 0 : i32
        %eq3A_65 = arith.cmpi eq, %sub3A_64, %eq3A : i32
        %add3A_66 = arith.constant 0 : i32
        %add3A_67 = arith.addi %add3A_66, %select_n3A_32 : i32
        %select_n3A_68 = arith.constant true
        %select_n3A_69 = arith.constant 0 : i32
        %select_n3A_70 = arith.constant -1 : i32
        %select_n3A_71 = arith.select %select_n3A_68, %select_n3A_70, %select_n3A_69 : i32
        %eq3A_72 = arith.constant -1 : i32
        %eq3A_73 = arith.cmpi eq, %select_n3A_71, %eq3A_72 : i32
        %sub3A_74 = arith.constant 1 : i32
        %sub3A_75 = arith.subi %select_n3A, %sub3A_74 : i32
        %select_n3A_76 = arith.select %eq3A_73, %sub3A_75, %select_n3A_71 : i32
        %add3A_77 = arith.addi %select_n3A_76, %select_n3A_32 : i32
        %select_n3A_78 = arith.constant true
        %select_n3A_79 = arith.constant 0 : i32
        %select_n3A_80 = arith.constant 1 : i32
        %select_n3A_81 = arith.select %select_n3A_78, %select_n3A_80, %select_n3A_79 : i32
        %eq3A_82 = arith.cmpi eq, %select_n3A_81, %select_n3A : i32
        %select_n3A_83 = arith.constant 0 : i32
        %select_n3A_84 = arith.select %eq3A_82, %select_n3A_83, %select_n3A_81 : i32
        %add3A_85 = arith.addi %select_n3A_84, %select_n3A_32 : i32
        %add3A_86 = arith.constant 1 : i32
        %add3A_87 = arith.addi %select_n3A_84, %add3A_86 : i32
        %select_n3A_88 = arith.constant true
        %select_n3A_89 = arith.select %select_n3A_88, %add3A_87, %select_n3A_84 : i32
        %eq3A_90 = arith.cmpi eq, %select_n3A_89, %select_n3A : i32
        %select_n3A_91 = arith.constant 0 : i32
        %select_n3A_92 = arith.select %eq3A_90, %select_n3A_91, %select_n3A_89 : i32
        %add3A_93 = arith.addi %select_n3A_92, %select_n3A_32 : i32
        "tpu.trace_start"() <{level = 10 : i32, message = "ep_initialize_0"}> : () -> ()
        %rem3A = arith.constant 0 : i32
        %rem3A_94 = arith.constant 2 : i32
        %rem3A_95 = arith.remui %rem3A, %rem3A_94 : i32
        %mul3A_96 = arith.constant 128 : i32
        %mul3A_97 = arith.muli %mul3A_96, %add3A_67 : i32
        %dma_start3A = arith.constant 0 : i32
        %dma_start3A_98 = arith.constant 0 : i32
        %dma_start3A_99 = tpu.memref_slice %run_scoped3A[%rem3A_95, %dma_start3A, %dma_start3A_98] : memref<2x128x128xf32, #tpu.memory_space<vmem>> -> memref<1x128x128xf32, #tpu.memory_space<vmem>>
        %dma_start3A_100 = tpu.memref_squeeze %dma_start3A_99 : memref<1x128x128xf32, #tpu.memory_space<vmem>> -> memref<128x128xf32, #tpu.memory_space<vmem>>
        %dma_start3A_101 = arith.constant 0 : i32
        %dma_start3A_102 = tpu.memref_slice %arg5[%mul3A_97, %dma_start3A_101] : memref<2048x128xf32, #tpu.memory_space<hbm>> -> memref<128x128xf32, #tpu.memory_space<hbm>>
        %dma_start3A_103 = tpu.memref_slice %run_scoped3A_57[%rem3A_95] : memref<2x!tpu.dma_semaphore, #tpu.memory_space<semaphore_mem>> -> memref<1x!tpu.dma_semaphore, #tpu.memory_space<semaphore_mem>>
        %dma_start3A_104 = tpu.memref_squeeze %dma_start3A_103 : memref<1x!tpu.dma_semaphore, #tpu.memory_space<semaphore_mem>> -> memref<!tpu.dma_semaphore, #tpu.memory_space<semaphore_mem>>
        %dma_start3A_105 = arith.constant 0 : i32
        %dma_start3A_106 = arith.constant 0 : i32
        %dma_start3A_107 = tpu.memref_slice %run_scoped3A[%rem3A_95, %dma_start3A_105, %dma_start3A_106] : memref<2x128x128xf32, #tpu.memory_space<vmem>> -> memref<1x128x128xf32, #tpu.memory_space<vmem>>
        %dma_start3A_108 = tpu.memref_squeeze %dma_start3A_107 : memref<1x128x128xf32, #tpu.memory_space<vmem>> -> memref<128x128xf32, #tpu.memory_space<vmem>>
        %dma_start3A_109 = arith.constant 0 : i32
        %dma_start3A_110 = tpu.memref_slice %arg5[%mul3A_97, %dma_start3A_109] : memref<2048x128xf32, #tpu.memory_space<hbm>> -> memref<128x128xf32, #tpu.memory_space<hbm>>
        tpu.enqueue_dma source(%dma_start3A_110 : memref<128x128xf32, #tpu.memory_space<hbm>>) target(%dma_start3A_108 : memref<128x128xf32, #tpu.memory_space<vmem>>) target_semaphore(%dma_start3A_104 : memref<!tpu.dma_semaphore, #tpu.memory_space<semaphore_mem>>)
        %add3A_111 = arith.constant 0 : i32
        %add3A_112 = arith.constant 1 : i32
        %add3A_113 = arith.addi %add3A_111, %add3A_112 : i32
        %select_n3A_114 = arith.constant true
        %select_n3A_115 = arith.constant 0 : i32
        %select_n3A_116 = arith.select %select_n3A_114, %add3A_113, %select_n3A_115 : i32
        %rem3A_117 = arith.constant 0 : i32
        %rem3A_118 = arith.constant 2 : i32
        %rem3A_119 = arith.remui %rem3A_117, %rem3A_118 : i32
        %mul3A_120 = arith.constant 128 : i32
        %mul3A_121 = arith.muli %mul3A_120, %add3A_67 : i32
        %dma_start3A_122 = arith.constant 0 : i32
        %dma_start3A_123 = arith.constant 0 : i32
        %dma_start3A_124 = tpu.memref_slice %run_scoped3A_58[%rem3A_119, %dma_start3A_122, %dma_start3A_123] : memref<2x1x128xi32, #tpu.memory_space<vmem>> -> memref<1x1x128xi32, #tpu.memory_space<vmem>>
        %dma_start3A_125 = tpu.memref_squeeze %dma_start3A_124 : memref<1x1x128xi32, #tpu.memory_space<vmem>> -> memref<1x128xi32, #tpu.memory_space<vmem>>
        %dma_start3A_126 = arith.constant 0 : i32
        %dma_start3A_127 = tpu.memref_slice %arg7[%dma_start3A_126, %mul3A_121] : memref<1x2048xi32, #tpu.memory_space<hbm>> -> memref<1x128xi32, #tpu.memory_space<hbm>>
        %dma_start3A_128 = tpu.memref_slice %run_scoped3A_59[%rem3A_119] : memref<2x!tpu.dma_semaphore, #tpu.memory_space<semaphore_mem>> -> memref<1x!tpu.dma_semaphore, #tpu.memory_space<semaphore_mem>>
        %dma_start3A_129 = tpu.memref_squeeze %dma_start3A_128 : memref<1x!tpu.dma_semaphore, #tpu.memory_space<semaphore_mem>> -> memref<!tpu.dma_semaphore, #tpu.memory_space<semaphore_mem>>
        %dma_start3A_130 = arith.constant 0 : i32
        %dma_start3A_131 = arith.constant 0 : i32
        %dma_start3A_132 = tpu.memref_slice %run_scoped3A_58[%rem3A_119, %dma_start3A_130, %dma_start3A_131] : memref<2x1x128xi32, #tpu.memory_space<vmem>> -> memref<1x1x128xi32, #tpu.memory_space<vmem>>
        %dma_start3A_133 = tpu.memref_squeeze %dma_start3A_132 : memref<1x1x128xi32, #tpu.memory_space<vmem>> -> memref<1x128xi32, #tpu.memory_space<vmem>>
        %dma_start3A_134 = arith.constant 0 : i32
        %dma_start3A_135 = tpu.memref_slice %arg7[%dma_start3A_134, %mul3A_121] : memref<1x2048xi32, #tpu.memory_space<hbm>> -> memref<1x128xi32, #tpu.memory_space<hbm>>
        tpu.enqueue_dma source(%dma_start3A_135 : memref<1x128xi32, #tpu.memory_space<hbm>>) target(%dma_start3A_133 : memref<1x128xi32, #tpu.memory_space<vmem>>) target_semaphore(%dma_start3A_129 : memref<!tpu.dma_semaphore, #tpu.memory_space<semaphore_mem>>)
        %add3A_136 = arith.constant 0 : i32
        %add3A_137 = arith.constant 1 : i32
        %add3A_138 = arith.addi %add3A_136, %add3A_137 : i32
        %select_n3A_139 = arith.constant true
        %select_n3A_140 = arith.constant 0 : i32
        %select_n3A_141 = arith.select %select_n3A_139, %add3A_138, %select_n3A_140 : i32
        %while3A = arith.constant 0 : i32
        %while3A_142 = arith.constant 0 : i32
        %while3A_143 = arith.constant 0 : i32
        %while3A_144 = arith.constant 0 : i32
        "tpu.trace_stop"() : () -> ()
        %while3A_145 = arith.subi %mul3A_34, %while3A : i32
        %while3A_146 = arith.addi %while3A, %while3A_145 : i32
        %while3A_147 = arith.constant 1 : i32
        %while3A_148 = arith.divsi %while3A_145, %while3A_147 : i32
        %while3A_149 = arith.muli %while3A_148, %while3A_147 : i32
        %while3A_150 = arith.addi %while3A, %while3A_149 : i32
        %while3A_151 = arith.constant 1 : i32
        %while3A_152:5 = scf.for %while3A_206 = %while3A to %while3A_150 step %while3A_151 iter_args(%while3A_207 = %select_n3A_116, %while3A_208 = %while3A_142, %while3A_209 = %select_n3A_141, %while3A_210 = %while3A_143, %while3A_211 = %while3A_144) -> (i32, i32, i32, i32, i32)  : i32 {
          %mul3A_212 = arith.constant 1 : i32
          %mul3A_213 = arith.muli %mul3A_212, %select_n3A : i32
          %eq3A_214 = arith.constant 0 : i32
          %eq3A_215 = arith.cmpi eq, %while3A_206, %eq3A_214 : i32
          %sub3A_216 = arith.constant 1 : i32
          %sub3A_217 = arith.subi %mul3A_213, %sub3A_216 : i32
          %eq3A_218 = arith.cmpi eq, %while3A_206, %sub3A_217 : i32
          %add3A_219 = arith.addi %while3A_211, %select_n3A_32 : i32
          %sub3A_220 = arith.constant 1 : i32
          %sub3A_221 = arith.subi %while3A_211, %sub3A_220 : i32
          %select_n3A_222 = arith.constant true
          %select_n3A_223 = arith.select %select_n3A_222, %sub3A_221, %while3A_211 : i32
          %eq3A_224 = arith.constant -1 : i32
          %eq3A_225 = arith.cmpi eq, %select_n3A_223, %eq3A_224 : i32
          %sub3A_226 = arith.constant 1 : i32
          %sub3A_227 = arith.subi %select_n3A, %sub3A_226 : i32
          %select_n3A_228 = arith.select %eq3A_225, %sub3A_227, %select_n3A_223 : i32
          %add3A_229 = arith.addi %select_n3A_228, %select_n3A_32 : i32
          %add3A_230 = arith.constant 1 : i32
          %add3A_231 = arith.addi %while3A_211, %add3A_230 : i32
          %select_n3A_232 = arith.constant true
          %select_n3A_233 = arith.select %select_n3A_232, %add3A_231, %while3A_211 : i32
          %eq3A_234 = arith.cmpi eq, %select_n3A_233, %select_n3A : i32
          %select_n3A_235 = arith.constant 0 : i32
          %select_n3A_236 = arith.select %eq3A_234, %select_n3A_235, %select_n3A_233 : i32
          %add3A_237 = arith.addi %select_n3A_236, %select_n3A_32 : i32
          %add3A_238 = arith.constant 1 : i32
          %add3A_239 = arith.addi %select_n3A_236, %add3A_238 : i32
          %select_n3A_240 = arith.constant true
          %select_n3A_241 = arith.select %select_n3A_240, %add3A_239, %select_n3A_236 : i32
          %eq3A_242 = arith.cmpi eq, %select_n3A_241, %select_n3A : i32
          %select_n3A_243 = arith.constant 0 : i32
          %select_n3A_244 = arith.select %eq3A_242, %select_n3A_243, %select_n3A_241 : i32
          %add3A_245 = arith.addi %select_n3A_244, %select_n3A_32 : i32
          %ne3A = arith.cmpi ne, %add3A_219, %add3A_237 : i32
          %or3A = arith.constant false
          %or3A_246 = arith.ori %or3A, %ne3A : i1
          %or3A_247 = arith.constant false
          %or3A_248 = arith.ori %or3A_246, %or3A_247 : i1
          %sub3A_249 = arith.constant 2 : i32
          %sub3A_250 = arith.subi %mul3A_213, %sub3A_249 : i32
          %add3A_251 = arith.constant 1 : i32
          %add3A_252 = arith.addi %sub3A_250, %add3A_251 : i32
          %ge3A = arith.cmpi sge, %while3A_206, %add3A_252 : i32
          %not3A = arith.constant true
          %not3A_253 = arith.xori %ge3A, %not3A : i1
          %and3A = arith.andi %or3A_248, %not3A_253 : i1
          %convert_element_type3A_254 = arith.extui %and3A : i1 to i32
          %cond3A_255 = arith.constant 0 : i32
          %cond3A_256 = arith.cmpi ne, %convert_element_type3A_254, %cond3A_255 : i32
          scf.if %cond3A_256 {
            "tpu.trace_start"() <{level = 10 : i32, message = "ep_copy_in"}> : () -> ()
            %rem3A_369 = arith.constant 2 : i32
            %rem3A_370 = arith.remui %while3A_207, %rem3A_369 : i32
            %mul3A_371 = arith.constant 128 : i32
            %mul3A_372 = arith.muli %mul3A_371, %add3A_237 : i32
            %dma_start3A_373 = arith.constant 0 : i32
            %dma_start3A_374 = arith.constant 0 : i32
            %dma_start3A_375 = tpu.memref_slice %run_scoped3A[%rem3A_370, %dma_start3A_373, %dma_start3A_374] : memref<2x128x128xf32, #tpu.memory_space<vmem>> -> memref<1x128x128xf32, #tpu.memory_space<vmem>>
            %dma_start3A_376 = tpu.memref_squeeze %dma_start3A_375 : memref<1x128x128xf32, #tpu.memory_space<vmem>> -> memref<128x128xf32, #tpu.memory_space<vmem>>
            %dma_start3A_377 = arith.constant 0 : i32
            %dma_start3A_378 = tpu.memref_slice %arg5[%mul3A_372, %dma_start3A_377] : memref<2048x128xf32, #tpu.memory_space<hbm>> -> memref<128x128xf32, #tpu.memory_space<hbm>>
            %dma_start3A_379 = tpu.memref_slice %run_scoped3A_57[%rem3A_370] : memref<2x!tpu.dma_semaphore, #tpu.memory_space<semaphore_mem>> -> memref<1x!tpu.dma_semaphore, #tpu.memory_space<semaphore_mem>>
            %dma_start3A_380 = tpu.memref_squeeze %dma_start3A_379 : memref<1x!tpu.dma_semaphore, #tpu.memory_space<semaphore_mem>> -> memref<!tpu.dma_semaphore, #tpu.memory_space<semaphore_mem>>
            %dma_start3A_381 = arith.constant 0 : i32
            %dma_start3A_382 = arith.constant 0 : i32
            %dma_start3A_383 = tpu.memref_slice %run_scoped3A[%rem3A_370, %dma_start3A_381, %dma_start3A_382] : memref<2x128x128xf32, #tpu.memory_space<vmem>> -> memref<1x128x128xf32, #tpu.memory_space<vmem>>
            %dma_start3A_384 = tpu.memref_squeeze %dma_start3A_383 : memref<1x128x128xf32, #tpu.memory_space<vmem>> -> memref<128x128xf32, #tpu.memory_space<vmem>>
            %dma_start3A_385 = arith.constant 0 : i32
            %dma_start3A_386 = tpu.memref_slice %arg5[%mul3A_372, %dma_start3A_385] : memref<2048x128xf32, #tpu.memory_space<hbm>> -> memref<128x128xf32, #tpu.memory_space<hbm>>
            tpu.enqueue_dma source(%dma_start3A_386 : memref<128x128xf32, #tpu.memory_space<hbm>>) target(%dma_start3A_384 : memref<128x128xf32, #tpu.memory_space<vmem>>) target_semaphore(%dma_start3A_380 : memref<!tpu.dma_semaphore, #tpu.memory_space<semaphore_mem>>)
            "tpu.trace_stop"() : () -> ()
          } else {
          }
          %and3A_257 = arith.constant true
          %and3A_258 = arith.andi %and3A, %and3A_257 : i1
          %add3A_259 = arith.constant 1 : i32
          %add3A_260 = arith.addi %while3A_207, %add3A_259 : i32
          %select_n3A_261 = arith.select %and3A_258, %add3A_260, %while3A_207 : i32
          %ne3A_262 = arith.cmpi ne, %add3A_219, %add3A_237 : i32
          %or3A_263 = arith.constant false
          %or3A_264 = arith.ori %or3A_263, %ne3A_262 : i1
          %sub3A_265 = arith.constant 2 : i32
          %sub3A_266 = arith.subi %mul3A_213, %sub3A_265 : i32
          %add3A_267 = arith.constant 1 : i32
          %add3A_268 = arith.addi %sub3A_266, %add3A_267 : i32
          %ge3A_269 = arith.cmpi sge, %while3A_206, %add3A_268 : i32
          %not3A_270 = arith.constant true
          %not3A_271 = arith.xori %ge3A_269, %not3A_270 : i1
          %and3A_272 = arith.andi %or3A_264, %not3A_271 : i1
          %convert_element_type3A_273 = arith.extui %and3A_272 : i1 to i32
          %cond3A_274 = arith.constant 0 : i32
          %cond3A_275 = arith.cmpi ne, %convert_element_type3A_273, %cond3A_274 : i32
          scf.if %cond3A_275 {
            "tpu.trace_start"() <{level = 10 : i32, message = "ep_copy_in"}> : () -> ()
            %rem3A_369 = arith.constant 2 : i32
            %rem3A_370 = arith.remui %while3A_209, %rem3A_369 : i32
            %mul3A_371 = arith.constant 128 : i32
            %mul3A_372 = arith.muli %mul3A_371, %add3A_237 : i32
            %dma_start3A_373 = arith.constant 0 : i32
            %dma_start3A_374 = arith.constant 0 : i32
            %dma_start3A_375 = tpu.memref_slice %run_scoped3A_58[%rem3A_370, %dma_start3A_373, %dma_start3A_374] : memref<2x1x128xi32, #tpu.memory_space<vmem>> -> memref<1x1x128xi32, #tpu.memory_space<vmem>>
            %dma_start3A_376 = tpu.memref_squeeze %dma_start3A_375 : memref<1x1x128xi32, #tpu.memory_space<vmem>> -> memref<1x128xi32, #tpu.memory_space<vmem>>
            %dma_start3A_377 = arith.constant 0 : i32
            %dma_start3A_378 = tpu.memref_slice %arg7[%dma_start3A_377, %mul3A_372] : memref<1x2048xi32, #tpu.memory_space<hbm>> -> memref<1x128xi32, #tpu.memory_space<hbm>>
            %dma_start3A_379 = tpu.memref_slice %run_scoped3A_59[%rem3A_370] : memref<2x!tpu.dma_semaphore, #tpu.memory_space<semaphore_mem>> -> memref<1x!tpu.dma_semaphore, #tpu.memory_space<semaphore_mem>>
            %dma_start3A_380 = tpu.memref_squeeze %dma_start3A_379 : memref<1x!tpu.dma_semaphore, #tpu.memory_space<semaphore_mem>> -> memref<!tpu.dma_semaphore, #tpu.memory_space<semaphore_mem>>
            %dma_start3A_381 = arith.constant 0 : i32
            %dma_start3A_382 = arith.constant 0 : i32
            %dma_start3A_383 = tpu.memref_slice %run_scoped3A_58[%rem3A_370, %dma_start3A_381, %dma_start3A_382] : memref<2x1x128xi32, #tpu.memory_space<vmem>> -> memref<1x1x128xi32, #tpu.memory_space<vmem>>
            %dma_start3A_384 = tpu.memref_squeeze %dma_start3A_383 : memref<1x1x128xi32, #tpu.memory_space<vmem>> -> memref<1x128xi32, #tpu.memory_space<vmem>>
            %dma_start3A_385 = arith.constant 0 : i32
            %dma_start3A_386 = tpu.memref_slice %arg7[%dma_start3A_385, %mul3A_372] : memref<1x2048xi32, #tpu.memory_space<hbm>> -> memref<1x128xi32, #tpu.memory_space<hbm>>
            tpu.enqueue_dma source(%dma_start3A_386 : memref<1x128xi32, #tpu.memory_space<hbm>>) target(%dma_start3A_384 : memref<1x128xi32, #tpu.memory_space<vmem>>) target_semaphore(%dma_start3A_380 : memref<!tpu.dma_semaphore, #tpu.memory_space<semaphore_mem>>)
            "tpu.trace_stop"() : () -> ()
          } else {
          }
          %and3A_276 = arith.constant true
          %and3A_277 = arith.andi %and3A_272, %and3A_276 : i1
          %add3A_278 = arith.constant 1 : i32
          %add3A_279 = arith.addi %while3A_209, %add3A_278 : i32
          %select_n3A_280 = arith.select %and3A_277, %add3A_279, %while3A_209 : i32
          %ne3A_281 = arith.cmpi ne, %add3A_219, %add3A_229 : i32
          %or3A_282 = arith.constant false
          %or3A_283 = arith.ori %or3A_282, %ne3A_281 : i1
          %or3A_284 = arith.constant false
          %or3A_285 = arith.ori %or3A_283, %or3A_284 : i1
          %or3A_286 = arith.ori %or3A_285, %eq3A_215 : i1
          %convert_element_type3A_287 = arith.extui %or3A_286 : i1 to i32
          %cond3A_288 = arith.constant 0 : i32
          %cond3A_289 = arith.cmpi ne, %convert_element_type3A_287, %cond3A_288 : i32
          scf.if %cond3A_289 {
            "tpu.trace_start"() <{level = 10 : i32, message = "ep_wait_in"}> : () -> ()
            %mul3A_369 = arith.constant 128 : i32
            %mul3A_370 = arith.muli %mul3A_369, %add3A_219 : i32
            %rem3A_371 = arith.constant 2 : i32
            %rem3A_372 = arith.remui %while3A_208, %rem3A_371 : i32
            %dma_wait3A = arith.constant 0 : i32
            %dma_wait3A_373 = arith.constant 0 : i32
            %dma_wait3A_374 = tpu.memref_slice %run_scoped3A[%rem3A_372, %dma_wait3A, %dma_wait3A_373] : memref<2x128x128xf32, #tpu.memory_space<vmem>> -> memref<1x128x128xf32, #tpu.memory_space<vmem>>
            %dma_wait3A_375 = tpu.memref_squeeze %dma_wait3A_374 : memref<1x128x128xf32, #tpu.memory_space<vmem>> -> memref<128x128xf32, #tpu.memory_space<vmem>>
            %dma_wait3A_376 = arith.constant 0 : i32
            %dma_wait3A_377 = tpu.memref_slice %arg5[%mul3A_370, %dma_wait3A_376] : memref<2048x128xf32, #tpu.memory_space<hbm>> -> memref<128x128xf32, #tpu.memory_space<hbm>>
            %dma_wait3A_378 = tpu.memref_slice %run_scoped3A_57[%rem3A_372] : memref<2x!tpu.dma_semaphore, #tpu.memory_space<semaphore_mem>> -> memref<1x!tpu.dma_semaphore, #tpu.memory_space<semaphore_mem>>
            %dma_wait3A_379 = tpu.memref_squeeze %dma_wait3A_378 : memref<1x!tpu.dma_semaphore, #tpu.memory_space<semaphore_mem>> -> memref<!tpu.dma_semaphore, #tpu.memory_space<semaphore_mem>>
            %dma_wait3A_380 = arith.constant 0 : i32
            %dma_wait3A_381 = arith.constant 0 : i32
            %dma_wait3A_382 = tpu.memref_slice %run_scoped3A[%rem3A_372, %dma_wait3A_380, %dma_wait3A_381] : memref<2x128x128xf32, #tpu.memory_space<vmem>> -> memref<1x128x128xf32, #tpu.memory_space<vmem>>
            %dma_wait3A_383 = tpu.memref_squeeze %dma_wait3A_382 : memref<1x128x128xf32, #tpu.memory_space<vmem>> -> memref<128x128xf32, #tpu.memory_space<vmem>>
            %dma_wait3A_384 = arith.constant 0 : i32
            %dma_wait3A_385 = tpu.memref_slice %arg5[%mul3A_370, %dma_wait3A_384] : memref<2048x128xf32, #tpu.memory_space<hbm>> -> memref<128x128xf32, #tpu.memory_space<hbm>>
            tpu.wait_dma2 semaphore(%dma_wait3A_379 : memref<!tpu.dma_semaphore, #tpu.memory_space<semaphore_mem>>) src(%dma_wait3A_385 : memref<128x128xf32, #tpu.memory_space<hbm>>) dst(%dma_wait3A_383 : memref<128x128xf32, #tpu.memory_space<vmem>>)
            "tpu.trace_stop"() : () -> ()
          } else {
          }
          %ne3A_290 = arith.cmpi ne, %add3A_219, %add3A_229 : i32
          %or3A_291 = arith.constant false
          %or3A_292 = arith.ori %or3A_291, %ne3A_290 : i1
          %or3A_293 = arith.ori %or3A_292, %eq3A_215 : i1
          %convert_element_type3A_294 = arith.extui %or3A_293 : i1 to i32
          %cond3A_295 = arith.constant 0 : i32
          %cond3A_296 = arith.cmpi ne, %convert_element_type3A_294, %cond3A_295 : i32
          scf.if %cond3A_296 {
            "tpu.trace_start"() <{level = 10 : i32, message = "ep_wait_in"}> : () -> ()
            %mul3A_369 = arith.constant 128 : i32
            %mul3A_370 = arith.muli %mul3A_369, %add3A_219 : i32
            %rem3A_371 = arith.constant 2 : i32
            %rem3A_372 = arith.remui %while3A_210, %rem3A_371 : i32
            %dma_wait3A = arith.constant 0 : i32
            %dma_wait3A_373 = arith.constant 0 : i32
            %dma_wait3A_374 = tpu.memref_slice %run_scoped3A_58[%rem3A_372, %dma_wait3A, %dma_wait3A_373] : memref<2x1x128xi32, #tpu.memory_space<vmem>> -> memref<1x1x128xi32, #tpu.memory_space<vmem>>
            %dma_wait3A_375 = tpu.memref_squeeze %dma_wait3A_374 : memref<1x1x128xi32, #tpu.memory_space<vmem>> -> memref<1x128xi32, #tpu.memory_space<vmem>>
            %dma_wait3A_376 = arith.constant 0 : i32
            %dma_wait3A_377 = tpu.memref_slice %arg7[%dma_wait3A_376, %mul3A_370] : memref<1x2048xi32, #tpu.memory_space<hbm>> -> memref<1x128xi32, #tpu.memory_space<hbm>>
            %dma_wait3A_378 = tpu.memref_slice %run_scoped3A_59[%rem3A_372] : memref<2x!tpu.dma_semaphore, #tpu.memory_space<semaphore_mem>> -> memref<1x!tpu.dma_semaphore, #tpu.memory_space<semaphore_mem>>
            %dma_wait3A_379 = tpu.memref_squeeze %dma_wait3A_378 : memref<1x!tpu.dma_semaphore, #tpu.memory_space<semaphore_mem>> -> memref<!tpu.dma_semaphore, #tpu.memory_space<semaphore_mem>>
            %dma_wait3A_380 = arith.constant 0 : i32
            %dma_wait3A_381 = arith.constant 0 : i32
            %dma_wait3A_382 = tpu.memref_slice %run_scoped3A_58[%rem3A_372, %dma_wait3A_380, %dma_wait3A_381] : memref<2x1x128xi32, #tpu.memory_space<vmem>> -> memref<1x1x128xi32, #tpu.memory_space<vmem>>
            %dma_wait3A_383 = tpu.memref_squeeze %dma_wait3A_382 : memref<1x1x128xi32, #tpu.memory_space<vmem>> -> memref<1x128xi32, #tpu.memory_space<vmem>>
            %dma_wait3A_384 = arith.constant 0 : i32
            %dma_wait3A_385 = tpu.memref_slice %arg7[%dma_wait3A_384, %mul3A_370] : memref<1x2048xi32, #tpu.memory_space<hbm>> -> memref<1x128xi32, #tpu.memory_space<hbm>>
            tpu.wait_dma2 semaphore(%dma_wait3A_379 : memref<!tpu.dma_semaphore, #tpu.memory_space<semaphore_mem>>) src(%dma_wait3A_385 : memref<1x128xi32, #tpu.memory_space<hbm>>) dst(%dma_wait3A_383 : memref<1x128xi32, #tpu.memory_space<vmem>>)
            "tpu.trace_stop"() : () -> ()
          } else {
          }
          %rem3A_297 = arith.constant 2 : i32
          %rem3A_298 = arith.remui %while3A_208, %rem3A_297 : i32
          %rem3A_299 = arith.constant 2 : i32
          %rem3A_300 = arith.remui %while3A_210, %rem3A_299 : i32
          %run_scoped3A_301 = arith.constant 0 : i32
          "tpu.trace_start"() <{level = 10 : i32, message = "ep_run_kernel"}> : () -> ()
          "tpu.region"() ({
            %run_scoped3A_369 = tpu.sem_alloc : memref<!tpu.dma_semaphore, #tpu.memory_space<semaphore_mem>>
            %dma_start3A_370 = arith.constant 0 : i32
            %dma_start3A_371 = arith.constant 0 : i32
            %dma_start3A_372 = tpu.memref_slice %run_scoped3A[%rem3A_298, %dma_start3A_370, %dma_start3A_371] : memref<2x128x128xf32, #tpu.memory_space<vmem>> -> memref<1x128x128xf32, #tpu.memory_space<vmem>>
            %dma_start3A_373 = tpu.memref_squeeze %dma_start3A_372 : memref<1x128x128xf32, #tpu.memory_space<vmem>> -> memref<128x128xf32, #tpu.memory_space<vmem>>
            %dma_start3A_374 = arith.constant 0 : i32
            %dma_start3A_375 = arith.constant 0 : i32
            %dma_start3A_376 = tpu.memref_slice %run_scoped3A_58[%rem3A_300, %dma_start3A_374, %dma_start3A_375] : memref<2x1x128xi32, #tpu.memory_space<vmem>> -> memref<1x1x128xi32, #tpu.memory_space<vmem>>
            %dma_start3A_377 = tpu.memref_squeeze %dma_start3A_376 : memref<1x1x128xi32, #tpu.memory_space<vmem>> -> memref<1x128xi32, #tpu.memory_space<vmem>>
            %dma_start3A_378 = arith.constant 0 : i32
            %dma_start3A_379 = tpu.memref_slice %dma_start3A_377[%run_scoped3A_301, %dma_start3A_378] : memref<1x128xi32, #tpu.memory_space<vmem>> -> memref<1x128xi32, #tpu.memory_space<vmem>>
            %dma_start3A_380 = tpu.memref_squeeze %dma_start3A_379 : memref<1x128xi32, #tpu.memory_space<vmem>> -> memref<128xi32, #tpu.memory_space<vmem>>
            %dma_start3A_381 = arith.constant 0 : i32
            %dma_start3A_382 = arith.constant 0 : i32
            %dma_start3A_383 = tpu.memref_slice %arg10[%dma_start3A_381, %dma_start3A_382] : memref<5120x128xf32, #tpu.memory_space<hbm>> -> memref<5120x128xf32, #tpu.memory_space<hbm>>
            tpu.enqueue_indirect_dma source(%dma_start3A_373 : memref<128x128xf32, #tpu.memory_space<vmem>>) target(%dma_start3A_383 : memref<5120x128xf32, #tpu.memory_space<hbm>>) offsets(%dma_start3A_380 : memref<128xi32, #tpu.memory_space<vmem>>) semaphore(%run_scoped3A_369 : memref<!tpu.dma_semaphore, #tpu.memory_space<semaphore_mem>>)
            %dma_wait3A = arith.constant 0 : i32
            %dma_wait3A_384 = arith.constant 0 : i32
            %dma_wait3A_385 = tpu.memref_slice %run_scoped3A[%rem3A_298, %dma_wait3A, %dma_wait3A_384] : memref<2x128x128xf32, #tpu.memory_space<vmem>> -> memref<1x128x128xf32, #tpu.memory_space<vmem>>
            %dma_wait3A_386 = tpu.memref_squeeze %dma_wait3A_385 : memref<1x128x128xf32, #tpu.memory_space<vmem>> -> memref<128x128xf32, #tpu.memory_space<vmem>>
            %dma_wait3A_387 = arith.constant 0 : i32
            %dma_wait3A_388 = arith.constant 0 : i32
            %dma_wait3A_389 = tpu.memref_slice %run_scoped3A_58[%rem3A_300, %dma_wait3A_387, %dma_wait3A_388] : memref<2x1x128xi32, #tpu.memory_space<vmem>> -> memref<1x1x128xi32, #tpu.memory_space<vmem>>
            %dma_wait3A_390 = tpu.memref_squeeze %dma_wait3A_389 : memref<1x1x128xi32, #tpu.memory_space<vmem>> -> memref<1x128xi32, #tpu.memory_space<vmem>>
            %dma_wait3A_391 = arith.constant 0 : i32
            %dma_wait3A_392 = tpu.memref_slice %dma_wait3A_390[%run_scoped3A_301, %dma_wait3A_391] : memref<1x128xi32, #tpu.memory_space<vmem>> -> memref<1x128xi32, #tpu.memory_space<vmem>>
            %dma_wait3A_393 = tpu.memref_squeeze %dma_wait3A_392 : memref<1x128xi32, #tpu.memory_space<vmem>> -> memref<128xi32, #tpu.memory_space<vmem>>
            %dma_wait3A_394 = arith.constant 0 : i32
            %dma_wait3A_395 = arith.constant 0 : i32
            %dma_wait3A_396 = tpu.memref_slice %arg10[%dma_wait3A_394, %dma_wait3A_395] : memref<5120x128xf32, #tpu.memory_space<hbm>> -> memref<5120x128xf32, #tpu.memory_space<hbm>>
            tpu.wait_indirect_dma semaphore(%run_scoped3A_369 : memref<!tpu.dma_semaphore, #tpu.memory_space<semaphore_mem>>) src(%dma_wait3A_386 : memref<128x128xf32, #tpu.memory_space<vmem>>) dst(%dma_wait3A_396 : memref<5120x128xf32, #tpu.memory_space<hbm>>)
            tpu.yield
          }) : () -> ()
          "tpu.trace_stop"() : () -> ()
          %ne3A_302 = arith.cmpi ne, %add3A_219, %add3A_237 : i32
          %or3A_303 = arith.constant false
          %or3A_304 = arith.ori %or3A_303, %ne3A_302 : i1
          %or3A_305 = arith.constant false
          %or3A_306 = arith.ori %or3A_304, %or3A_305 : i1
          %or3A_307 = arith.ori %or3A_306, %eq3A_218 : i1
          %convert_element_type3A_308 = arith.extui %or3A_307 : i1 to i32
          %cond3A_309 = arith.constant 0 : i32
          %cond3A_310 = arith.cmpi ne, %convert_element_type3A_308, %cond3A_309 : i32
          scf.if %cond3A_310 {
          } else {
          }
          %and3A_311 = arith.constant false
          %and3A_312 = arith.andi %or3A_307, %and3A_311 : i1
          %ne3A_313 = arith.cmpi ne, %add3A_219, %add3A_237 : i32
          %or3A_314 = arith.constant false
          %or3A_315 = arith.ori %or3A_314, %ne3A_313 : i1
          %or3A_316 = arith.ori %or3A_315, %eq3A_218 : i1
          %convert_element_type3A_317 = arith.extui %or3A_316 : i1 to i32
          %cond3A_318 = arith.constant 0 : i32
          %cond3A_319 = arith.cmpi ne, %convert_element_type3A_317, %cond3A_318 : i32
          scf.if %cond3A_319 {
          } else {
          }
          %and3A_320 = arith.constant false
          %and3A_321 = arith.andi %or3A_316, %and3A_320 : i1
          %ne3A_322 = arith.cmpi ne, %add3A_219, %add3A_229 : i32
          %or3A_323 = arith.constant false
          %or3A_324 = arith.ori %or3A_323, %ne3A_322 : i1
          %or3A_325 = arith.constant false
          %or3A_326 = arith.ori %or3A_324, %or3A_325 : i1
          %not3A_327 = arith.constant true
          %not3A_328 = arith.xori %eq3A_215, %not3A_327 : i1
          %and3A_329 = arith.andi %or3A_326, %not3A_328 : i1
          %convert_element_type3A_330 = arith.extui %and3A_329 : i1 to i32
          %cond3A_331 = arith.constant 0 : i32
          %cond3A_332 = arith.cmpi ne, %convert_element_type3A_330, %cond3A_331 : i32
          scf.if %cond3A_332 {
          } else {
          }
          %and3A_333 = arith.constant false
          %and3A_334 = arith.andi %and3A_329, %and3A_333 : i1
          %ne3A_335 = arith.cmpi ne, %add3A_219, %add3A_229 : i32
          %or3A_336 = arith.constant false
          %or3A_337 = arith.ori %or3A_336, %ne3A_335 : i1
          %not3A_338 = arith.constant true
          %not3A_339 = arith.xori %eq3A_215, %not3A_338 : i1
          %and3A_340 = arith.andi %or3A_337, %not3A_339 : i1
          %convert_element_type3A_341 = arith.extui %and3A_340 : i1 to i32
          %cond3A_342 = arith.constant 0 : i32
          %cond3A_343 = arith.cmpi ne, %convert_element_type3A_341, %cond3A_342 : i32
          scf.if %cond3A_343 {
          } else {
          }
          %and3A_344 = arith.constant false
          %and3A_345 = arith.andi %and3A_340, %and3A_344 : i1
          %ne3A_346 = arith.cmpi ne, %add3A_219, %add3A_237 : i32
          %or3A_347 = arith.constant false
          %or3A_348 = arith.ori %or3A_347, %ne3A_346 : i1
          %or3A_349 = arith.constant false
          %or3A_350 = arith.ori %or3A_348, %or3A_349 : i1
          %or3A_351 = arith.ori %or3A_350, %eq3A_218 : i1
          %add3A_352 = arith.constant 1 : i32
          %add3A_353 = arith.addi %while3A_208, %add3A_352 : i32
          %select_n3A_354 = arith.select %or3A_351, %add3A_353, %while3A_208 : i32
          %ne3A_355 = arith.cmpi ne, %add3A_219, %add3A_237 : i32
          %or3A_356 = arith.constant false
          %or3A_357 = arith.ori %or3A_356, %ne3A_355 : i1
          %or3A_358 = arith.ori %or3A_357, %eq3A_218 : i1
          %add3A_359 = arith.constant 1 : i32
          %add3A_360 = arith.addi %while3A_210, %add3A_359 : i32
          %select_n3A_361 = arith.select %or3A_358, %add3A_360, %while3A_210 : i32
          %add3A_362 = arith.constant 1 : i32
          %add3A_363 = arith.addi %while3A_211, %add3A_362 : i32
          %select_n3A_364 = arith.constant true
          %select_n3A_365 = arith.select %select_n3A_364, %add3A_363, %while3A_211 : i32
          %eq3A_366 = arith.cmpi eq, %select_n3A_365, %select_n3A : i32
          %select_n3A_367 = arith.constant 0 : i32
          %select_n3A_368 = arith.select %eq3A_366, %select_n3A_367, %select_n3A_365 : i32
          scf.yield %select_n3A_261, %select_n3A_354, %select_n3A_280, %select_n3A_361, %select_n3A_368 : i32, i32, i32, i32, i32
        }
        %while3A_153 = arith.constant 1 : i32
        %while3A_154:5 = scf.for %while3A_206 = %while3A_150 to %while3A_146 step %while3A_153 iter_args(%while3A_207 = %while3A_152#0, %while3A_208 = %while3A_152#1, %while3A_209 = %while3A_152#2, %while3A_210 = %while3A_152#3, %while3A_211 = %while3A_152#4) -> (i32, i32, i32, i32, i32)  : i32 {
          %mul3A_212 = arith.constant 1 : i32
          %mul3A_213 = arith.muli %mul3A_212, %select_n3A : i32
          %eq3A_214 = arith.constant 0 : i32
          %eq3A_215 = arith.cmpi eq, %while3A_206, %eq3A_214 : i32
          %sub3A_216 = arith.constant 1 : i32
          %sub3A_217 = arith.subi %mul3A_213, %sub3A_216 : i32
          %eq3A_218 = arith.cmpi eq, %while3A_206, %sub3A_217 : i32
          %add3A_219 = arith.addi %while3A_211, %select_n3A_32 : i32
          %sub3A_220 = arith.constant 1 : i32
          %sub3A_221 = arith.subi %while3A_211, %sub3A_220 : i32
          %select_n3A_222 = arith.constant true
          %select_n3A_223 = arith.select %select_n3A_222, %sub3A_221, %while3A_211 : i32
          %eq3A_224 = arith.constant -1 : i32
          %eq3A_225 = arith.cmpi eq, %select_n3A_223, %eq3A_224 : i32
          %sub3A_226 = arith.constant 1 : i32
          %sub3A_227 = arith.subi %select_n3A, %sub3A_226 : i32
          %select_n3A_228 = arith.select %eq3A_225, %sub3A_227, %select_n3A_223 : i32
          %add3A_229 = arith.addi %select_n3A_228, %select_n3A_32 : i32
          %add3A_230 = arith.constant 1 : i32
          %add3A_231 = arith.addi %while3A_211, %add3A_230 : i32
          %select_n3A_232 = arith.constant true
          %select_n3A_233 = arith.select %select_n3A_232, %add3A_231, %while3A_211 : i32
          %eq3A_234 = arith.cmpi eq, %select_n3A_233, %select_n3A : i32
          %select_n3A_235 = arith.constant 0 : i32
          %select_n3A_236 = arith.select %eq3A_234, %select_n3A_235, %select_n3A_233 : i32
          %add3A_237 = arith.addi %select_n3A_236, %select_n3A_32 : i32
          %add3A_238 = arith.constant 1 : i32
          %add3A_239 = arith.addi %select_n3A_236, %add3A_238 : i32
          %select_n3A_240 = arith.constant true
          %select_n3A_241 = arith.select %select_n3A_240, %add3A_239, %select_n3A_236 : i32
          %eq3A_242 = arith.cmpi eq, %select_n3A_241, %select_n3A : i32
          %select_n3A_243 = arith.constant 0 : i32
          %select_n3A_244 = arith.select %eq3A_242, %select_n3A_243, %select_n3A_241 : i32
          %add3A_245 = arith.addi %select_n3A_244, %select_n3A_32 : i32
          %ne3A = arith.cmpi ne, %add3A_219, %add3A_237 : i32
          %or3A = arith.constant false
          %or3A_246 = arith.ori %or3A, %ne3A : i1
          %or3A_247 = arith.constant false
          %or3A_248 = arith.ori %or3A_246, %or3A_247 : i1
          %sub3A_249 = arith.constant 2 : i32
          %sub3A_250 = arith.subi %mul3A_213, %sub3A_249 : i32
          %add3A_251 = arith.constant 1 : i32
          %add3A_252 = arith.addi %sub3A_250, %add3A_251 : i32
          %ge3A = arith.cmpi sge, %while3A_206, %add3A_252 : i32
          %not3A = arith.constant true
          %not3A_253 = arith.xori %ge3A, %not3A : i1
          %and3A = arith.andi %or3A_248, %not3A_253 : i1
          %convert_element_type3A_254 = arith.extui %and3A : i1 to i32
          %cond3A_255 = arith.constant 0 : i32
          %cond3A_256 = arith.cmpi ne, %convert_element_type3A_254, %cond3A_255 : i32
          scf.if %cond3A_256 {
            "tpu.trace_start"() <{level = 10 : i32, message = "ep_copy_in"}> : () -> ()
            %rem3A_369 = arith.constant 2 : i32
            %rem3A_370 = arith.remui %while3A_207, %rem3A_369 : i32
            %mul3A_371 = arith.constant 128 : i32
            %mul3A_372 = arith.muli %mul3A_371, %add3A_237 : i32
            %dma_start3A_373 = arith.constant 0 : i32
            %dma_start3A_374 = arith.constant 0 : i32
            %dma_start3A_375 = tpu.memref_slice %run_scoped3A[%rem3A_370, %dma_start3A_373, %dma_start3A_374] : memref<2x128x128xf32, #tpu.memory_space<vmem>> -> memref<1x128x128xf32, #tpu.memory_space<vmem>>
            %dma_start3A_376 = tpu.memref_squeeze %dma_start3A_375 : memref<1x128x128xf32, #tpu.memory_space<vmem>> -> memref<128x128xf32, #tpu.memory_space<vmem>>
            %dma_start3A_377 = arith.constant 0 : i32
            %dma_start3A_378 = tpu.memref_slice %arg5[%mul3A_372, %dma_start3A_377] : memref<2048x128xf32, #tpu.memory_space<hbm>> -> memref<128x128xf32, #tpu.memory_space<hbm>>
            %dma_start3A_379 = tpu.memref_slice %run_scoped3A_57[%rem3A_370] : memref<2x!tpu.dma_semaphore, #tpu.memory_space<semaphore_mem>> -> memref<1x!tpu.dma_semaphore, #tpu.memory_space<semaphore_mem>>
            %dma_start3A_380 = tpu.memref_squeeze %dma_start3A_379 : memref<1x!tpu.dma_semaphore, #tpu.memory_space<semaphore_mem>> -> memref<!tpu.dma_semaphore, #tpu.memory_space<semaphore_mem>>
            %dma_start3A_381 = arith.constant 0 : i32
            %dma_start3A_382 = arith.constant 0 : i32
            %dma_start3A_383 = tpu.memref_slice %run_scoped3A[%rem3A_370, %dma_start3A_381, %dma_start3A_382] : memref<2x128x128xf32, #tpu.memory_space<vmem>> -> memref<1x128x128xf32, #tpu.memory_space<vmem>>
            %dma_start3A_384 = tpu.memref_squeeze %dma_start3A_383 : memref<1x128x128xf32, #tpu.memory_space<vmem>> -> memref<128x128xf32, #tpu.memory_space<vmem>>
            %dma_start3A_385 = arith.constant 0 : i32
            %dma_start3A_386 = tpu.memref_slice %arg5[%mul3A_372, %dma_start3A_385] : memref<2048x128xf32, #tpu.memory_space<hbm>> -> memref<128x128xf32, #tpu.memory_space<hbm>>
            tpu.enqueue_dma source(%dma_start3A_386 : memref<128x128xf32, #tpu.memory_space<hbm>>) target(%dma_start3A_384 : memref<128x128xf32, #tpu.memory_space<vmem>>) target_semaphore(%dma_start3A_380 : memref<!tpu.dma_semaphore, #tpu.memory_space<semaphore_mem>>)
            "tpu.trace_stop"() : () -> ()
          } else {
          }
          %and3A_257 = arith.constant true
          %and3A_258 = arith.andi %and3A, %and3A_257 : i1
          %add3A_259 = arith.constant 1 : i32
          %add3A_260 = arith.addi %while3A_207, %add3A_259 : i32
          %select_n3A_261 = arith.select %and3A_258, %add3A_260, %while3A_207 : i32
          %ne3A_262 = arith.cmpi ne, %add3A_219, %add3A_237 : i32
          %or3A_263 = arith.constant false
          %or3A_264 = arith.ori %or3A_263, %ne3A_262 : i1
          %sub3A_265 = arith.constant 2 : i32
          %sub3A_266 = arith.subi %mul3A_213, %sub3A_265 : i32
          %add3A_267 = arith.constant 1 : i32
          %add3A_268 = arith.addi %sub3A_266, %add3A_267 : i32
          %ge3A_269 = arith.cmpi sge, %while3A_206, %add3A_268 : i32
          %not3A_270 = arith.constant true
          %not3A_271 = arith.xori %ge3A_269, %not3A_270 : i1
          %and3A_272 = arith.andi %or3A_264, %not3A_271 : i1
          %convert_element_type3A_273 = arith.extui %and3A_272 : i1 to i32
          %cond3A_274 = arith.constant 0 : i32
          %cond3A_275 = arith.cmpi ne, %convert_element_type3A_273, %cond3A_274 : i32
          scf.if %cond3A_275 {
            "tpu.trace_start"() <{level = 10 : i32, message = "ep_copy_in"}> : () -> ()
            %rem3A_369 = arith.constant 2 : i32
            %rem3A_370 = arith.remui %while3A_209, %rem3A_369 : i32
            %mul3A_371 = arith.constant 128 : i32
            %mul3A_372 = arith.muli %mul3A_371, %add3A_237 : i32
            %dma_start3A_373 = arith.constant 0 : i32
            %dma_start3A_374 = arith.constant 0 : i32
            %dma_start3A_375 = tpu.memref_slice %run_scoped3A_58[%rem3A_370, %dma_start3A_373, %dma_start3A_374] : memref<2x1x128xi32, #tpu.memory_space<vmem>> -> memref<1x1x128xi32, #tpu.memory_space<vmem>>
            %dma_start3A_376 = tpu.memref_squeeze %dma_start3A_375 : memref<1x1x128xi32, #tpu.memory_space<vmem>> -> memref<1x128xi32, #tpu.memory_space<vmem>>
            %dma_start3A_377 = arith.constant 0 : i32
            %dma_start3A_378 = tpu.memref_slice %arg7[%dma_start3A_377, %mul3A_372] : memref<1x2048xi32, #tpu.memory_space<hbm>> -> memref<1x128xi32, #tpu.memory_space<hbm>>
            %dma_start3A_379 = tpu.memref_slice %run_scoped3A_59[%rem3A_370] : memref<2x!tpu.dma_semaphore, #tpu.memory_space<semaphore_mem>> -> memref<1x!tpu.dma_semaphore, #tpu.memory_space<semaphore_mem>>
            %dma_start3A_380 = tpu.memref_squeeze %dma_start3A_379 : memref<1x!tpu.dma_semaphore, #tpu.memory_space<semaphore_mem>> -> memref<!tpu.dma_semaphore, #tpu.memory_space<semaphore_mem>>
            %dma_start3A_381 = arith.constant 0 : i32
            %dma_start3A_382 = arith.constant 0 : i32
            %dma_start3A_383 = tpu.memref_slice %run_scoped3A_58[%rem3A_370, %dma_start3A_381, %dma_start3A_382] : memref<2x1x128xi32, #tpu.memory_space<vmem>> -> memref<1x1x128xi32, #tpu.memory_space<vmem>>
            %dma_start3A_384 = tpu.memref_squeeze %dma_start3A_383 : memref<1x1x128xi32, #tpu.memory_space<vmem>> -> memref<1x128xi32, #tpu.memory_space<vmem>>
            %dma_start3A_385 = arith.constant 0 : i32
            %dma_start3A_386 = tpu.memref_slice %arg7[%dma_start3A_385, %mul3A_372] : memref<1x2048xi32, #tpu.memory_space<hbm>> -> memref<1x128xi32, #tpu.memory_space<hbm>>
            tpu.enqueue_dma source(%dma_start3A_386 : memref<1x128xi32, #tpu.memory_space<hbm>>) target(%dma_start3A_384 : memref<1x128xi32, #tpu.memory_space<vmem>>) target_semaphore(%dma_start3A_380 : memref<!tpu.dma_semaphore, #tpu.memory_space<semaphore_mem>>)
            "tpu.trace_stop"() : () -> ()
          } else {
          }
          %and3A_276 = arith.constant true
          %and3A_277 = arith.andi %and3A_272, %and3A_276 : i1
          %add3A_278 = arith.constant 1 : i32
          %add3A_279 = arith.addi %while3A_209, %add3A_278 : i32
          %select_n3A_280 = arith.select %and3A_277, %add3A_279, %while3A_209 : i32
          %ne3A_281 = arith.cmpi ne, %add3A_219, %add3A_229 : i32
          %or3A_282 = arith.constant false
          %or3A_283 = arith.ori %or3A_282, %ne3A_281 : i1
          %or3A_284 = arith.constant false
          %or3A_285 = arith.ori %or3A_283, %or3A_284 : i1
          %or3A_286 = arith.ori %or3A_285, %eq3A_215 : i1
          %convert_element_type3A_287 = arith.extui %or3A_286 : i1 to i32
          %cond3A_288 = arith.constant 0 : i32
          %cond3A_289 = arith.cmpi ne, %convert_element_type3A_287, %cond3A_288 : i32
          scf.if %cond3A_289 {
            "tpu.trace_start"() <{level = 10 : i32, message = "ep_wait_in"}> : () -> ()
            %mul3A_369 = arith.constant 128 : i32
            %mul3A_370 = arith.muli %mul3A_369, %add3A_219 : i32
            %rem3A_371 = arith.constant 2 : i32
            %rem3A_372 = arith.remui %while3A_208, %rem3A_371 : i32
            %dma_wait3A = arith.constant 0 : i32
            %dma_wait3A_373 = arith.constant 0 : i32
            %dma_wait3A_374 = tpu.memref_slice %run_scoped3A[%rem3A_372, %dma_wait3A, %dma_wait3A_373] : memref<2x128x128xf32, #tpu.memory_space<vmem>> -> memref<1x128x128xf32, #tpu.memory_space<vmem>>
            %dma_wait3A_375 = tpu.memref_squeeze %dma_wait3A_374 : memref<1x128x128xf32, #tpu.memory_space<vmem>> -> memref<128x128xf32, #tpu.memory_space<vmem>>
            %dma_wait3A_376 = arith.constant 0 : i32
            %dma_wait3A_377 = tpu.memref_slice %arg5[%mul3A_370, %dma_wait3A_376] : memref<2048x128xf32, #tpu.memory_space<hbm>> -> memref<128x128xf32, #tpu.memory_space<hbm>>
            %dma_wait3A_378 = tpu.memref_slice %run_scoped3A_57[%rem3A_372] : memref<2x!tpu.dma_semaphore, #tpu.memory_space<semaphore_mem>> -> memref<1x!tpu.dma_semaphore, #tpu.memory_space<semaphore_mem>>
            %dma_wait3A_379 = tpu.memref_squeeze %dma_wait3A_378 : memref<1x!tpu.dma_semaphore, #tpu.memory_space<semaphore_mem>> -> memref<!tpu.dma_semaphore, #tpu.memory_space<semaphore_mem>>
            %dma_wait3A_380 = arith.constant 0 : i32
            %dma_wait3A_381 = arith.constant 0 : i32
            %dma_wait3A_382 = tpu.memref_slice %run_scoped3A[%rem3A_372, %dma_wait3A_380, %dma_wait3A_381] : memref<2x128x128xf32, #tpu.memory_space<vmem>> -> memref<1x128x128xf32, #tpu.memory_space<vmem>>
            %dma_wait3A_383 = tpu.memref_squeeze %dma_wait3A_382 : memref<1x128x128xf32, #tpu.memory_space<vmem>> -> memref<128x128xf32, #tpu.memory_space<vmem>>
            %dma_wait3A_384 = arith.constant 0 : i32
            %dma_wait3A_385 = tpu.memref_slice %arg5[%mul3A_370, %dma_wait3A_384] : memref<2048x128xf32, #tpu.memory_space<hbm>> -> memref<128x128xf32, #tpu.memory_space<hbm>>
            tpu.wait_dma2 semaphore(%dma_wait3A_379 : memref<!tpu.dma_semaphore, #tpu.memory_space<semaphore_mem>>) src(%dma_wait3A_385 : memref<128x128xf32, #tpu.memory_space<hbm>>) dst(%dma_wait3A_383 : memref<128x128xf32, #tpu.memory_space<vmem>>)
            "tpu.trace_stop"() : () -> ()
          } else {
          }
          %ne3A_290 = arith.cmpi ne, %add3A_219, %add3A_229 : i32
          %or3A_291 = arith.constant false
          %or3A_292 = arith.ori %or3A_291, %ne3A_290 : i1
          %or3A_293 = arith.ori %or3A_292, %eq3A_215 : i1
          %convert_element_type3A_294 = arith.extui %or3A_293 : i1 to i32
          %cond3A_295 = arith.constant 0 : i32
          %cond3A_296 = arith.cmpi ne, %convert_element_type3A_294, %cond3A_295 : i32
          scf.if %cond3A_296 {
            "tpu.trace_start"() <{level = 10 : i32, message = "ep_wait_in"}> : () -> ()
            %mul3A_369 = arith.constant 128 : i32
            %mul3A_370 = arith.muli %mul3A_369, %add3A_219 : i32
            %rem3A_371 = arith.constant 2 : i32
            %rem3A_372 = arith.remui %while3A_210, %rem3A_371 : i32
            %dma_wait3A = arith.constant 0 : i32
            %dma_wait3A_373 = arith.constant 0 : i32
            %dma_wait3A_374 = tpu.memref_slice %run_scoped3A_58[%rem3A_372, %dma_wait3A, %dma_wait3A_373] : memref<2x1x128xi32, #tpu.memory_space<vmem>> -> memref<1x1x128xi32, #tpu.memory_space<vmem>>
            %dma_wait3A_375 = tpu.memref_squeeze %dma_wait3A_374 : memref<1x1x128xi32, #tpu.memory_space<vmem>> -> memref<1x128xi32, #tpu.memory_space<vmem>>
            %dma_wait3A_376 = arith.constant 0 : i32
            %dma_wait3A_377 = tpu.memref_slice %arg7[%dma_wait3A_376, %mul3A_370] : memref<1x2048xi32, #tpu.memory_space<hbm>> -> memref<1x128xi32, #tpu.memory_space<hbm>>
            %dma_wait3A_378 = tpu.memref_slice %run_scoped3A_59[%rem3A_372] : memref<2x!tpu.dma_semaphore, #tpu.memory_space<semaphore_mem>> -> memref<1x!tpu.dma_semaphore, #tpu.memory_space<semaphore_mem>>
            %dma_wait3A_379 = tpu.memref_squeeze %dma_wait3A_378 : memref<1x!tpu.dma_semaphore, #tpu.memory_space<semaphore_mem>> -> memref<!tpu.dma_semaphore, #tpu.memory_space<semaphore_mem>>
            %dma_wait3A_380 = arith.constant 0 : i32
            %dma_wait3A_381 = arith.constant 0 : i32
            %dma_wait3A_382 = tpu.memref_slice %run_scoped3A_58[%rem3A_372, %dma_wait3A_380, %dma_wait3A_381] : memref<2x1x128xi32, #tpu.memory_space<vmem>> -> memref<1x1x128xi32, #tpu.memory_space<vmem>>
            %dma_wait3A_383 = tpu.memref_squeeze %dma_wait3A_382 : memref<1x1x128xi32, #tpu.memory_space<vmem>> -> memref<1x128xi32, #tpu.memory_space<vmem>>
            %dma_wait3A_384 = arith.constant 0 : i32
            %dma_wait3A_385 = tpu.memref_slice %arg7[%dma_wait3A_384, %mul3A_370] : memref<1x2048xi32, #tpu.memory_space<hbm>> -> memref<1x128xi32, #tpu.memory_space<hbm>>
            tpu.wait_dma2 semaphore(%dma_wait3A_379 : memref<!tpu.dma_semaphore, #tpu.memory_space<semaphore_mem>>) src(%dma_wait3A_385 : memref<1x128xi32, #tpu.memory_space<hbm>>) dst(%dma_wait3A_383 : memref<1x128xi32, #tpu.memory_space<vmem>>)
            "tpu.trace_stop"() : () -> ()
          } else {
          }
          %rem3A_297 = arith.constant 2 : i32
          %rem3A_298 = arith.remui %while3A_208, %rem3A_297 : i32
          %rem3A_299 = arith.constant 2 : i32
          %rem3A_300 = arith.remui %while3A_210, %rem3A_299 : i32
          %run_scoped3A_301 = arith.constant 0 : i32
          "tpu.trace_start"() <{level = 10 : i32, message = "ep_run_kernel"}> : () -> ()
          "tpu.region"() ({
            %run_scoped3A_369 = tpu.sem_alloc : memref<!tpu.dma_semaphore, #tpu.memory_space<semaphore_mem>>
            %dma_start3A_370 = arith.constant 0 : i32
            %dma_start3A_371 = arith.constant 0 : i32
            %dma_start3A_372 = tpu.memref_slice %run_scoped3A[%rem3A_298, %dma_start3A_370, %dma_start3A_371] : memref<2x128x128xf32, #tpu.memory_space<vmem>> -> memref<1x128x128xf32, #tpu.memory_space<vmem>>
            %dma_start3A_373 = tpu.memref_squeeze %dma_start3A_372 : memref<1x128x128xf32, #tpu.memory_space<vmem>> -> memref<128x128xf32, #tpu.memory_space<vmem>>
            %dma_start3A_374 = arith.constant 0 : i32
            %dma_start3A_375 = arith.constant 0 : i32
            %dma_start3A_376 = tpu.memref_slice %run_scoped3A_58[%rem3A_300, %dma_start3A_374, %dma_start3A_375] : memref<2x1x128xi32, #tpu.memory_space<vmem>> -> memref<1x1x128xi32, #tpu.memory_space<vmem>>
            %dma_start3A_377 = tpu.memref_squeeze %dma_start3A_376 : memref<1x1x128xi32, #tpu.memory_space<vmem>> -> memref<1x128xi32, #tpu.memory_space<vmem>>
            %dma_start3A_378 = arith.constant 0 : i32
            %dma_start3A_379 = tpu.memref_slice %dma_start3A_377[%run_scoped3A_301, %dma_start3A_378] : memref<1x128xi32, #tpu.memory_space<vmem>> -> memref<1x128xi32, #tpu.memory_space<vmem>>
            %dma_start3A_380 = tpu.memref_squeeze %dma_start3A_379 : memref<1x128xi32, #tpu.memory_space<vmem>> -> memref<128xi32, #tpu.memory_space<vmem>>
            %dma_start3A_381 = arith.constant 0 : i32
            %dma_start3A_382 = arith.constant 0 : i32
            %dma_start3A_383 = tpu.memref_slice %arg10[%dma_start3A_381, %dma_start3A_382] : memref<5120x128xf32, #tpu.memory_space<hbm>> -> memref<5120x128xf32, #tpu.memory_space<hbm>>
            tpu.enqueue_indirect_dma source(%dma_start3A_373 : memref<128x128xf32, #tpu.memory_space<vmem>>) target(%dma_start3A_383 : memref<5120x128xf32, #tpu.memory_space<hbm>>) offsets(%dma_start3A_380 : memref<128xi32, #tpu.memory_space<vmem>>) semaphore(%run_scoped3A_369 : memref<!tpu.dma_semaphore, #tpu.memory_space<semaphore_mem>>)
            %dma_wait3A = arith.constant 0 : i32
            %dma_wait3A_384 = arith.constant 0 : i32
            %dma_wait3A_385 = tpu.memref_slice %run_scoped3A[%rem3A_298, %dma_wait3A, %dma_wait3A_384] : memref<2x128x128xf32, #tpu.memory_space<vmem>> -> memref<1x128x128xf32, #tpu.memory_space<vmem>>
            %dma_wait3A_386 = tpu.memref_squeeze %dma_wait3A_385 : memref<1x128x128xf32, #tpu.memory_space<vmem>> -> memref<128x128xf32, #tpu.memory_space<vmem>>
            %dma_wait3A_387 = arith.constant 0 : i32
            %dma_wait3A_388 = arith.constant 0 : i32
            %dma_wait3A_389 = tpu.memref_slice %run_scoped3A_58[%rem3A_300, %dma_wait3A_387, %dma_wait3A_388] : memref<2x1x128xi32, #tpu.memory_space<vmem>> -> memref<1x1x128xi32, #tpu.memory_space<vmem>>
            %dma_wait3A_390 = tpu.memref_squeeze %dma_wait3A_389 : memref<1x1x128xi32, #tpu.memory_space<vmem>> -> memref<1x128xi32, #tpu.memory_space<vmem>>
            %dma_wait3A_391 = arith.constant 0 : i32
            %dma_wait3A_392 = tpu.memref_slice %dma_wait3A_390[%run_scoped3A_301, %dma_wait3A_391] : memref<1x128xi32, #tpu.memory_space<vmem>> -> memref<1x128xi32, #tpu.memory_space<vmem>>
            %dma_wait3A_393 = tpu.memref_squeeze %dma_wait3A_392 : memref<1x128xi32, #tpu.memory_space<vmem>> -> memref<128xi32, #tpu.memory_space<vmem>>
            %dma_wait3A_394 = arith.constant 0 : i32
            %dma_wait3A_395 = arith.constant 0 : i32
            %dma_wait3A_396 = tpu.memref_slice %arg10[%dma_wait3A_394, %dma_wait3A_395] : memref<5120x128xf32, #tpu.memory_space<hbm>> -> memref<5120x128xf32, #tpu.memory_space<hbm>>
            tpu.wait_indirect_dma semaphore(%run_scoped3A_369 : memref<!tpu.dma_semaphore, #tpu.memory_space<semaphore_mem>>) src(%dma_wait3A_386 : memref<128x128xf32, #tpu.memory_space<vmem>>) dst(%dma_wait3A_396 : memref<5120x128xf32, #tpu.memory_space<hbm>>)
            tpu.yield
          }) : () -> ()
          "tpu.trace_stop"() : () -> ()
          %ne3A_302 = arith.cmpi ne, %add3A_219, %add3A_237 : i32
          %or3A_303 = arith.constant false
          %or3A_304 = arith.ori %or3A_303, %ne3A_302 : i1
          %or3A_305 = arith.constant false
          %or3A_306 = arith.ori %or3A_304, %or3A_305 : i1
          %or3A_307 = arith.ori %or3A_306, %eq3A_218 : i1
          %convert_element_type3A_308 = arith.extui %or3A_307 : i1 to i32
          %cond3A_309 = arith.constant 0 : i32
          %cond3A_310 = arith.cmpi ne, %convert_element_type3A_308, %cond3A_309 : i32
          scf.if %cond3A_310 {
          } else {
          }
          %and3A_311 = arith.constant false
          %and3A_312 = arith.andi %or3A_307, %and3A_311 : i1
          %ne3A_313 = arith.cmpi ne, %add3A_219, %add3A_237 : i32
          %or3A_314 = arith.constant false
          %or3A_315 = arith.ori %or3A_314, %ne3A_313 : i1
          %or3A_316 = arith.ori %or3A_315, %eq3A_218 : i1
          %convert_element_type3A_317 = arith.extui %or3A_316 : i1 to i32
          %cond3A_318 = arith.constant 0 : i32
          %cond3A_319 = arith.cmpi ne, %convert_element_type3A_317, %cond3A_318 : i32
          scf.if %cond3A_319 {
          } else {
          }
          %and3A_320 = arith.constant false
          %and3A_321 = arith.andi %or3A_316, %and3A_320 : i1
          %ne3A_322 = arith.cmpi ne, %add3A_219, %add3A_229 : i32
          %or3A_323 = arith.constant false
          %or3A_324 = arith.ori %or3A_323, %ne3A_322 : i1
          %or3A_325 = arith.constant false
          %or3A_326 = arith.ori %or3A_324, %or3A_325 : i1
          %not3A_327 = arith.constant true
          %not3A_328 = arith.xori %eq3A_215, %not3A_327 : i1
          %and3A_329 = arith.andi %or3A_326, %not3A_328 : i1
          %convert_element_type3A_330 = arith.extui %and3A_329 : i1 to i32
          %cond3A_331 = arith.constant 0 : i32
          %cond3A_332 = arith.cmpi ne, %convert_element_type3A_330, %cond3A_331 : i32
          scf.if %cond3A_332 {
          } else {
          }
          %and3A_333 = arith.constant false
          %and3A_334 = arith.andi %and3A_329, %and3A_333 : i1
          %ne3A_335 = arith.cmpi ne, %add3A_219, %add3A_229 : i32
          %or3A_336 = arith.constant false
          %or3A_337 = arith.ori %or3A_336, %ne3A_335 : i1
          %not3A_338 = arith.constant true
          %not3A_339 = arith.xori %eq3A_215, %not3A_338 : i1
          %and3A_340 = arith.andi %or3A_337, %not3A_339 : i1
          %convert_element_type3A_341 = arith.extui %and3A_340 : i1 to i32
          %cond3A_342 = arith.constant 0 : i32
          %cond3A_343 = arith.cmpi ne, %convert_element_type3A_341, %cond3A_342 : i32
          scf.if %cond3A_343 {
          } else {
          }
          %and3A_344 = arith.constant false
          %and3A_345 = arith.andi %and3A_340, %and3A_344 : i1
          %ne3A_346 = arith.cmpi ne, %add3A_219, %add3A_237 : i32
          %or3A_347 = arith.constant false
          %or3A_348 = arith.ori %or3A_347, %ne3A_346 : i1
          %or3A_349 = arith.constant false
          %or3A_350 = arith.ori %or3A_348, %or3A_349 : i1
          %or3A_351 = arith.ori %or3A_350, %eq3A_218 : i1
          %add3A_352 = arith.constant 1 : i32
          %add3A_353 = arith.addi %while3A_208, %add3A_352 : i32
          %select_n3A_354 = arith.select %or3A_351, %add3A_353, %while3A_208 : i32
          %ne3A_355 = arith.cmpi ne, %add3A_219, %add3A_237 : i32
          %or3A_356 = arith.constant false
          %or3A_357 = arith.ori %or3A_356, %ne3A_355 : i1
          %or3A_358 = arith.ori %or3A_357, %eq3A_218 : i1
          %add3A_359 = arith.constant 1 : i32
          %add3A_360 = arith.addi %while3A_210, %add3A_359 : i32
          %select_n3A_361 = arith.select %or3A_358, %add3A_360, %while3A_210 : i32
          %add3A_362 = arith.constant 1 : i32
          %add3A_363 = arith.addi %while3A_211, %add3A_362 : i32
          %select_n3A_364 = arith.constant true
          %select_n3A_365 = arith.select %select_n3A_364, %add3A_363, %while3A_211 : i32
          %eq3A_366 = arith.cmpi eq, %select_n3A_365, %select_n3A : i32
          %select_n3A_367 = arith.constant 0 : i32
          %select_n3A_368 = arith.select %eq3A_366, %select_n3A_367, %select_n3A_365 : i32
          scf.yield %select_n3A_261, %select_n3A_354, %select_n3A_280, %select_n3A_361, %select_n3A_368 : i32, i32, i32, i32, i32
        }
        %sub3A_155 = arith.constant 1 : i32
        %sub3A_156 = arith.subi %while3A_154#4, %sub3A_155 : i32
        %select_n3A_157 = arith.constant true
        %select_n3A_158 = arith.select %select_n3A_157, %sub3A_156, %while3A_154#4 : i32
        %eq3A_159 = arith.constant -1 : i32
        %eq3A_160 = arith.cmpi eq, %select_n3A_158, %eq3A_159 : i32
        %sub3A_161 = arith.constant 1 : i32
        %sub3A_162 = arith.subi %select_n3A, %sub3A_161 : i32
        %select_n3A_163 = arith.select %eq3A_160, %sub3A_162, %select_n3A_158 : i32
        %sub3A_164 = arith.constant 1 : i32
        %sub3A_165 = arith.subi %mul3A_34, %sub3A_164 : i32
        %mul3A_166 = arith.constant 1 : i32
        %mul3A_167 = arith.muli %mul3A_166, %select_n3A : i32
        %eq3A_168 = arith.constant 0 : i32
        %eq3A_169 = arith.cmpi eq, %sub3A_165, %eq3A_168 : i32
        %sub3A_170 = arith.constant 1 : i32
        %sub3A_171 = arith.subi %mul3A_167, %sub3A_170 : i32
        %eq3A_172 = arith.cmpi eq, %sub3A_165, %sub3A_171 : i32
        %add3A_173 = arith.addi %select_n3A_163, %select_n3A_32 : i32
        %sub3A_174 = arith.constant 1 : i32
        %sub3A_175 = arith.subi %select_n3A_163, %sub3A_174 : i32
        %select_n3A_176 = arith.constant true
        %select_n3A_177 = arith.select %select_n3A_176, %sub3A_175, %select_n3A_163 : i32
        %eq3A_178 = arith.constant -1 : i32
        %eq3A_179 = arith.cmpi eq, %select_n3A_177, %eq3A_178 : i32
        %sub3A_180 = arith.constant 1 : i32
        %sub3A_181 = arith.subi %select_n3A, %sub3A_180 : i32
        %select_n3A_182 = arith.select %eq3A_179, %sub3A_181, %select_n3A_177 : i32
        %add3A_183 = arith.addi %select_n3A_182, %select_n3A_32 : i32
        %add3A_184 = arith.constant 1 : i32
        %add3A_185 = arith.addi %select_n3A_163, %add3A_184 : i32
        %select_n3A_186 = arith.constant true
        %select_n3A_187 = arith.select %select_n3A_186, %add3A_185, %select_n3A_163 : i32
        %eq3A_188 = arith.cmpi eq, %select_n3A_187, %select_n3A : i32
        %select_n3A_189 = arith.constant 0 : i32
        %select_n3A_190 = arith.select %eq3A_188, %select_n3A_189, %select_n3A_187 : i32
        %add3A_191 = arith.addi %select_n3A_190, %select_n3A_32 : i32
        %add3A_192 = arith.constant 1 : i32
        %add3A_193 = arith.addi %select_n3A_190, %add3A_192 : i32
        %select_n3A_194 = arith.constant true
        %select_n3A_195 = arith.select %select_n3A_194, %add3A_193, %select_n3A_190 : i32
        %eq3A_196 = arith.cmpi eq, %select_n3A_195, %select_n3A : i32
        %select_n3A_197 = arith.constant 0 : i32
        %select_n3A_198 = arith.select %eq3A_196, %select_n3A_197, %select_n3A_195 : i32
        %add3A_199 = arith.addi %select_n3A_198, %select_n3A_32 : i32
        %convert_element_type3A_200 = arith.extui %eq3A_172 : i1 to i32
        %cond3A_201 = arith.constant 0 : i32
        %cond3A_202 = arith.cmpi ne, %convert_element_type3A_200, %cond3A_201 : i32
        scf.if %cond3A_202 {
        } else {
        }
        %convert_element_type3A_203 = arith.extui %eq3A_172 : i1 to i32
        %cond3A_204 = arith.constant 0 : i32
        %cond3A_205 = arith.cmpi ne, %convert_element_type3A_203, %cond3A_204 : i32
        scf.if %cond3A_205 {
        } else {
        }
      } else {
      }
      tpu.yield
    }) : () -> ()
    %mul3A_35 = arith.constant 1 : i32
    %mul3A_36 = arith.muli %arg1, %mul3A_35 : i32
    %add3A_37 = arith.constant 0 : i32
    %add3A_38 = arith.addi %add3A_37, %mul3A_36 : i32
    %mul3A_39 = arith.constant 16 : i32
    %mul3A_40 = arith.muli %arg0, %mul3A_39 : i32
    %add3A_41 = arith.addi %add3A_38, %mul3A_40 : i32
    %lt3A_42 = arith.constant 16 : i32
    %lt3A_43 = arith.cmpi slt, %add3A_41, %lt3A_42 : i32
    %jit3A_44 = arith.constant 1 : i32
    %jit3A_45 = arith.constant 0 : i32
    %select_n3A_46 = arith.select %lt3A_43, %jit3A_44, %jit3A_45 : i32
    %lt3A_47 = arith.constant 16 : i32
    %lt3A_48 = arith.cmpi slt, %add3A_41, %lt3A_47 : i32
    %mul3A_49 = arith.muli %add3A_41, %select_n3A_46 : i32
    %mul3A_50 = arith.constant 0 : i32
    %mul3A_51 = arith.muli %add3A_41, %mul3A_50 : i32
    %add3A_52 = arith.constant 16 : i32
    %add3A_53 = arith.addi %mul3A_51, %add3A_52 : i32
    %select_n3A_54 = arith.select %lt3A_48, %mul3A_49, %add3A_53 : i32
    %mul3A_55 = arith.constant 1 : i32
    %mul3A_56 = arith.muli %mul3A_55, %select_n3A_46 : i32
    "tpu.region"() ({
      %run_scoped3A = memref.alloca() : memref<2x128x128xf32, #tpu.memory_space<vmem>>
      %run_scoped3A_57 = tpu.sem_alloc : memref<2x!tpu.dma_semaphore, #tpu.memory_space<semaphore_mem>>
      %run_scoped3A_58 = memref.alloca() : memref<2x1x128xi32, #tpu.memory_space<vmem>>
      %run_scoped3A_59 = tpu.sem_alloc : memref<2x!tpu.dma_semaphore, #tpu.memory_space<semaphore_mem>>
      %gt3A = arith.constant 0 : i32
      %gt3A_60 = arith.cmpi sgt, %mul3A_56, %gt3A : i32
      %convert_element_type3A = arith.extui %gt3A_60 : i1 to i32
      %cond3A = arith.constant 0 : i32
      %cond3A_61 = arith.cmpi ne, %convert_element_type3A, %cond3A : i32
      scf.if %cond3A_61 {
        %mul3A_62 = arith.constant 1 : i32
        %mul3A_63 = arith.muli %mul3A_62, %select_n3A_46 : i32
        %sub3A = arith.constant 1 : i32
        %sub3A_64 = arith.subi %mul3A_63, %sub3A : i32
        %eq3A = arith.constant 0 : i32
        %eq3A_65 = arith.cmpi eq, %sub3A_64, %eq3A : i32
        %add3A_66 = arith.constant 0 : i32
        %add3A_67 = arith.addi %add3A_66, %select_n3A_54 : i32
        %select_n3A_68 = arith.constant true
        %select_n3A_69 = arith.constant 0 : i32
        %select_n3A_70 = arith.constant -1 : i32
        %select_n3A_71 = arith.select %select_n3A_68, %select_n3A_70, %select_n3A_69 : i32
        %eq3A_72 = arith.constant -1 : i32
        %eq3A_73 = arith.cmpi eq, %select_n3A_71, %eq3A_72 : i32
        %sub3A_74 = arith.constant 1 : i32
        %sub3A_75 = arith.subi %select_n3A_46, %sub3A_74 : i32
        %select_n3A_76 = arith.select %eq3A_73, %sub3A_75, %select_n3A_71 : i32
        %add3A_77 = arith.addi %select_n3A_76, %select_n3A_54 : i32
        %select_n3A_78 = arith.constant true
        %select_n3A_79 = arith.constant 0 : i32
        %select_n3A_80 = arith.constant 1 : i32
        %select_n3A_81 = arith.select %select_n3A_78, %select_n3A_80, %select_n3A_79 : i32
        %eq3A_82 = arith.cmpi eq, %select_n3A_81, %select_n3A_46 : i32
        %select_n3A_83 = arith.constant 0 : i32
        %select_n3A_84 = arith.select %eq3A_82, %select_n3A_83, %select_n3A_81 : i32
        %add3A_85 = arith.addi %select_n3A_84, %select_n3A_54 : i32
        %add3A_86 = arith.constant 1 : i32
        %add3A_87 = arith.addi %select_n3A_84, %add3A_86 : i32
        %select_n3A_88 = arith.constant true
        %select_n3A_89 = arith.select %select_n3A_88, %add3A_87, %select_n3A_84 : i32
        %eq3A_90 = arith.cmpi eq, %select_n3A_89, %select_n3A_46 : i32
        %select_n3A_91 = arith.constant 0 : i32
        %select_n3A_92 = arith.select %eq3A_90, %select_n3A_91, %select_n3A_89 : i32
        %add3A_93 = arith.addi %select_n3A_92, %select_n3A_54 : i32
        "tpu.trace_start"() <{level = 10 : i32, message = "ep_initialize_0"}> : () -> ()
        %rem3A = arith.constant 0 : i32
        %rem3A_94 = arith.constant 2 : i32
        %rem3A_95 = arith.remui %rem3A, %rem3A_94 : i32
        %mul3A_96 = arith.constant 128 : i32
        %mul3A_97 = arith.muli %mul3A_96, %add3A_67 : i32
        %dma_start3A = arith.constant 0 : i32
        %dma_start3A_98 = arith.constant 0 : i32
        %dma_start3A_99 = tpu.memref_slice %run_scoped3A[%rem3A_95, %dma_start3A, %dma_start3A_98] : memref<2x128x128xf32, #tpu.memory_space<vmem>> -> memref<1x128x128xf32, #tpu.memory_space<vmem>>
        %dma_start3A_100 = tpu.memref_squeeze %dma_start3A_99 : memref<1x128x128xf32, #tpu.memory_space<vmem>> -> memref<128x128xf32, #tpu.memory_space<vmem>>
        %dma_start3A_101 = arith.constant 0 : i32
        %dma_start3A_102 = tpu.memref_slice %arg6[%mul3A_97, %dma_start3A_101] : memref<2048x128xf32, #tpu.memory_space<hbm>> -> memref<128x128xf32, #tpu.memory_space<hbm>>
        %dma_start3A_103 = tpu.memref_slice %run_scoped3A_57[%rem3A_95] : memref<2x!tpu.dma_semaphore, #tpu.memory_space<semaphore_mem>> -> memref<1x!tpu.dma_semaphore, #tpu.memory_space<semaphore_mem>>
        %dma_start3A_104 = tpu.memref_squeeze %dma_start3A_103 : memref<1x!tpu.dma_semaphore, #tpu.memory_space<semaphore_mem>> -> memref<!tpu.dma_semaphore, #tpu.memory_space<semaphore_mem>>
        %dma_start3A_105 = arith.constant 0 : i32
        %dma_start3A_106 = arith.constant 0 : i32
        %dma_start3A_107 = tpu.memref_slice %run_scoped3A[%rem3A_95, %dma_start3A_105, %dma_start3A_106] : memref<2x128x128xf32, #tpu.memory_space<vmem>> -> memref<1x128x128xf32, #tpu.memory_space<vmem>>
        %dma_start3A_108 = tpu.memref_squeeze %dma_start3A_107 : memref<1x128x128xf32, #tpu.memory_space<vmem>> -> memref<128x128xf32, #tpu.memory_space<vmem>>
        %dma_start3A_109 = arith.constant 0 : i32
        %dma_start3A_110 = tpu.memref_slice %arg6[%mul3A_97, %dma_start3A_109] : memref<2048x128xf32, #tpu.memory_space<hbm>> -> memref<128x128xf32, #tpu.memory_space<hbm>>
        tpu.enqueue_dma source(%dma_start3A_110 : memref<128x128xf32, #tpu.memory_space<hbm>>) target(%dma_start3A_108 : memref<128x128xf32, #tpu.memory_space<vmem>>) target_semaphore(%dma_start3A_104 : memref<!tpu.dma_semaphore, #tpu.memory_space<semaphore_mem>>)
        %add3A_111 = arith.constant 0 : i32
        %add3A_112 = arith.constant 1 : i32
        %add3A_113 = arith.addi %add3A_111, %add3A_112 : i32
        %select_n3A_114 = arith.constant true
        %select_n3A_115 = arith.constant 0 : i32
        %select_n3A_116 = arith.select %select_n3A_114, %add3A_113, %select_n3A_115 : i32
        %rem3A_117 = arith.constant 0 : i32
        %rem3A_118 = arith.constant 2 : i32
        %rem3A_119 = arith.remui %rem3A_117, %rem3A_118 : i32
        %mul3A_120 = arith.constant 128 : i32
        %mul3A_121 = arith.muli %mul3A_120, %add3A_67 : i32
        %dma_start3A_122 = arith.constant 0 : i32
        %dma_start3A_123 = arith.constant 0 : i32
        %dma_start3A_124 = tpu.memref_slice %run_scoped3A_58[%rem3A_119, %dma_start3A_122, %dma_start3A_123] : memref<2x1x128xi32, #tpu.memory_space<vmem>> -> memref<1x1x128xi32, #tpu.memory_space<vmem>>
        %dma_start3A_125 = tpu.memref_squeeze %dma_start3A_124 : memref<1x1x128xi32, #tpu.memory_space<vmem>> -> memref<1x128xi32, #tpu.memory_space<vmem>>
        %dma_start3A_126 = arith.constant 0 : i32
        %dma_start3A_127 = tpu.memref_slice %arg8[%dma_start3A_126, %mul3A_121] : memref<1x2048xi32, #tpu.memory_space<hbm>> -> memref<1x128xi32, #tpu.memory_space<hbm>>
        %dma_start3A_128 = tpu.memref_slice %run_scoped3A_59[%rem3A_119] : memref<2x!tpu.dma_semaphore, #tpu.memory_space<semaphore_mem>> -> memref<1x!tpu.dma_semaphore, #tpu.memory_space<semaphore_mem>>
        %dma_start3A_129 = tpu.memref_squeeze %dma_start3A_128 : memref<1x!tpu.dma_semaphore, #tpu.memory_space<semaphore_mem>> -> memref<!tpu.dma_semaphore, #tpu.memory_space<semaphore_mem>>
        %dma_start3A_130 = arith.constant 0 : i32
        %dma_start3A_131 = arith.constant 0 : i32
        %dma_start3A_132 = tpu.memref_slice %run_scoped3A_58[%rem3A_119, %dma_start3A_130, %dma_start3A_131] : memref<2x1x128xi32, #tpu.memory_space<vmem>> -> memref<1x1x128xi32, #tpu.memory_space<vmem>>
        %dma_start3A_133 = tpu.memref_squeeze %dma_start3A_132 : memref<1x1x128xi32, #tpu.memory_space<vmem>> -> memref<1x128xi32, #tpu.memory_space<vmem>>
        %dma_start3A_134 = arith.constant 0 : i32
        %dma_start3A_135 = tpu.memref_slice %arg8[%dma_start3A_134, %mul3A_121] : memref<1x2048xi32, #tpu.memory_space<hbm>> -> memref<1x128xi32, #tpu.memory_space<hbm>>
        tpu.enqueue_dma source(%dma_start3A_135 : memref<1x128xi32, #tpu.memory_space<hbm>>) target(%dma_start3A_133 : memref<1x128xi32, #tpu.memory_space<vmem>>) target_semaphore(%dma_start3A_129 : memref<!tpu.dma_semaphore, #tpu.memory_space<semaphore_mem>>)
        %add3A_136 = arith.constant 0 : i32
        %add3A_137 = arith.constant 1 : i32
        %add3A_138 = arith.addi %add3A_136, %add3A_137 : i32
        %select_n3A_139 = arith.constant true
        %select_n3A_140 = arith.constant 0 : i32
        %select_n3A_141 = arith.select %select_n3A_139, %add3A_138, %select_n3A_140 : i32
        %while3A = arith.constant 0 : i32
        %while3A_142 = arith.constant 0 : i32
        %while3A_143 = arith.constant 0 : i32
        %while3A_144 = arith.constant 0 : i32
        "tpu.trace_stop"() : () -> ()
        %while3A_145 = arith.subi %mul3A_56, %while3A : i32
        %while3A_146 = arith.addi %while3A, %while3A_145 : i32
        %while3A_147 = arith.constant 1 : i32
        %while3A_148 = arith.divsi %while3A_145, %while3A_147 : i32
        %while3A_149 = arith.muli %while3A_148, %while3A_147 : i32
        %while3A_150 = arith.addi %while3A, %while3A_149 : i32
        %while3A_151 = arith.constant 1 : i32
        %while3A_152:5 = scf.for %while3A_206 = %while3A to %while3A_150 step %while3A_151 iter_args(%while3A_207 = %select_n3A_116, %while3A_208 = %while3A_142, %while3A_209 = %select_n3A_141, %while3A_210 = %while3A_143, %while3A_211 = %while3A_144) -> (i32, i32, i32, i32, i32)  : i32 {
          %mul3A_212 = arith.constant 1 : i32
          %mul3A_213 = arith.muli %mul3A_212, %select_n3A_46 : i32
          %eq3A_214 = arith.constant 0 : i32
          %eq3A_215 = arith.cmpi eq, %while3A_206, %eq3A_214 : i32
          %sub3A_216 = arith.constant 1 : i32
          %sub3A_217 = arith.subi %mul3A_213, %sub3A_216 : i32
          %eq3A_218 = arith.cmpi eq, %while3A_206, %sub3A_217 : i32
          %add3A_219 = arith.addi %while3A_211, %select_n3A_54 : i32
          %sub3A_220 = arith.constant 1 : i32
          %sub3A_221 = arith.subi %while3A_211, %sub3A_220 : i32
          %select_n3A_222 = arith.constant true
          %select_n3A_223 = arith.select %select_n3A_222, %sub3A_221, %while3A_211 : i32
          %eq3A_224 = arith.constant -1 : i32
          %eq3A_225 = arith.cmpi eq, %select_n3A_223, %eq3A_224 : i32
          %sub3A_226 = arith.constant 1 : i32
          %sub3A_227 = arith.subi %select_n3A_46, %sub3A_226 : i32
          %select_n3A_228 = arith.select %eq3A_225, %sub3A_227, %select_n3A_223 : i32
          %add3A_229 = arith.addi %select_n3A_228, %select_n3A_54 : i32
          %add3A_230 = arith.constant 1 : i32
          %add3A_231 = arith.addi %while3A_211, %add3A_230 : i32
          %select_n3A_232 = arith.constant true
          %select_n3A_233 = arith.select %select_n3A_232, %add3A_231, %while3A_211 : i32
          %eq3A_234 = arith.cmpi eq, %select_n3A_233, %select_n3A_46 : i32
          %select_n3A_235 = arith.constant 0 : i32
          %select_n3A_236 = arith.select %eq3A_234, %select_n3A_235, %select_n3A_233 : i32
          %add3A_237 = arith.addi %select_n3A_236, %select_n3A_54 : i32
          %add3A_238 = arith.constant 1 : i32
          %add3A_239 = arith.addi %select_n3A_236, %add3A_238 : i32
          %select_n3A_240 = arith.constant true
          %select_n3A_241 = arith.select %select_n3A_240, %add3A_239, %select_n3A_236 : i32
          %eq3A_242 = arith.cmpi eq, %select_n3A_241, %select_n3A_46 : i32
          %select_n3A_243 = arith.constant 0 : i32
          %select_n3A_244 = arith.select %eq3A_242, %select_n3A_243, %select_n3A_241 : i32
          %add3A_245 = arith.addi %select_n3A_244, %select_n3A_54 : i32
          %ne3A = arith.cmpi ne, %add3A_219, %add3A_237 : i32
          %or3A = arith.constant false
          %or3A_246 = arith.ori %or3A, %ne3A : i1
          %or3A_247 = arith.constant false
          %or3A_248 = arith.ori %or3A_246, %or3A_247 : i1
          %sub3A_249 = arith.constant 2 : i32
          %sub3A_250 = arith.subi %mul3A_213, %sub3A_249 : i32
          %add3A_251 = arith.constant 1 : i32
          %add3A_252 = arith.addi %sub3A_250, %add3A_251 : i32
          %ge3A = arith.cmpi sge, %while3A_206, %add3A_252 : i32
          %not3A = arith.constant true
          %not3A_253 = arith.xori %ge3A, %not3A : i1
          %and3A = arith.andi %or3A_248, %not3A_253 : i1
          %convert_element_type3A_254 = arith.extui %and3A : i1 to i32
          %cond3A_255 = arith.constant 0 : i32
          %cond3A_256 = arith.cmpi ne, %convert_element_type3A_254, %cond3A_255 : i32
          scf.if %cond3A_256 {
            "tpu.trace_start"() <{level = 10 : i32, message = "ep_copy_in"}> : () -> ()
            %rem3A_369 = arith.constant 2 : i32
            %rem3A_370 = arith.remui %while3A_207, %rem3A_369 : i32
            %mul3A_371 = arith.constant 128 : i32
            %mul3A_372 = arith.muli %mul3A_371, %add3A_237 : i32
            %dma_start3A_373 = arith.constant 0 : i32
            %dma_start3A_374 = arith.constant 0 : i32
            %dma_start3A_375 = tpu.memref_slice %run_scoped3A[%rem3A_370, %dma_start3A_373, %dma_start3A_374] : memref<2x128x128xf32, #tpu.memory_space<vmem>> -> memref<1x128x128xf32, #tpu.memory_space<vmem>>
            %dma_start3A_376 = tpu.memref_squeeze %dma_start3A_375 : memref<1x128x128xf32, #tpu.memory_space<vmem>> -> memref<128x128xf32, #tpu.memory_space<vmem>>
            %dma_start3A_377 = arith.constant 0 : i32
            %dma_start3A_378 = tpu.memref_slice %arg6[%mul3A_372, %dma_start3A_377] : memref<2048x128xf32, #tpu.memory_space<hbm>> -> memref<128x128xf32, #tpu.memory_space<hbm>>
            %dma_start3A_379 = tpu.memref_slice %run_scoped3A_57[%rem3A_370] : memref<2x!tpu.dma_semaphore, #tpu.memory_space<semaphore_mem>> -> memref<1x!tpu.dma_semaphore, #tpu.memory_space<semaphore_mem>>
            %dma_start3A_380 = tpu.memref_squeeze %dma_start3A_379 : memref<1x!tpu.dma_semaphore, #tpu.memory_space<semaphore_mem>> -> memref<!tpu.dma_semaphore, #tpu.memory_space<semaphore_mem>>
            %dma_start3A_381 = arith.constant 0 : i32
            %dma_start3A_382 = arith.constant 0 : i32
            %dma_start3A_383 = tpu.memref_slice %run_scoped3A[%rem3A_370, %dma_start3A_381, %dma_start3A_382] : memref<2x128x128xf32, #tpu.memory_space<vmem>> -> memref<1x128x128xf32, #tpu.memory_space<vmem>>
            %dma_start3A_384 = tpu.memref_squeeze %dma_start3A_383 : memref<1x128x128xf32, #tpu.memory_space<vmem>> -> memref<128x128xf32, #tpu.memory_space<vmem>>
            %dma_start3A_385 = arith.constant 0 : i32
            %dma_start3A_386 = tpu.memref_slice %arg6[%mul3A_372, %dma_start3A_385] : memref<2048x128xf32, #tpu.memory_space<hbm>> -> memref<128x128xf32, #tpu.memory_space<hbm>>
            tpu.enqueue_dma source(%dma_start3A_386 : memref<128x128xf32, #tpu.memory_space<hbm>>) target(%dma_start3A_384 : memref<128x128xf32, #tpu.memory_space<vmem>>) target_semaphore(%dma_start3A_380 : memref<!tpu.dma_semaphore, #tpu.memory_space<semaphore_mem>>)
            "tpu.trace_stop"() : () -> ()
          } else {
          }
          %and3A_257 = arith.constant true
          %and3A_258 = arith.andi %and3A, %and3A_257 : i1
          %add3A_259 = arith.constant 1 : i32
          %add3A_260 = arith.addi %while3A_207, %add3A_259 : i32
          %select_n3A_261 = arith.select %and3A_258, %add3A_260, %while3A_207 : i32
          %ne3A_262 = arith.cmpi ne, %add3A_219, %add3A_237 : i32
          %or3A_263 = arith.constant false
          %or3A_264 = arith.ori %or3A_263, %ne3A_262 : i1
          %sub3A_265 = arith.constant 2 : i32
          %sub3A_266 = arith.subi %mul3A_213, %sub3A_265 : i32
          %add3A_267 = arith.constant 1 : i32
          %add3A_268 = arith.addi %sub3A_266, %add3A_267 : i32
          %ge3A_269 = arith.cmpi sge, %while3A_206, %add3A_268 : i32
          %not3A_270 = arith.constant true
          %not3A_271 = arith.xori %ge3A_269, %not3A_270 : i1
          %and3A_272 = arith.andi %or3A_264, %not3A_271 : i1
          %convert_element_type3A_273 = arith.extui %and3A_272 : i1 to i32
          %cond3A_274 = arith.constant 0 : i32
          %cond3A_275 = arith.cmpi ne, %convert_element_type3A_273, %cond3A_274 : i32
          scf.if %cond3A_275 {
            "tpu.trace_start"() <{level = 10 : i32, message = "ep_copy_in"}> : () -> ()
            %rem3A_369 = arith.constant 2 : i32
            %rem3A_370 = arith.remui %while3A_209, %rem3A_369 : i32
            %mul3A_371 = arith.constant 128 : i32
            %mul3A_372 = arith.muli %mul3A_371, %add3A_237 : i32
            %dma_start3A_373 = arith.constant 0 : i32
            %dma_start3A_374 = arith.constant 0 : i32
            %dma_start3A_375 = tpu.memref_slice %run_scoped3A_58[%rem3A_370, %dma_start3A_373, %dma_start3A_374] : memref<2x1x128xi32, #tpu.memory_space<vmem>> -> memref<1x1x128xi32, #tpu.memory_space<vmem>>
            %dma_start3A_376 = tpu.memref_squeeze %dma_start3A_375 : memref<1x1x128xi32, #tpu.memory_space<vmem>> -> memref<1x128xi32, #tpu.memory_space<vmem>>
            %dma_start3A_377 = arith.constant 0 : i32
            %dma_start3A_378 = tpu.memref_slice %arg8[%dma_start3A_377, %mul3A_372] : memref<1x2048xi32, #tpu.memory_space<hbm>> -> memref<1x128xi32, #tpu.memory_space<hbm>>
            %dma_start3A_379 = tpu.memref_slice %run_scoped3A_59[%rem3A_370] : memref<2x!tpu.dma_semaphore, #tpu.memory_space<semaphore_mem>> -> memref<1x!tpu.dma_semaphore, #tpu.memory_space<semaphore_mem>>
            %dma_start3A_380 = tpu.memref_squeeze %dma_start3A_379 : memref<1x!tpu.dma_semaphore, #tpu.memory_space<semaphore_mem>> -> memref<!tpu.dma_semaphore, #tpu.memory_space<semaphore_mem>>
            %dma_start3A_381 = arith.constant 0 : i32
            %dma_start3A_382 = arith.constant 0 : i32
            %dma_start3A_383 = tpu.memref_slice %run_scoped3A_58[%rem3A_370, %dma_start3A_381, %dma_start3A_382] : memref<2x1x128xi32, #tpu.memory_space<vmem>> -> memref<1x1x128xi32, #tpu.memory_space<vmem>>
            %dma_start3A_384 = tpu.memref_squeeze %dma_start3A_383 : memref<1x1x128xi32, #tpu.memory_space<vmem>> -> memref<1x128xi32, #tpu.memory_space<vmem>>
            %dma_start3A_385 = arith.constant 0 : i32
            %dma_start3A_386 = tpu.memref_slice %arg8[%dma_start3A_385, %mul3A_372] : memref<1x2048xi32, #tpu.memory_space<hbm>> -> memref<1x128xi32, #tpu.memory_space<hbm>>
            tpu.enqueue_dma source(%dma_start3A_386 : memref<1x128xi32, #tpu.memory_space<hbm>>) target(%dma_start3A_384 : memref<1x128xi32, #tpu.memory_space<vmem>>) target_semaphore(%dma_start3A_380 : memref<!tpu.dma_semaphore, #tpu.memory_space<semaphore_mem>>)
            "tpu.trace_stop"() : () -> ()
          } else {
          }
          %and3A_276 = arith.constant true
          %and3A_277 = arith.andi %and3A_272, %and3A_276 : i1
          %add3A_278 = arith.constant 1 : i32
          %add3A_279 = arith.addi %while3A_209, %add3A_278 : i32
          %select_n3A_280 = arith.select %and3A_277, %add3A_279, %while3A_209 : i32
          %ne3A_281 = arith.cmpi ne, %add3A_219, %add3A_229 : i32
          %or3A_282 = arith.constant false
          %or3A_283 = arith.ori %or3A_282, %ne3A_281 : i1
          %or3A_284 = arith.constant false
          %or3A_285 = arith.ori %or3A_283, %or3A_284 : i1
          %or3A_286 = arith.ori %or3A_285, %eq3A_215 : i1
          %convert_element_type3A_287 = arith.extui %or3A_286 : i1 to i32
          %cond3A_288 = arith.constant 0 : i32
          %cond3A_289 = arith.cmpi ne, %convert_element_type3A_287, %cond3A_288 : i32
          scf.if %cond3A_289 {
            "tpu.trace_start"() <{level = 10 : i32, message = "ep_wait_in"}> : () -> ()
            %mul3A_369 = arith.constant 128 : i32
            %mul3A_370 = arith.muli %mul3A_369, %add3A_219 : i32
            %rem3A_371 = arith.constant 2 : i32
            %rem3A_372 = arith.remui %while3A_208, %rem3A_371 : i32
            %dma_wait3A = arith.constant 0 : i32
            %dma_wait3A_373 = arith.constant 0 : i32
            %dma_wait3A_374 = tpu.memref_slice %run_scoped3A[%rem3A_372, %dma_wait3A, %dma_wait3A_373] : memref<2x128x128xf32, #tpu.memory_space<vmem>> -> memref<1x128x128xf32, #tpu.memory_space<vmem>>
            %dma_wait3A_375 = tpu.memref_squeeze %dma_wait3A_374 : memref<1x128x128xf32, #tpu.memory_space<vmem>> -> memref<128x128xf32, #tpu.memory_space<vmem>>
            %dma_wait3A_376 = arith.constant 0 : i32
            %dma_wait3A_377 = tpu.memref_slice %arg6[%mul3A_370, %dma_wait3A_376] : memref<2048x128xf32, #tpu.memory_space<hbm>> -> memref<128x128xf32, #tpu.memory_space<hbm>>
            %dma_wait3A_378 = tpu.memref_slice %run_scoped3A_57[%rem3A_372] : memref<2x!tpu.dma_semaphore, #tpu.memory_space<semaphore_mem>> -> memref<1x!tpu.dma_semaphore, #tpu.memory_space<semaphore_mem>>
            %dma_wait3A_379 = tpu.memref_squeeze %dma_wait3A_378 : memref<1x!tpu.dma_semaphore, #tpu.memory_space<semaphore_mem>> -> memref<!tpu.dma_semaphore, #tpu.memory_space<semaphore_mem>>
            %dma_wait3A_380 = arith.constant 0 : i32
            %dma_wait3A_381 = arith.constant 0 : i32
            %dma_wait3A_382 = tpu.memref_slice %run_scoped3A[%rem3A_372, %dma_wait3A_380, %dma_wait3A_381] : memref<2x128x128xf32, #tpu.memory_space<vmem>> -> memref<1x128x128xf32, #tpu.memory_space<vmem>>
            %dma_wait3A_383 = tpu.memref_squeeze %dma_wait3A_382 : memref<1x128x128xf32, #tpu.memory_space<vmem>> -> memref<128x128xf32, #tpu.memory_space<vmem>>
            %dma_wait3A_384 = arith.constant 0 : i32
            %dma_wait3A_385 = tpu.memref_slice %arg6[%mul3A_370, %dma_wait3A_384] : memref<2048x128xf32, #tpu.memory_space<hbm>> -> memref<128x128xf32, #tpu.memory_space<hbm>>
            tpu.wait_dma2 semaphore(%dma_wait3A_379 : memref<!tpu.dma_semaphore, #tpu.memory_space<semaphore_mem>>) src(%dma_wait3A_385 : memref<128x128xf32, #tpu.memory_space<hbm>>) dst(%dma_wait3A_383 : memref<128x128xf32, #tpu.memory_space<vmem>>)
            "tpu.trace_stop"() : () -> ()
          } else {
          }
          %ne3A_290 = arith.cmpi ne, %add3A_219, %add3A_229 : i32
          %or3A_291 = arith.constant false
          %or3A_292 = arith.ori %or3A_291, %ne3A_290 : i1
          %or3A_293 = arith.ori %or3A_292, %eq3A_215 : i1
          %convert_element_type3A_294 = arith.extui %or3A_293 : i1 to i32
          %cond3A_295 = arith.constant 0 : i32
          %cond3A_296 = arith.cmpi ne, %convert_element_type3A_294, %cond3A_295 : i32
          scf.if %cond3A_296 {
            "tpu.trace_start"() <{level = 10 : i32, message = "ep_wait_in"}> : () -> ()
            %mul3A_369 = arith.constant 128 : i32
            %mul3A_370 = arith.muli %mul3A_369, %add3A_219 : i32
            %rem3A_371 = arith.constant 2 : i32
            %rem3A_372 = arith.remui %while3A_210, %rem3A_371 : i32
            %dma_wait3A = arith.constant 0 : i32
            %dma_wait3A_373 = arith.constant 0 : i32
            %dma_wait3A_374 = tpu.memref_slice %run_scoped3A_58[%rem3A_372, %dma_wait3A, %dma_wait3A_373] : memref<2x1x128xi32, #tpu.memory_space<vmem>> -> memref<1x1x128xi32, #tpu.memory_space<vmem>>
            %dma_wait3A_375 = tpu.memref_squeeze %dma_wait3A_374 : memref<1x1x128xi32, #tpu.memory_space<vmem>> -> memref<1x128xi32, #tpu.memory_space<vmem>>
            %dma_wait3A_376 = arith.constant 0 : i32
            %dma_wait3A_377 = tpu.memref_slice %arg8[%dma_wait3A_376, %mul3A_370] : memref<1x2048xi32, #tpu.memory_space<hbm>> -> memref<1x128xi32, #tpu.memory_space<hbm>>
            %dma_wait3A_378 = tpu.memref_slice %run_scoped3A_59[%rem3A_372] : memref<2x!tpu.dma_semaphore, #tpu.memory_space<semaphore_mem>> -> memref<1x!tpu.dma_semaphore, #tpu.memory_space<semaphore_mem>>
            %dma_wait3A_379 = tpu.memref_squeeze %dma_wait3A_378 : memref<1x!tpu.dma_semaphore, #tpu.memory_space<semaphore_mem>> -> memref<!tpu.dma_semaphore, #tpu.memory_space<semaphore_mem>>
            %dma_wait3A_380 = arith.constant 0 : i32
            %dma_wait3A_381 = arith.constant 0 : i32
            %dma_wait3A_382 = tpu.memref_slice %run_scoped3A_58[%rem3A_372, %dma_wait3A_380, %dma_wait3A_381] : memref<2x1x128xi32, #tpu.memory_space<vmem>> -> memref<1x1x128xi32, #tpu.memory_space<vmem>>
            %dma_wait3A_383 = tpu.memref_squeeze %dma_wait3A_382 : memref<1x1x128xi32, #tpu.memory_space<vmem>> -> memref<1x128xi32, #tpu.memory_space<vmem>>
            %dma_wait3A_384 = arith.constant 0 : i32
            %dma_wait3A_385 = tpu.memref_slice %arg8[%dma_wait3A_384, %mul3A_370] : memref<1x2048xi32, #tpu.memory_space<hbm>> -> memref<1x128xi32, #tpu.memory_space<hbm>>
            tpu.wait_dma2 semaphore(%dma_wait3A_379 : memref<!tpu.dma_semaphore, #tpu.memory_space<semaphore_mem>>) src(%dma_wait3A_385 : memref<1x128xi32, #tpu.memory_space<hbm>>) dst(%dma_wait3A_383 : memref<1x128xi32, #tpu.memory_space<vmem>>)
            "tpu.trace_stop"() : () -> ()
          } else {
          }
          %rem3A_297 = arith.constant 2 : i32
          %rem3A_298 = arith.remui %while3A_208, %rem3A_297 : i32
          %rem3A_299 = arith.constant 2 : i32
          %rem3A_300 = arith.remui %while3A_210, %rem3A_299 : i32
          %run_scoped3A_301 = arith.constant 0 : i32
          "tpu.trace_start"() <{level = 10 : i32, message = "ep_run_kernel"}> : () -> ()
          "tpu.region"() ({
            %run_scoped3A_369 = tpu.sem_alloc : memref<!tpu.dma_semaphore, #tpu.memory_space<semaphore_mem>>
            %dma_start3A_370 = arith.constant 0 : i32
            %dma_start3A_371 = arith.constant 0 : i32
            %dma_start3A_372 = tpu.memref_slice %run_scoped3A[%rem3A_298, %dma_start3A_370, %dma_start3A_371] : memref<2x128x128xf32, #tpu.memory_space<vmem>> -> memref<1x128x128xf32, #tpu.memory_space<vmem>>
            %dma_start3A_373 = tpu.memref_squeeze %dma_start3A_372 : memref<1x128x128xf32, #tpu.memory_space<vmem>> -> memref<128x128xf32, #tpu.memory_space<vmem>>
            %dma_start3A_374 = arith.constant 0 : i32
            %dma_start3A_375 = arith.constant 0 : i32
            %dma_start3A_376 = tpu.memref_slice %run_scoped3A_58[%rem3A_300, %dma_start3A_374, %dma_start3A_375] : memref<2x1x128xi32, #tpu.memory_space<vmem>> -> memref<1x1x128xi32, #tpu.memory_space<vmem>>
            %dma_start3A_377 = tpu.memref_squeeze %dma_start3A_376 : memref<1x1x128xi32, #tpu.memory_space<vmem>> -> memref<1x128xi32, #tpu.memory_space<vmem>>
            %dma_start3A_378 = arith.constant 0 : i32
            %dma_start3A_379 = tpu.memref_slice %dma_start3A_377[%run_scoped3A_301, %dma_start3A_378] : memref<1x128xi32, #tpu.memory_space<vmem>> -> memref<1x128xi32, #tpu.memory_space<vmem>>
            %dma_start3A_380 = tpu.memref_squeeze %dma_start3A_379 : memref<1x128xi32, #tpu.memory_space<vmem>> -> memref<128xi32, #tpu.memory_space<vmem>>
            %dma_start3A_381 = arith.constant 0 : i32
            %dma_start3A_382 = arith.constant 0 : i32
            %dma_start3A_383 = tpu.memref_slice %arg10[%dma_start3A_381, %dma_start3A_382] : memref<5120x128xf32, #tpu.memory_space<hbm>> -> memref<5120x128xf32, #tpu.memory_space<hbm>>
            tpu.enqueue_indirect_dma source(%dma_start3A_373 : memref<128x128xf32, #tpu.memory_space<vmem>>) target(%dma_start3A_383 : memref<5120x128xf32, #tpu.memory_space<hbm>>) offsets(%dma_start3A_380 : memref<128xi32, #tpu.memory_space<vmem>>) semaphore(%run_scoped3A_369 : memref<!tpu.dma_semaphore, #tpu.memory_space<semaphore_mem>>)
            %dma_wait3A = arith.constant 0 : i32
            %dma_wait3A_384 = arith.constant 0 : i32
            %dma_wait3A_385 = tpu.memref_slice %run_scoped3A[%rem3A_298, %dma_wait3A, %dma_wait3A_384] : memref<2x128x128xf32, #tpu.memory_space<vmem>> -> memref<1x128x128xf32, #tpu.memory_space<vmem>>
            %dma_wait3A_386 = tpu.memref_squeeze %dma_wait3A_385 : memref<1x128x128xf32, #tpu.memory_space<vmem>> -> memref<128x128xf32, #tpu.memory_space<vmem>>
            %dma_wait3A_387 = arith.constant 0 : i32
            %dma_wait3A_388 = arith.constant 0 : i32
            %dma_wait3A_389 = tpu.memref_slice %run_scoped3A_58[%rem3A_300, %dma_wait3A_387, %dma_wait3A_388] : memref<2x1x128xi32, #tpu.memory_space<vmem>> -> memref<1x1x128xi32, #tpu.memory_space<vmem>>
            %dma_wait3A_390 = tpu.memref_squeeze %dma_wait3A_389 : memref<1x1x128xi32, #tpu.memory_space<vmem>> -> memref<1x128xi32, #tpu.memory_space<vmem>>
            %dma_wait3A_391 = arith.constant 0 : i32
            %dma_wait3A_392 = tpu.memref_slice %dma_wait3A_390[%run_scoped3A_301, %dma_wait3A_391] : memref<1x128xi32, #tpu.memory_space<vmem>> -> memref<1x128xi32, #tpu.memory_space<vmem>>
            %dma_wait3A_393 = tpu.memref_squeeze %dma_wait3A_392 : memref<1x128xi32, #tpu.memory_space<vmem>> -> memref<128xi32, #tpu.memory_space<vmem>>
            %dma_wait3A_394 = arith.constant 0 : i32
            %dma_wait3A_395 = arith.constant 0 : i32
            %dma_wait3A_396 = tpu.memref_slice %arg10[%dma_wait3A_394, %dma_wait3A_395] : memref<5120x128xf32, #tpu.memory_space<hbm>> -> memref<5120x128xf32, #tpu.memory_space<hbm>>
            tpu.wait_indirect_dma semaphore(%run_scoped3A_369 : memref<!tpu.dma_semaphore, #tpu.memory_space<semaphore_mem>>) src(%dma_wait3A_386 : memref<128x128xf32, #tpu.memory_space<vmem>>) dst(%dma_wait3A_396 : memref<5120x128xf32, #tpu.memory_space<hbm>>)
            tpu.yield
          }) : () -> ()
          "tpu.trace_stop"() : () -> ()
          %ne3A_302 = arith.cmpi ne, %add3A_219, %add3A_237 : i32
          %or3A_303 = arith.constant false
          %or3A_304 = arith.ori %or3A_303, %ne3A_302 : i1
          %or3A_305 = arith.constant false
          %or3A_306 = arith.ori %or3A_304, %or3A_305 : i1
          %or3A_307 = arith.ori %or3A_306, %eq3A_218 : i1
          %convert_element_type3A_308 = arith.extui %or3A_307 : i1 to i32
          %cond3A_309 = arith.constant 0 : i32
          %cond3A_310 = arith.cmpi ne, %convert_element_type3A_308, %cond3A_309 : i32
          scf.if %cond3A_310 {
          } else {
          }
          %and3A_311 = arith.constant false
          %and3A_312 = arith.andi %or3A_307, %and3A_311 : i1
          %ne3A_313 = arith.cmpi ne, %add3A_219, %add3A_237 : i32
          %or3A_314 = arith.constant false
          %or3A_315 = arith.ori %or3A_314, %ne3A_313 : i1
          %or3A_316 = arith.ori %or3A_315, %eq3A_218 : i1
          %convert_element_type3A_317 = arith.extui %or3A_316 : i1 to i32
          %cond3A_318 = arith.constant 0 : i32
          %cond3A_319 = arith.cmpi ne, %convert_element_type3A_317, %cond3A_318 : i32
          scf.if %cond3A_319 {
          } else {
          }
          %and3A_320 = arith.constant false
          %and3A_321 = arith.andi %or3A_316, %and3A_320 : i1
          %ne3A_322 = arith.cmpi ne, %add3A_219, %add3A_229 : i32
          %or3A_323 = arith.constant false
          %or3A_324 = arith.ori %or3A_323, %ne3A_322 : i1
          %or3A_325 = arith.constant false
          %or3A_326 = arith.ori %or3A_324, %or3A_325 : i1
          %not3A_327 = arith.constant true
          %not3A_328 = arith.xori %eq3A_215, %not3A_327 : i1
          %and3A_329 = arith.andi %or3A_326, %not3A_328 : i1
          %convert_element_type3A_330 = arith.extui %and3A_329 : i1 to i32
          %cond3A_331 = arith.constant 0 : i32
          %cond3A_332 = arith.cmpi ne, %convert_element_type3A_330, %cond3A_331 : i32
          scf.if %cond3A_332 {
          } else {
          }
          %and3A_333 = arith.constant false
          %and3A_334 = arith.andi %and3A_329, %and3A_333 : i1
          %ne3A_335 = arith.cmpi ne, %add3A_219, %add3A_229 : i32
          %or3A_336 = arith.constant false
          %or3A_337 = arith.ori %or3A_336, %ne3A_335 : i1
          %not3A_338 = arith.constant true
          %not3A_339 = arith.xori %eq3A_215, %not3A_338 : i1
          %and3A_340 = arith.andi %or3A_337, %not3A_339 : i1
          %convert_element_type3A_341 = arith.extui %and3A_340 : i1 to i32
          %cond3A_342 = arith.constant 0 : i32
          %cond3A_343 = arith.cmpi ne, %convert_element_type3A_341, %cond3A_342 : i32
          scf.if %cond3A_343 {
          } else {
          }
          %and3A_344 = arith.constant false
          %and3A_345 = arith.andi %and3A_340, %and3A_344 : i1
          %ne3A_346 = arith.cmpi ne, %add3A_219, %add3A_237 : i32
          %or3A_347 = arith.constant false
          %or3A_348 = arith.ori %or3A_347, %ne3A_346 : i1
          %or3A_349 = arith.constant false
          %or3A_350 = arith.ori %or3A_348, %or3A_349 : i1
          %or3A_351 = arith.ori %or3A_350, %eq3A_218 : i1
          %add3A_352 = arith.constant 1 : i32
          %add3A_353 = arith.addi %while3A_208, %add3A_352 : i32
          %select_n3A_354 = arith.select %or3A_351, %add3A_353, %while3A_208 : i32
          %ne3A_355 = arith.cmpi ne, %add3A_219, %add3A_237 : i32
          %or3A_356 = arith.constant false
          %or3A_357 = arith.ori %or3A_356, %ne3A_355 : i1
          %or3A_358 = arith.ori %or3A_357, %eq3A_218 : i1
          %add3A_359 = arith.constant 1 : i32
          %add3A_360 = arith.addi %while3A_210, %add3A_359 : i32
          %select_n3A_361 = arith.select %or3A_358, %add3A_360, %while3A_210 : i32
          %add3A_362 = arith.constant 1 : i32
          %add3A_363 = arith.addi %while3A_211, %add3A_362 : i32
          %select_n3A_364 = arith.constant true
          %select_n3A_365 = arith.select %select_n3A_364, %add3A_363, %while3A_211 : i32
          %eq3A_366 = arith.cmpi eq, %select_n3A_365, %select_n3A_46 : i32
          %select_n3A_367 = arith.constant 0 : i32
          %select_n3A_368 = arith.select %eq3A_366, %select_n3A_367, %select_n3A_365 : i32
          scf.yield %select_n3A_261, %select_n3A_354, %select_n3A_280, %select_n3A_361, %select_n3A_368 : i32, i32, i32, i32, i32
        }
        %while3A_153 = arith.constant 1 : i32
        %while3A_154:5 = scf.for %while3A_206 = %while3A_150 to %while3A_146 step %while3A_153 iter_args(%while3A_207 = %while3A_152#0, %while3A_208 = %while3A_152#1, %while3A_209 = %while3A_152#2, %while3A_210 = %while3A_152#3, %while3A_211 = %while3A_152#4) -> (i32, i32, i32, i32, i32)  : i32 {
          %mul3A_212 = arith.constant 1 : i32
          %mul3A_213 = arith.muli %mul3A_212, %select_n3A_46 : i32
          %eq3A_214 = arith.constant 0 : i32
          %eq3A_215 = arith.cmpi eq, %while3A_206, %eq3A_214 : i32
          %sub3A_216 = arith.constant 1 : i32
          %sub3A_217 = arith.subi %mul3A_213, %sub3A_216 : i32
          %eq3A_218 = arith.cmpi eq, %while3A_206, %sub3A_217 : i32
          %add3A_219 = arith.addi %while3A_211, %select_n3A_54 : i32
          %sub3A_220 = arith.constant 1 : i32
          %sub3A_221 = arith.subi %while3A_211, %sub3A_220 : i32
          %select_n3A_222 = arith.constant true
          %select_n3A_223 = arith.select %select_n3A_222, %sub3A_221, %while3A_211 : i32
          %eq3A_224 = arith.constant -1 : i32
          %eq3A_225 = arith.cmpi eq, %select_n3A_223, %eq3A_224 : i32
          %sub3A_226 = arith.constant 1 : i32
          %sub3A_227 = arith.subi %select_n3A_46, %sub3A_226 : i32
          %select_n3A_228 = arith.select %eq3A_225, %sub3A_227, %select_n3A_223 : i32
          %add3A_229 = arith.addi %select_n3A_228, %select_n3A_54 : i32
          %add3A_230 = arith.constant 1 : i32
          %add3A_231 = arith.addi %while3A_211, %add3A_230 : i32
          %select_n3A_232 = arith.constant true
          %select_n3A_233 = arith.select %select_n3A_232, %add3A_231, %while3A_211 : i32
          %eq3A_234 = arith.cmpi eq, %select_n3A_233, %select_n3A_46 : i32
          %select_n3A_235 = arith.constant 0 : i32
          %select_n3A_236 = arith.select %eq3A_234, %select_n3A_235, %select_n3A_233 : i32
          %add3A_237 = arith.addi %select_n3A_236, %select_n3A_54 : i32
          %add3A_238 = arith.constant 1 : i32
          %add3A_239 = arith.addi %select_n3A_236, %add3A_238 : i32
          %select_n3A_240 = arith.constant true
          %select_n3A_241 = arith.select %select_n3A_240, %add3A_239, %select_n3A_236 : i32
          %eq3A_242 = arith.cmpi eq, %select_n3A_241, %select_n3A_46 : i32
          %select_n3A_243 = arith.constant 0 : i32
          %select_n3A_244 = arith.select %eq3A_242, %select_n3A_243, %select_n3A_241 : i32
          %add3A_245 = arith.addi %select_n3A_244, %select_n3A_54 : i32
          %ne3A = arith.cmpi ne, %add3A_219, %add3A_237 : i32
          %or3A = arith.constant false
          %or3A_246 = arith.ori %or3A, %ne3A : i1
          %or3A_247 = arith.constant false
          %or3A_248 = arith.ori %or3A_246, %or3A_247 : i1
          %sub3A_249 = arith.constant 2 : i32
          %sub3A_250 = arith.subi %mul3A_213, %sub3A_249 : i32
          %add3A_251 = arith.constant 1 : i32
          %add3A_252 = arith.addi %sub3A_250, %add3A_251 : i32
          %ge3A = arith.cmpi sge, %while3A_206, %add3A_252 : i32
          %not3A = arith.constant true
          %not3A_253 = arith.xori %ge3A, %not3A : i1
          %and3A = arith.andi %or3A_248, %not3A_253 : i1
          %convert_element_type3A_254 = arith.extui %and3A : i1 to i32
          %cond3A_255 = arith.constant 0 : i32
          %cond3A_256 = arith.cmpi ne, %convert_element_type3A_254, %cond3A_255 : i32
          scf.if %cond3A_256 {
            "tpu.trace_start"() <{level = 10 : i32, message = "ep_copy_in"}> : () -> ()
            %rem3A_369 = arith.constant 2 : i32
            %rem3A_370 = arith.remui %while3A_207, %rem3A_369 : i32
            %mul3A_371 = arith.constant 128 : i32
            %mul3A_372 = arith.muli %mul3A_371, %add3A_237 : i32
            %dma_start3A_373 = arith.constant 0 : i32
            %dma_start3A_374 = arith.constant 0 : i32
            %dma_start3A_375 = tpu.memref_slice %run_scoped3A[%rem3A_370, %dma_start3A_373, %dma_start3A_374] : memref<2x128x128xf32, #tpu.memory_space<vmem>> -> memref<1x128x128xf32, #tpu.memory_space<vmem>>
            %dma_start3A_376 = tpu.memref_squeeze %dma_start3A_375 : memref<1x128x128xf32, #tpu.memory_space<vmem>> -> memref<128x128xf32, #tpu.memory_space<vmem>>
            %dma_start3A_377 = arith.constant 0 : i32
            %dma_start3A_378 = tpu.memref_slice %arg6[%mul3A_372, %dma_start3A_377] : memref<2048x128xf32, #tpu.memory_space<hbm>> -> memref<128x128xf32, #tpu.memory_space<hbm>>
            %dma_start3A_379 = tpu.memref_slice %run_scoped3A_57[%rem3A_370] : memref<2x!tpu.dma_semaphore, #tpu.memory_space<semaphore_mem>> -> memref<1x!tpu.dma_semaphore, #tpu.memory_space<semaphore_mem>>
            %dma_start3A_380 = tpu.memref_squeeze %dma_start3A_379 : memref<1x!tpu.dma_semaphore, #tpu.memory_space<semaphore_mem>> -> memref<!tpu.dma_semaphore, #tpu.memory_space<semaphore_mem>>
            %dma_start3A_381 = arith.constant 0 : i32
            %dma_start3A_382 = arith.constant 0 : i32
            %dma_start3A_383 = tpu.memref_slice %run_scoped3A[%rem3A_370, %dma_start3A_381, %dma_start3A_382] : memref<2x128x128xf32, #tpu.memory_space<vmem>> -> memref<1x128x128xf32, #tpu.memory_space<vmem>>
            %dma_start3A_384 = tpu.memref_squeeze %dma_start3A_383 : memref<1x128x128xf32, #tpu.memory_space<vmem>> -> memref<128x128xf32, #tpu.memory_space<vmem>>
            %dma_start3A_385 = arith.constant 0 : i32
            %dma_start3A_386 = tpu.memref_slice %arg6[%mul3A_372, %dma_start3A_385] : memref<2048x128xf32, #tpu.memory_space<hbm>> -> memref<128x128xf32, #tpu.memory_space<hbm>>
            tpu.enqueue_dma source(%dma_start3A_386 : memref<128x128xf32, #tpu.memory_space<hbm>>) target(%dma_start3A_384 : memref<128x128xf32, #tpu.memory_space<vmem>>) target_semaphore(%dma_start3A_380 : memref<!tpu.dma_semaphore, #tpu.memory_space<semaphore_mem>>)
            "tpu.trace_stop"() : () -> ()
          } else {
          }
          %and3A_257 = arith.constant true
          %and3A_258 = arith.andi %and3A, %and3A_257 : i1
          %add3A_259 = arith.constant 1 : i32
          %add3A_260 = arith.addi %while3A_207, %add3A_259 : i32
          %select_n3A_261 = arith.select %and3A_258, %add3A_260, %while3A_207 : i32
          %ne3A_262 = arith.cmpi ne, %add3A_219, %add3A_237 : i32
          %or3A_263 = arith.constant false
          %or3A_264 = arith.ori %or3A_263, %ne3A_262 : i1
          %sub3A_265 = arith.constant 2 : i32
          %sub3A_266 = arith.subi %mul3A_213, %sub3A_265 : i32
          %add3A_267 = arith.constant 1 : i32
          %add3A_268 = arith.addi %sub3A_266, %add3A_267 : i32
          %ge3A_269 = arith.cmpi sge, %while3A_206, %add3A_268 : i32
          %not3A_270 = arith.constant true
          %not3A_271 = arith.xori %ge3A_269, %not3A_270 : i1
          %and3A_272 = arith.andi %or3A_264, %not3A_271 : i1
          %convert_element_type3A_273 = arith.extui %and3A_272 : i1 to i32
          %cond3A_274 = arith.constant 0 : i32
          %cond3A_275 = arith.cmpi ne, %convert_element_type3A_273, %cond3A_274 : i32
          scf.if %cond3A_275 {
            "tpu.trace_start"() <{level = 10 : i32, message = "ep_copy_in"}> : () -> ()
            %rem3A_369 = arith.constant 2 : i32
            %rem3A_370 = arith.remui %while3A_209, %rem3A_369 : i32
            %mul3A_371 = arith.constant 128 : i32
            %mul3A_372 = arith.muli %mul3A_371, %add3A_237 : i32
            %dma_start3A_373 = arith.constant 0 : i32
            %dma_start3A_374 = arith.constant 0 : i32
            %dma_start3A_375 = tpu.memref_slice %run_scoped3A_58[%rem3A_370, %dma_start3A_373, %dma_start3A_374] : memref<2x1x128xi32, #tpu.memory_space<vmem>> -> memref<1x1x128xi32, #tpu.memory_space<vmem>>
            %dma_start3A_376 = tpu.memref_squeeze %dma_start3A_375 : memref<1x1x128xi32, #tpu.memory_space<vmem>> -> memref<1x128xi32, #tpu.memory_space<vmem>>
            %dma_start3A_377 = arith.constant 0 : i32
            %dma_start3A_378 = tpu.memref_slice %arg8[%dma_start3A_377, %mul3A_372] : memref<1x2048xi32, #tpu.memory_space<hbm>> -> memref<1x128xi32, #tpu.memory_space<hbm>>
            %dma_start3A_379 = tpu.memref_slice %run_scoped3A_59[%rem3A_370] : memref<2x!tpu.dma_semaphore, #tpu.memory_space<semaphore_mem>> -> memref<1x!tpu.dma_semaphore, #tpu.memory_space<semaphore_mem>>
            %dma_start3A_380 = tpu.memref_squeeze %dma_start3A_379 : memref<1x!tpu.dma_semaphore, #tpu.memory_space<semaphore_mem>> -> memref<!tpu.dma_semaphore, #tpu.memory_space<semaphore_mem>>
            %dma_start3A_381 = arith.constant 0 : i32
            %dma_start3A_382 = arith.constant 0 : i32
            %dma_start3A_383 = tpu.memref_slice %run_scoped3A_58[%rem3A_370, %dma_start3A_381, %dma_start3A_382] : memref<2x1x128xi32, #tpu.memory_space<vmem>> -> memref<1x1x128xi32, #tpu.memory_space<vmem>>
            %dma_start3A_384 = tpu.memref_squeeze %dma_start3A_383 : memref<1x1x128xi32, #tpu.memory_space<vmem>> -> memref<1x128xi32, #tpu.memory_space<vmem>>
            %dma_start3A_385 = arith.constant 0 : i32
            %dma_start3A_386 = tpu.memref_slice %arg8[%dma_start3A_385, %mul3A_372] : memref<1x2048xi32, #tpu.memory_space<hbm>> -> memref<1x128xi32, #tpu.memory_space<hbm>>
            tpu.enqueue_dma source(%dma_start3A_386 : memref<1x128xi32, #tpu.memory_space<hbm>>) target(%dma_start3A_384 : memref<1x128xi32, #tpu.memory_space<vmem>>) target_semaphore(%dma_start3A_380 : memref<!tpu.dma_semaphore, #tpu.memory_space<semaphore_mem>>)
            "tpu.trace_stop"() : () -> ()
          } else {
          }
          %and3A_276 = arith.constant true
          %and3A_277 = arith.andi %and3A_272, %and3A_276 : i1
          %add3A_278 = arith.constant 1 : i32
          %add3A_279 = arith.addi %while3A_209, %add3A_278 : i32
          %select_n3A_280 = arith.select %and3A_277, %add3A_279, %while3A_209 : i32
          %ne3A_281 = arith.cmpi ne, %add3A_219, %add3A_229 : i32
          %or3A_282 = arith.constant false
          %or3A_283 = arith.ori %or3A_282, %ne3A_281 : i1
          %or3A_284 = arith.constant false
          %or3A_285 = arith.ori %or3A_283, %or3A_284 : i1
          %or3A_286 = arith.ori %or3A_285, %eq3A_215 : i1
          %convert_element_type3A_287 = arith.extui %or3A_286 : i1 to i32
          %cond3A_288 = arith.constant 0 : i32
          %cond3A_289 = arith.cmpi ne, %convert_element_type3A_287, %cond3A_288 : i32
          scf.if %cond3A_289 {
            "tpu.trace_start"() <{level = 10 : i32, message = "ep_wait_in"}> : () -> ()
            %mul3A_369 = arith.constant 128 : i32
            %mul3A_370 = arith.muli %mul3A_369, %add3A_219 : i32
            %rem3A_371 = arith.constant 2 : i32
            %rem3A_372 = arith.remui %while3A_208, %rem3A_371 : i32
            %dma_wait3A = arith.constant 0 : i32
            %dma_wait3A_373 = arith.constant 0 : i32
            %dma_wait3A_374 = tpu.memref_slice %run_scoped3A[%rem3A_372, %dma_wait3A, %dma_wait3A_373] : memref<2x128x128xf32, #tpu.memory_space<vmem>> -> memref<1x128x128xf32, #tpu.memory_space<vmem>>
            %dma_wait3A_375 = tpu.memref_squeeze %dma_wait3A_374 : memref<1x128x128xf32, #tpu.memory_space<vmem>> -> memref<128x128xf32, #tpu.memory_space<vmem>>
            %dma_wait3A_376 = arith.constant 0 : i32
            %dma_wait3A_377 = tpu.memref_slice %arg6[%mul3A_370, %dma_wait3A_376] : memref<2048x128xf32, #tpu.memory_space<hbm>> -> memref<128x128xf32, #tpu.memory_space<hbm>>
            %dma_wait3A_378 = tpu.memref_slice %run_scoped3A_57[%rem3A_372] : memref<2x!tpu.dma_semaphore, #tpu.memory_space<semaphore_mem>> -> memref<1x!tpu.dma_semaphore, #tpu.memory_space<semaphore_mem>>
            %dma_wait3A_379 = tpu.memref_squeeze %dma_wait3A_378 : memref<1x!tpu.dma_semaphore, #tpu.memory_space<semaphore_mem>> -> memref<!tpu.dma_semaphore, #tpu.memory_space<semaphore_mem>>
            %dma_wait3A_380 = arith.constant 0 : i32
            %dma_wait3A_381 = arith.constant 0 : i32
            %dma_wait3A_382 = tpu.memref_slice %run_scoped3A[%rem3A_372, %dma_wait3A_380, %dma_wait3A_381] : memref<2x128x128xf32, #tpu.memory_space<vmem>> -> memref<1x128x128xf32, #tpu.memory_space<vmem>>
            %dma_wait3A_383 = tpu.memref_squeeze %dma_wait3A_382 : memref<1x128x128xf32, #tpu.memory_space<vmem>> -> memref<128x128xf32, #tpu.memory_space<vmem>>
            %dma_wait3A_384 = arith.constant 0 : i32
            %dma_wait3A_385 = tpu.memref_slice %arg6[%mul3A_370, %dma_wait3A_384] : memref<2048x128xf32, #tpu.memory_space<hbm>> -> memref<128x128xf32, #tpu.memory_space<hbm>>
            tpu.wait_dma2 semaphore(%dma_wait3A_379 : memref<!tpu.dma_semaphore, #tpu.memory_space<semaphore_mem>>) src(%dma_wait3A_385 : memref<128x128xf32, #tpu.memory_space<hbm>>) dst(%dma_wait3A_383 : memref<128x128xf32, #tpu.memory_space<vmem>>)
            "tpu.trace_stop"() : () -> ()
          } else {
          }
          %ne3A_290 = arith.cmpi ne, %add3A_219, %add3A_229 : i32
          %or3A_291 = arith.constant false
          %or3A_292 = arith.ori %or3A_291, %ne3A_290 : i1
          %or3A_293 = arith.ori %or3A_292, %eq3A_215 : i1
          %convert_element_type3A_294 = arith.extui %or3A_293 : i1 to i32
          %cond3A_295 = arith.constant 0 : i32
          %cond3A_296 = arith.cmpi ne, %convert_element_type3A_294, %cond3A_295 : i32
          scf.if %cond3A_296 {
            "tpu.trace_start"() <{level = 10 : i32, message = "ep_wait_in"}> : () -> ()
            %mul3A_369 = arith.constant 128 : i32
            %mul3A_370 = arith.muli %mul3A_369, %add3A_219 : i32
            %rem3A_371 = arith.constant 2 : i32
            %rem3A_372 = arith.remui %while3A_210, %rem3A_371 : i32
            %dma_wait3A = arith.constant 0 : i32
            %dma_wait3A_373 = arith.constant 0 : i32
            %dma_wait3A_374 = tpu.memref_slice %run_scoped3A_58[%rem3A_372, %dma_wait3A, %dma_wait3A_373] : memref<2x1x128xi32, #tpu.memory_space<vmem>> -> memref<1x1x128xi32, #tpu.memory_space<vmem>>
            %dma_wait3A_375 = tpu.memref_squeeze %dma_wait3A_374 : memref<1x1x128xi32, #tpu.memory_space<vmem>> -> memref<1x128xi32, #tpu.memory_space<vmem>>
            %dma_wait3A_376 = arith.constant 0 : i32
            %dma_wait3A_377 = tpu.memref_slice %arg8[%dma_wait3A_376, %mul3A_370] : memref<1x2048xi32, #tpu.memory_space<hbm>> -> memref<1x128xi32, #tpu.memory_space<hbm>>
            %dma_wait3A_378 = tpu.memref_slice %run_scoped3A_59[%rem3A_372] : memref<2x!tpu.dma_semaphore, #tpu.memory_space<semaphore_mem>> -> memref<1x!tpu.dma_semaphore, #tpu.memory_space<semaphore_mem>>
            %dma_wait3A_379 = tpu.memref_squeeze %dma_wait3A_378 : memref<1x!tpu.dma_semaphore, #tpu.memory_space<semaphore_mem>> -> memref<!tpu.dma_semaphore, #tpu.memory_space<semaphore_mem>>
            %dma_wait3A_380 = arith.constant 0 : i32
            %dma_wait3A_381 = arith.constant 0 : i32
            %dma_wait3A_382 = tpu.memref_slice %run_scoped3A_58[%rem3A_372, %dma_wait3A_380, %dma_wait3A_381] : memref<2x1x128xi32, #tpu.memory_space<vmem>> -> memref<1x1x128xi32, #tpu.memory_space<vmem>>
            %dma_wait3A_383 = tpu.memref_squeeze %dma_wait3A_382 : memref<1x1x128xi32, #tpu.memory_space<vmem>> -> memref<1x128xi32, #tpu.memory_space<vmem>>
            %dma_wait3A_384 = arith.constant 0 : i32
            %dma_wait3A_385 = tpu.memref_slice %arg8[%dma_wait3A_384, %mul3A_370] : memref<1x2048xi32, #tpu.memory_space<hbm>> -> memref<1x128xi32, #tpu.memory_space<hbm>>
            tpu.wait_dma2 semaphore(%dma_wait3A_379 : memref<!tpu.dma_semaphore, #tpu.memory_space<semaphore_mem>>) src(%dma_wait3A_385 : memref<1x128xi32, #tpu.memory_space<hbm>>) dst(%dma_wait3A_383 : memref<1x128xi32, #tpu.memory_space<vmem>>)
            "tpu.trace_stop"() : () -> ()
          } else {
          }
          %rem3A_297 = arith.constant 2 : i32
          %rem3A_298 = arith.remui %while3A_208, %rem3A_297 : i32
          %rem3A_299 = arith.constant 2 : i32
          %rem3A_300 = arith.remui %while3A_210, %rem3A_299 : i32
          %run_scoped3A_301 = arith.constant 0 : i32
          "tpu.trace_start"() <{level = 10 : i32, message = "ep_run_kernel"}> : () -> ()
          "tpu.region"() ({
            %run_scoped3A_369 = tpu.sem_alloc : memref<!tpu.dma_semaphore, #tpu.memory_space<semaphore_mem>>
            %dma_start3A_370 = arith.constant 0 : i32
            %dma_start3A_371 = arith.constant 0 : i32
            %dma_start3A_372 = tpu.memref_slice %run_scoped3A[%rem3A_298, %dma_start3A_370, %dma_start3A_371] : memref<2x128x128xf32, #tpu.memory_space<vmem>> -> memref<1x128x128xf32, #tpu.memory_space<vmem>>
            %dma_start3A_373 = tpu.memref_squeeze %dma_start3A_372 : memref<1x128x128xf32, #tpu.memory_space<vmem>> -> memref<128x128xf32, #tpu.memory_space<vmem>>
            %dma_start3A_374 = arith.constant 0 : i32
            %dma_start3A_375 = arith.constant 0 : i32
            %dma_start3A_376 = tpu.memref_slice %run_scoped3A_58[%rem3A_300, %dma_start3A_374, %dma_start3A_375] : memref<2x1x128xi32, #tpu.memory_space<vmem>> -> memref<1x1x128xi32, #tpu.memory_space<vmem>>
            %dma_start3A_377 = tpu.memref_squeeze %dma_start3A_376 : memref<1x1x128xi32, #tpu.memory_space<vmem>> -> memref<1x128xi32, #tpu.memory_space<vmem>>
            %dma_start3A_378 = arith.constant 0 : i32
            %dma_start3A_379 = tpu.memref_slice %dma_start3A_377[%run_scoped3A_301, %dma_start3A_378] : memref<1x128xi32, #tpu.memory_space<vmem>> -> memref<1x128xi32, #tpu.memory_space<vmem>>
            %dma_start3A_380 = tpu.memref_squeeze %dma_start3A_379 : memref<1x128xi32, #tpu.memory_space<vmem>> -> memref<128xi32, #tpu.memory_space<vmem>>
            %dma_start3A_381 = arith.constant 0 : i32
            %dma_start3A_382 = arith.constant 0 : i32
            %dma_start3A_383 = tpu.memref_slice %arg10[%dma_start3A_381, %dma_start3A_382] : memref<5120x128xf32, #tpu.memory_space<hbm>> -> memref<5120x128xf32, #tpu.memory_space<hbm>>
            tpu.enqueue_indirect_dma source(%dma_start3A_373 : memref<128x128xf32, #tpu.memory_space<vmem>>) target(%dma_start3A_383 : memref<5120x128xf32, #tpu.memory_space<hbm>>) offsets(%dma_start3A_380 : memref<128xi32, #tpu.memory_space<vmem>>) semaphore(%run_scoped3A_369 : memref<!tpu.dma_semaphore, #tpu.memory_space<semaphore_mem>>)
            %dma_wait3A = arith.constant 0 : i32
            %dma_wait3A_384 = arith.constant 0 : i32
            %dma_wait3A_385 = tpu.memref_slice %run_scoped3A[%rem3A_298, %dma_wait3A, %dma_wait3A_384] : memref<2x128x128xf32, #tpu.memory_space<vmem>> -> memref<1x128x128xf32, #tpu.memory_space<vmem>>
            %dma_wait3A_386 = tpu.memref_squeeze %dma_wait3A_385 : memref<1x128x128xf32, #tpu.memory_space<vmem>> -> memref<128x128xf32, #tpu.memory_space<vmem>>
            %dma_wait3A_387 = arith.constant 0 : i32
            %dma_wait3A_388 = arith.constant 0 : i32
            %dma_wait3A_389 = tpu.memref_slice %run_scoped3A_58[%rem3A_300, %dma_wait3A_387, %dma_wait3A_388] : memref<2x1x128xi32, #tpu.memory_space<vmem>> -> memref<1x1x128xi32, #tpu.memory_space<vmem>>
            %dma_wait3A_390 = tpu.memref_squeeze %dma_wait3A_389 : memref<1x1x128xi32, #tpu.memory_space<vmem>> -> memref<1x128xi32, #tpu.memory_space<vmem>>
            %dma_wait3A_391 = arith.constant 0 : i32
            %dma_wait3A_392 = tpu.memref_slice %dma_wait3A_390[%run_scoped3A_301, %dma_wait3A_391] : memref<1x128xi32, #tpu.memory_space<vmem>> -> memref<1x128xi32, #tpu.memory_space<vmem>>
            %dma_wait3A_393 = tpu.memref_squeeze %dma_wait3A_392 : memref<1x128xi32, #tpu.memory_space<vmem>> -> memref<128xi32, #tpu.memory_space<vmem>>
            %dma_wait3A_394 = arith.constant 0 : i32
            %dma_wait3A_395 = arith.constant 0 : i32
            %dma_wait3A_396 = tpu.memref_slice %arg10[%dma_wait3A_394, %dma_wait3A_395] : memref<5120x128xf32, #tpu.memory_space<hbm>> -> memref<5120x128xf32, #tpu.memory_space<hbm>>
            tpu.wait_indirect_dma semaphore(%run_scoped3A_369 : memref<!tpu.dma_semaphore, #tpu.memory_space<semaphore_mem>>) src(%dma_wait3A_386 : memref<128x128xf32, #tpu.memory_space<vmem>>) dst(%dma_wait3A_396 : memref<5120x128xf32, #tpu.memory_space<hbm>>)
            tpu.yield
          }) : () -> ()
          "tpu.trace_stop"() : () -> ()
          %ne3A_302 = arith.cmpi ne, %add3A_219, %add3A_237 : i32
          %or3A_303 = arith.constant false
          %or3A_304 = arith.ori %or3A_303, %ne3A_302 : i1
          %or3A_305 = arith.constant false
          %or3A_306 = arith.ori %or3A_304, %or3A_305 : i1
          %or3A_307 = arith.ori %or3A_306, %eq3A_218 : i1
          %convert_element_type3A_308 = arith.extui %or3A_307 : i1 to i32
          %cond3A_309 = arith.constant 0 : i32
          %cond3A_310 = arith.cmpi ne, %convert_element_type3A_308, %cond3A_309 : i32
          scf.if %cond3A_310 {
          } else {
          }
          %and3A_311 = arith.constant false
          %and3A_312 = arith.andi %or3A_307, %and3A_311 : i1
          %ne3A_313 = arith.cmpi ne, %add3A_219, %add3A_237 : i32
          %or3A_314 = arith.constant false
          %or3A_315 = arith.ori %or3A_314, %ne3A_313 : i1
          %or3A_316 = arith.ori %or3A_315, %eq3A_218 : i1
          %convert_element_type3A_317 = arith.extui %or3A_316 : i1 to i32
          %cond3A_318 = arith.constant 0 : i32
          %cond3A_319 = arith.cmpi ne, %convert_element_type3A_317, %cond3A_318 : i32
          scf.if %cond3A_319 {
          } else {
          }
          %and3A_320 = arith.constant false
          %and3A_321 = arith.andi %or3A_316, %and3A_320 : i1
          %ne3A_322 = arith.cmpi ne, %add3A_219, %add3A_229 : i32
          %or3A_323 = arith.constant false
          %or3A_324 = arith.ori %or3A_323, %ne3A_322 : i1
          %or3A_325 = arith.constant false
          %or3A_326 = arith.ori %or3A_324, %or3A_325 : i1
          %not3A_327 = arith.constant true
          %not3A_328 = arith.xori %eq3A_215, %not3A_327 : i1
          %and3A_329 = arith.andi %or3A_326, %not3A_328 : i1
          %convert_element_type3A_330 = arith.extui %and3A_329 : i1 to i32
          %cond3A_331 = arith.constant 0 : i32
          %cond3A_332 = arith.cmpi ne, %convert_element_type3A_330, %cond3A_331 : i32
          scf.if %cond3A_332 {
          } else {
          }
          %and3A_333 = arith.constant false
          %and3A_334 = arith.andi %and3A_329, %and3A_333 : i1
          %ne3A_335 = arith.cmpi ne, %add3A_219, %add3A_229 : i32
          %or3A_336 = arith.constant false
          %or3A_337 = arith.ori %or3A_336, %ne3A_335 : i1
          %not3A_338 = arith.constant true
          %not3A_339 = arith.xori %eq3A_215, %not3A_338 : i1
          %and3A_340 = arith.andi %or3A_337, %not3A_339 : i1
          %convert_element_type3A_341 = arith.extui %and3A_340 : i1 to i32
          %cond3A_342 = arith.constant 0 : i32
          %cond3A_343 = arith.cmpi ne, %convert_element_type3A_341, %cond3A_342 : i32
          scf.if %cond3A_343 {
          } else {
          }
          %and3A_344 = arith.constant false
          %and3A_345 = arith.andi %and3A_340, %and3A_344 : i1
          %ne3A_346 = arith.cmpi ne, %add3A_219, %add3A_237 : i32
          %or3A_347 = arith.constant false
          %or3A_348 = arith.ori %or3A_347, %ne3A_346 : i1
          %or3A_349 = arith.constant false
          %or3A_350 = arith.ori %or3A_348, %or3A_349 : i1
          %or3A_351 = arith.ori %or3A_350, %eq3A_218 : i1
          %add3A_352 = arith.constant 1 : i32
          %add3A_353 = arith.addi %while3A_208, %add3A_352 : i32
          %select_n3A_354 = arith.select %or3A_351, %add3A_353, %while3A_208 : i32
          %ne3A_355 = arith.cmpi ne, %add3A_219, %add3A_237 : i32
          %or3A_356 = arith.constant false
          %or3A_357 = arith.ori %or3A_356, %ne3A_355 : i1
          %or3A_358 = arith.ori %or3A_357, %eq3A_218 : i1
          %add3A_359 = arith.constant 1 : i32
          %add3A_360 = arith.addi %while3A_210, %add3A_359 : i32
          %select_n3A_361 = arith.select %or3A_358, %add3A_360, %while3A_210 : i32
          %add3A_362 = arith.constant 1 : i32
          %add3A_363 = arith.addi %while3A_211, %add3A_362 : i32
          %select_n3A_364 = arith.constant true
          %select_n3A_365 = arith.select %select_n3A_364, %add3A_363, %while3A_211 : i32
          %eq3A_366 = arith.cmpi eq, %select_n3A_365, %select_n3A_46 : i32
          %select_n3A_367 = arith.constant 0 : i32
          %select_n3A_368 = arith.select %eq3A_366, %select_n3A_367, %select_n3A_365 : i32
          scf.yield %select_n3A_261, %select_n3A_354, %select_n3A_280, %select_n3A_361, %select_n3A_368 : i32, i32, i32, i32, i32
        }
        %sub3A_155 = arith.constant 1 : i32
        %sub3A_156 = arith.subi %while3A_154#4, %sub3A_155 : i32
        %select_n3A_157 = arith.constant true
        %select_n3A_158 = arith.select %select_n3A_157, %sub3A_156, %while3A_154#4 : i32
        %eq3A_159 = arith.constant -1 : i32
        %eq3A_160 = arith.cmpi eq, %select_n3A_158, %eq3A_159 : i32
        %sub3A_161 = arith.constant 1 : i32
        %sub3A_162 = arith.subi %select_n3A_46, %sub3A_161 : i32
        %select_n3A_163 = arith.select %eq3A_160, %sub3A_162, %select_n3A_158 : i32
        %sub3A_164 = arith.constant 1 : i32
        %sub3A_165 = arith.subi %mul3A_56, %sub3A_164 : i32
        %mul3A_166 = arith.constant 1 : i32
        %mul3A_167 = arith.muli %mul3A_166, %select_n3A_46 : i32
        %eq3A_168 = arith.constant 0 : i32
        %eq3A_169 = arith.cmpi eq, %sub3A_165, %eq3A_168 : i32
        %sub3A_170 = arith.constant 1 : i32
        %sub3A_171 = arith.subi %mul3A_167, %sub3A_170 : i32
        %eq3A_172 = arith.cmpi eq, %sub3A_165, %sub3A_171 : i32
        %add3A_173 = arith.addi %select_n3A_163, %select_n3A_54 : i32
        %sub3A_174 = arith.constant 1 : i32
        %sub3A_175 = arith.subi %select_n3A_163, %sub3A_174 : i32
        %select_n3A_176 = arith.constant true
        %select_n3A_177 = arith.select %select_n3A_176, %sub3A_175, %select_n3A_163 : i32
        %eq3A_178 = arith.constant -1 : i32
        %eq3A_179 = arith.cmpi eq, %select_n3A_177, %eq3A_178 : i32
        %sub3A_180 = arith.constant 1 : i32
        %sub3A_181 = arith.subi %select_n3A_46, %sub3A_180 : i32
        %select_n3A_182 = arith.select %eq3A_179, %sub3A_181, %select_n3A_177 : i32
        %add3A_183 = arith.addi %select_n3A_182, %select_n3A_54 : i32
        %add3A_184 = arith.constant 1 : i32
        %add3A_185 = arith.addi %select_n3A_163, %add3A_184 : i32
        %select_n3A_186 = arith.constant true
        %select_n3A_187 = arith.select %select_n3A_186, %add3A_185, %select_n3A_163 : i32
        %eq3A_188 = arith.cmpi eq, %select_n3A_187, %select_n3A_46 : i32
        %select_n3A_189 = arith.constant 0 : i32
        %select_n3A_190 = arith.select %eq3A_188, %select_n3A_189, %select_n3A_187 : i32
        %add3A_191 = arith.addi %select_n3A_190, %select_n3A_54 : i32
        %add3A_192 = arith.constant 1 : i32
        %add3A_193 = arith.addi %select_n3A_190, %add3A_192 : i32
        %select_n3A_194 = arith.constant true
        %select_n3A_195 = arith.select %select_n3A_194, %add3A_193, %select_n3A_190 : i32
        %eq3A_196 = arith.cmpi eq, %select_n3A_195, %select_n3A_46 : i32
        %select_n3A_197 = arith.constant 0 : i32
        %select_n3A_198 = arith.select %eq3A_196, %select_n3A_197, %select_n3A_195 : i32
        %add3A_199 = arith.addi %select_n3A_198, %select_n3A_54 : i32
        %convert_element_type3A_200 = arith.extui %eq3A_172 : i1 to i32
        %cond3A_201 = arith.constant 0 : i32
        %cond3A_202 = arith.cmpi ne, %convert_element_type3A_200, %cond3A_201 : i32
        scf.if %cond3A_202 {
        } else {
        }
        %convert_element_type3A_203 = arith.extui %eq3A_172 : i1 to i32
        %cond3A_204 = arith.constant 0 : i32
        %cond3A_205 = arith.cmpi ne, %convert_element_type3A_203, %cond3A_204 : i32
        scf.if %cond3A_205 {
        } else {
        }
      } else {
      }
      tpu.yield
    }) : () -> ()
    return
  }
}

#map = affine_map<(d0, d1) -> (0, 0)>
module attributes {stable_mosaic.version = 14 : i64} {
  func.func @k(%arg0: i32, %arg1: i32, %arg2: memref<40960x128xf32, #tpu.memory_space<hbm>>, %arg3: memref<1x16384xi32, #tpu.memory_space<hbm>>, %arg4: memref<1x16384xi32, #tpu.memory_space<hbm>>, %arg5: memref<16384x128xf32, #tpu.memory_space<hbm>>, %arg6: memref<128x128xf32, #tpu.memory_space<vmem>>) attributes {dimension_semantics = [#tpu.dimension_semantics<core_parallel>, #tpu.dimension_semantics<subcore_parallel>], iteration_bounds = array<i64: 2, 16>, scalar_prefetch = 0 : i64, scratch_operands = 1 : i64, tpu.core_type = #tpu.core_type<sc_vector_subcore>, window_params = [{transform_indices = #map}, {transform_indices = #map}, {transform_indices = #map}, {transform_indices = #map}]} {
    %mul3A = arith.constant 1 : i32
    %mul3A_0 = arith.muli %arg1, %mul3A : i32
    %add3A = arith.constant 0 : i32
    %add3A_1 = arith.addi %add3A, %mul3A_0 : i32
    %mul3A_2 = arith.constant 16 : i32
    %mul3A_3 = arith.muli %arg0, %mul3A_2 : i32
    %add3A_4 = arith.addi %add3A_1, %mul3A_3 : i32
    %mul3A_5 = arith.constant 4 : i32
    %mul3A_6 = arith.muli %add3A_4, %mul3A_5 : i32
    "tpu.region"() ({
      %run_scoped3A = memref.alloca() : memref<2x1x128xi32, #tpu.memory_space<vmem>>
      %run_scoped3A_7 = tpu.sem_alloc : memref<2x!tpu.dma_semaphore, #tpu.memory_space<semaphore_mem>>
      %run_scoped3A_8 = memref.alloca() : memref<2x1x128xi32, #tpu.memory_space<vmem>>
      %run_scoped3A_9 = tpu.sem_alloc : memref<2x!tpu.dma_semaphore, #tpu.memory_space<semaphore_mem>>
      %run_scoped3A_10 = memref.alloca() : memref<2x128x128xf32, #tpu.memory_space<vmem>>
      %run_scoped3A_11 = tpu.sem_alloc : memref<2x!tpu.dma_semaphore, #tpu.memory_space<semaphore_mem>>
      %add3A_12 = arith.constant 0 : i32
      %add3A_13 = arith.addi %add3A_12, %mul3A_6 : i32
      %select_n3A = arith.constant true
      %select_n3A_14 = arith.constant 0 : i32
      %select_n3A_15 = arith.constant -1 : i32
      %select_n3A_16 = arith.select %select_n3A, %select_n3A_15, %select_n3A_14 : i32
      %eq3A = arith.constant -1 : i32
      %eq3A_17 = arith.cmpi eq, %select_n3A_16, %eq3A : i32
      %select_n3A_18 = arith.constant 3 : i32
      %select_n3A_19 = arith.select %eq3A_17, %select_n3A_18, %select_n3A_16 : i32
      %add3A_20 = arith.addi %select_n3A_19, %mul3A_6 : i32
      %select_n3A_21 = arith.constant true
      %select_n3A_22 = arith.constant 0 : i32
      %select_n3A_23 = arith.constant 1 : i32
      %select_n3A_24 = arith.select %select_n3A_21, %select_n3A_23, %select_n3A_22 : i32
      %eq3A_25 = arith.constant 4 : i32
      %eq3A_26 = arith.cmpi eq, %select_n3A_24, %eq3A_25 : i32
      %select_n3A_27 = arith.constant 0 : i32
      %select_n3A_28 = arith.select %eq3A_26, %select_n3A_27, %select_n3A_24 : i32
      %add3A_29 = arith.addi %select_n3A_28, %mul3A_6 : i32
      %add3A_30 = arith.constant 1 : i32
      %add3A_31 = arith.addi %select_n3A_28, %add3A_30 : i32
      %select_n3A_32 = arith.constant true
      %select_n3A_33 = arith.select %select_n3A_32, %add3A_31, %select_n3A_28 : i32
      %eq3A_34 = arith.constant 4 : i32
      %eq3A_35 = arith.cmpi eq, %select_n3A_33, %eq3A_34 : i32
      %select_n3A_36 = arith.constant 0 : i32
      %select_n3A_37 = arith.select %eq3A_35, %select_n3A_36, %select_n3A_33 : i32
      %add3A_38 = arith.addi %select_n3A_37, %mul3A_6 : i32
      "tpu.trace_start"() <{level = 10 : i32, message = "ep_initialize_0"}> : () -> ()
      %rem3A = arith.constant 0 : i32
      %rem3A_39 = arith.constant 2 : i32
      %rem3A_40 = arith.remui %rem3A, %rem3A_39 : i32
      %mul3A_41 = arith.constant 128 : i32
      %mul3A_42 = arith.muli %mul3A_41, %add3A_13 : i32
      %dma_start3A = arith.constant 0 : i32
      %dma_start3A_43 = arith.constant 0 : i32
      %dma_start3A_44 = tpu.memref_slice %run_scoped3A[%rem3A_40, %dma_start3A, %dma_start3A_43] : memref<2x1x128xi32, #tpu.memory_space<vmem>> -> memref<1x1x128xi32, #tpu.memory_space<vmem>>
      %dma_start3A_45 = tpu.memref_squeeze %dma_start3A_44 : memref<1x1x128xi32, #tpu.memory_space<vmem>> -> memref<1x128xi32, #tpu.memory_space<vmem>>
      %dma_start3A_46 = arith.constant 0 : i32
      %dma_start3A_47 = tpu.memref_slice %arg3[%dma_start3A_46, %mul3A_42] : memref<1x16384xi32, #tpu.memory_space<hbm>> -> memref<1x128xi32, #tpu.memory_space<hbm>>
      %dma_start3A_48 = tpu.memref_slice %run_scoped3A_7[%rem3A_40] : memref<2x!tpu.dma_semaphore, #tpu.memory_space<semaphore_mem>> -> memref<1x!tpu.dma_semaphore, #tpu.memory_space<semaphore_mem>>
      %dma_start3A_49 = tpu.memref_squeeze %dma_start3A_48 : memref<1x!tpu.dma_semaphore, #tpu.memory_space<semaphore_mem>> -> memref<!tpu.dma_semaphore, #tpu.memory_space<semaphore_mem>>
      %dma_start3A_50 = arith.constant 0 : i32
      %dma_start3A_51 = arith.constant 0 : i32
      %dma_start3A_52 = tpu.memref_slice %run_scoped3A[%rem3A_40, %dma_start3A_50, %dma_start3A_51] : memref<2x1x128xi32, #tpu.memory_space<vmem>> -> memref<1x1x128xi32, #tpu.memory_space<vmem>>
      %dma_start3A_53 = tpu.memref_squeeze %dma_start3A_52 : memref<1x1x128xi32, #tpu.memory_space<vmem>> -> memref<1x128xi32, #tpu.memory_space<vmem>>
      %dma_start3A_54 = arith.constant 0 : i32
      %dma_start3A_55 = tpu.memref_slice %arg3[%dma_start3A_54, %mul3A_42] : memref<1x16384xi32, #tpu.memory_space<hbm>> -> memref<1x128xi32, #tpu.memory_space<hbm>>
      tpu.enqueue_dma source(%dma_start3A_55 : memref<1x128xi32, #tpu.memory_space<hbm>>) target(%dma_start3A_53 : memref<1x128xi32, #tpu.memory_space<vmem>>) target_semaphore(%dma_start3A_49 : memref<!tpu.dma_semaphore, #tpu.memory_space<semaphore_mem>>)
      %add3A_56 = arith.constant 0 : i32
      %add3A_57 = arith.constant 1 : i32
      %add3A_58 = arith.addi %add3A_56, %add3A_57 : i32
      %select_n3A_59 = arith.constant true
      %select_n3A_60 = arith.constant 0 : i32
      %select_n3A_61 = arith.select %select_n3A_59, %add3A_58, %select_n3A_60 : i32
      %rem3A_62 = arith.constant 0 : i32
      %rem3A_63 = arith.constant 2 : i32
      %rem3A_64 = arith.remui %rem3A_62, %rem3A_63 : i32
      %mul3A_65 = arith.constant 128 : i32
      %mul3A_66 = arith.muli %mul3A_65, %add3A_13 : i32
      %dma_start3A_67 = arith.constant 0 : i32
      %dma_start3A_68 = arith.constant 0 : i32
      %dma_start3A_69 = tpu.memref_slice %run_scoped3A_8[%rem3A_64, %dma_start3A_67, %dma_start3A_68] : memref<2x1x128xi32, #tpu.memory_space<vmem>> -> memref<1x1x128xi32, #tpu.memory_space<vmem>>
      %dma_start3A_70 = tpu.memref_squeeze %dma_start3A_69 : memref<1x1x128xi32, #tpu.memory_space<vmem>> -> memref<1x128xi32, #tpu.memory_space<vmem>>
      %dma_start3A_71 = arith.constant 0 : i32
      %dma_start3A_72 = tpu.memref_slice %arg4[%dma_start3A_71, %mul3A_66] : memref<1x16384xi32, #tpu.memory_space<hbm>> -> memref<1x128xi32, #tpu.memory_space<hbm>>
      %dma_start3A_73 = tpu.memref_slice %run_scoped3A_9[%rem3A_64] : memref<2x!tpu.dma_semaphore, #tpu.memory_space<semaphore_mem>> -> memref<1x!tpu.dma_semaphore, #tpu.memory_space<semaphore_mem>>
      %dma_start3A_74 = tpu.memref_squeeze %dma_start3A_73 : memref<1x!tpu.dma_semaphore, #tpu.memory_space<semaphore_mem>> -> memref<!tpu.dma_semaphore, #tpu.memory_space<semaphore_mem>>
      %dma_start3A_75 = arith.constant 0 : i32
      %dma_start3A_76 = arith.constant 0 : i32
      %dma_start3A_77 = tpu.memref_slice %run_scoped3A_8[%rem3A_64, %dma_start3A_75, %dma_start3A_76] : memref<2x1x128xi32, #tpu.memory_space<vmem>> -> memref<1x1x128xi32, #tpu.memory_space<vmem>>
      %dma_start3A_78 = tpu.memref_squeeze %dma_start3A_77 : memref<1x1x128xi32, #tpu.memory_space<vmem>> -> memref<1x128xi32, #tpu.memory_space<vmem>>
      %dma_start3A_79 = arith.constant 0 : i32
      %dma_start3A_80 = tpu.memref_slice %arg4[%dma_start3A_79, %mul3A_66] : memref<1x16384xi32, #tpu.memory_space<hbm>> -> memref<1x128xi32, #tpu.memory_space<hbm>>
      tpu.enqueue_dma source(%dma_start3A_80 : memref<1x128xi32, #tpu.memory_space<hbm>>) target(%dma_start3A_78 : memref<1x128xi32, #tpu.memory_space<vmem>>) target_semaphore(%dma_start3A_74 : memref<!tpu.dma_semaphore, #tpu.memory_space<semaphore_mem>>)
      %add3A_81 = arith.constant 0 : i32
      %add3A_82 = arith.constant 1 : i32
      %add3A_83 = arith.addi %add3A_81, %add3A_82 : i32
      %select_n3A_84 = arith.constant true
      %select_n3A_85 = arith.constant 0 : i32
      %select_n3A_86 = arith.select %select_n3A_84, %add3A_83, %select_n3A_85 : i32
      "tpu.trace_stop"() : () -> ()
      %scan3A = arith.constant 0 : i32
      %scan3A_87 = arith.constant 0 : i32
      %scan3A_88 = arith.constant 0 : i32
      %scan3A_89 = arith.constant 0 : i32
      %scan3A_90 = arith.constant 0 : i32
      %scan3A_91 = arith.constant 0 : i32
      %scan3A_92 = arith.constant 4 : i32
      %scan3A_93 = arith.addi %scan3A_91, %scan3A_92 : i32
      %scan3A_94 = arith.constant 1 : i32
      %scan3A_95:7 = scf.for %scan3A_149 = %scan3A_91 to %scan3A_93 step %scan3A_94 iter_args(%scan3A_150 = %select_n3A_61, %scan3A_151 = %scan3A, %scan3A_152 = %select_n3A_86, %scan3A_153 = %scan3A_87, %scan3A_154 = %scan3A_88, %scan3A_155 = %scan3A_89, %scan3A_156 = %scan3A_90) -> (i32, i32, i32, i32, i32, i32, i32)  : i32 {
        %eq3A_157 = arith.constant 0 : i32
        %eq3A_158 = arith.cmpi eq, %scan3A_149, %eq3A_157 : i32
        %eq3A_159 = arith.constant 3 : i32
        %eq3A_160 = arith.cmpi eq, %scan3A_149, %eq3A_159 : i32
        %add3A_161 = arith.addi %scan3A_156, %mul3A_6 : i32
        %sub3A_162 = arith.constant 1 : i32
        %sub3A_163 = arith.subi %scan3A_156, %sub3A_162 : i32
        %select_n3A_164 = arith.constant true
        %select_n3A_165 = arith.select %select_n3A_164, %sub3A_163, %scan3A_156 : i32
        %eq3A_166 = arith.constant -1 : i32
        %eq3A_167 = arith.cmpi eq, %select_n3A_165, %eq3A_166 : i32
        %select_n3A_168 = arith.constant 3 : i32
        %select_n3A_169 = arith.select %eq3A_167, %select_n3A_168, %select_n3A_165 : i32
        %add3A_170 = arith.addi %select_n3A_169, %mul3A_6 : i32
        %add3A_171 = arith.constant 1 : i32
        %add3A_172 = arith.addi %scan3A_156, %add3A_171 : i32
        %select_n3A_173 = arith.constant true
        %select_n3A_174 = arith.select %select_n3A_173, %add3A_172, %scan3A_156 : i32
        %eq3A_175 = arith.constant 4 : i32
        %eq3A_176 = arith.cmpi eq, %select_n3A_174, %eq3A_175 : i32
        %select_n3A_177 = arith.constant 0 : i32
        %select_n3A_178 = arith.select %eq3A_176, %select_n3A_177, %select_n3A_174 : i32
        %add3A_179 = arith.addi %select_n3A_178, %mul3A_6 : i32
        %add3A_180 = arith.constant 1 : i32
        %add3A_181 = arith.addi %select_n3A_178, %add3A_180 : i32
        %select_n3A_182 = arith.constant true
        %select_n3A_183 = arith.select %select_n3A_182, %add3A_181, %select_n3A_178 : i32
        %eq3A_184 = arith.constant 4 : i32
        %eq3A_185 = arith.cmpi eq, %select_n3A_183, %eq3A_184 : i32
        %select_n3A_186 = arith.constant 0 : i32
        %select_n3A_187 = arith.select %eq3A_185, %select_n3A_186, %select_n3A_183 : i32
        %add3A_188 = arith.addi %select_n3A_187, %mul3A_6 : i32
        %ne3A = arith.cmpi ne, %add3A_161, %add3A_179 : i32
        %or3A = arith.constant false
        %or3A_189 = arith.ori %or3A, %ne3A : i1
        %ge3A = arith.constant 3 : i32
        %ge3A_190 = arith.cmpi sge, %scan3A_149, %ge3A : i32
        %not3A = arith.constant true
        %not3A_191 = arith.xori %ge3A_190, %not3A : i1
        %and3A = arith.andi %or3A_189, %not3A_191 : i1
        %convert_element_type3A = arith.extui %and3A : i1 to i32
        %cond3A = arith.constant 0 : i32
        %cond3A_192 = arith.cmpi ne, %convert_element_type3A, %cond3A : i32
        scf.if %cond3A_192 {
          "tpu.trace_start"() <{level = 10 : i32, message = "ep_copy_in"}> : () -> ()
          %rem3A_352 = arith.constant 2 : i32
          %rem3A_353 = arith.remui %scan3A_150, %rem3A_352 : i32
          %mul3A_354 = arith.constant 128 : i32
          %mul3A_355 = arith.muli %mul3A_354, %add3A_179 : i32
          %dma_start3A_356 = arith.constant 0 : i32
          %dma_start3A_357 = arith.constant 0 : i32
          %dma_start3A_358 = tpu.memref_slice %run_scoped3A[%rem3A_353, %dma_start3A_356, %dma_start3A_357] : memref<2x1x128xi32, #tpu.memory_space<vmem>> -> memref<1x1x128xi32, #tpu.memory_space<vmem>>
          %dma_start3A_359 = tpu.memref_squeeze %dma_start3A_358 : memref<1x1x128xi32, #tpu.memory_space<vmem>> -> memref<1x128xi32, #tpu.memory_space<vmem>>
          %dma_start3A_360 = arith.constant 0 : i32
          %dma_start3A_361 = tpu.memref_slice %arg3[%dma_start3A_360, %mul3A_355] : memref<1x16384xi32, #tpu.memory_space<hbm>> -> memref<1x128xi32, #tpu.memory_space<hbm>>
          %dma_start3A_362 = tpu.memref_slice %run_scoped3A_7[%rem3A_353] : memref<2x!tpu.dma_semaphore, #tpu.memory_space<semaphore_mem>> -> memref<1x!tpu.dma_semaphore, #tpu.memory_space<semaphore_mem>>
          %dma_start3A_363 = tpu.memref_squeeze %dma_start3A_362 : memref<1x!tpu.dma_semaphore, #tpu.memory_space<semaphore_mem>> -> memref<!tpu.dma_semaphore, #tpu.memory_space<semaphore_mem>>
          %dma_start3A_364 = arith.constant 0 : i32
          %dma_start3A_365 = arith.constant 0 : i32
          %dma_start3A_366 = tpu.memref_slice %run_scoped3A[%rem3A_353, %dma_start3A_364, %dma_start3A_365] : memref<2x1x128xi32, #tpu.memory_space<vmem>> -> memref<1x1x128xi32, #tpu.memory_space<vmem>>
          %dma_start3A_367 = tpu.memref_squeeze %dma_start3A_366 : memref<1x1x128xi32, #tpu.memory_space<vmem>> -> memref<1x128xi32, #tpu.memory_space<vmem>>
          %dma_start3A_368 = arith.constant 0 : i32
          %dma_start3A_369 = tpu.memref_slice %arg3[%dma_start3A_368, %mul3A_355] : memref<1x16384xi32, #tpu.memory_space<hbm>> -> memref<1x128xi32, #tpu.memory_space<hbm>>
          tpu.enqueue_dma source(%dma_start3A_369 : memref<1x128xi32, #tpu.memory_space<hbm>>) target(%dma_start3A_367 : memref<1x128xi32, #tpu.memory_space<vmem>>) target_semaphore(%dma_start3A_363 : memref<!tpu.dma_semaphore, #tpu.memory_space<semaphore_mem>>)
          "tpu.trace_stop"() : () -> ()
        } else {
        }
        %and3A_193 = arith.constant true
        %and3A_194 = arith.andi %and3A, %and3A_193 : i1
        %add3A_195 = arith.constant 1 : i32
        %add3A_196 = arith.addi %scan3A_150, %add3A_195 : i32
        %select_n3A_197 = arith.select %and3A_194, %add3A_196, %scan3A_150 : i32
        %ne3A_198 = arith.cmpi ne, %add3A_161, %add3A_179 : i32
        %or3A_199 = arith.constant false
        %or3A_200 = arith.ori %or3A_199, %ne3A_198 : i1
        %ge3A_201 = arith.constant 3 : i32
        %ge3A_202 = arith.cmpi sge, %scan3A_149, %ge3A_201 : i32
        %not3A_203 = arith.constant true
        %not3A_204 = arith.xori %ge3A_202, %not3A_203 : i1
        %and3A_205 = arith.andi %or3A_200, %not3A_204 : i1
        %convert_element_type3A_206 = arith.extui %and3A_205 : i1 to i32
        %cond3A_207 = arith.constant 0 : i32
        %cond3A_208 = arith.cmpi ne, %convert_element_type3A_206, %cond3A_207 : i32
        scf.if %cond3A_208 {
          "tpu.trace_start"() <{level = 10 : i32, message = "ep_copy_in"}> : () -> ()
          %rem3A_352 = arith.constant 2 : i32
          %rem3A_353 = arith.remui %scan3A_152, %rem3A_352 : i32
          %mul3A_354 = arith.constant 128 : i32
          %mul3A_355 = arith.muli %mul3A_354, %add3A_179 : i32
          %dma_start3A_356 = arith.constant 0 : i32
          %dma_start3A_357 = arith.constant 0 : i32
          %dma_start3A_358 = tpu.memref_slice %run_scoped3A_8[%rem3A_353, %dma_start3A_356, %dma_start3A_357] : memref<2x1x128xi32, #tpu.memory_space<vmem>> -> memref<1x1x128xi32, #tpu.memory_space<vmem>>
          %dma_start3A_359 = tpu.memref_squeeze %dma_start3A_358 : memref<1x1x128xi32, #tpu.memory_space<vmem>> -> memref<1x128xi32, #tpu.memory_space<vmem>>
          %dma_start3A_360 = arith.constant 0 : i32
          %dma_start3A_361 = tpu.memref_slice %arg4[%dma_start3A_360, %mul3A_355] : memref<1x16384xi32, #tpu.memory_space<hbm>> -> memref<1x128xi32, #tpu.memory_space<hbm>>
          %dma_start3A_362 = tpu.memref_slice %run_scoped3A_9[%rem3A_353] : memref<2x!tpu.dma_semaphore, #tpu.memory_space<semaphore_mem>> -> memref<1x!tpu.dma_semaphore, #tpu.memory_space<semaphore_mem>>
          %dma_start3A_363 = tpu.memref_squeeze %dma_start3A_362 : memref<1x!tpu.dma_semaphore, #tpu.memory_space<semaphore_mem>> -> memref<!tpu.dma_semaphore, #tpu.memory_space<semaphore_mem>>
          %dma_start3A_364 = arith.constant 0 : i32
          %dma_start3A_365 = arith.constant 0 : i32
          %dma_start3A_366 = tpu.memref_slice %run_scoped3A_8[%rem3A_353, %dma_start3A_364, %dma_start3A_365] : memref<2x1x128xi32, #tpu.memory_space<vmem>> -> memref<1x1x128xi32, #tpu.memory_space<vmem>>
          %dma_start3A_367 = tpu.memref_squeeze %dma_start3A_366 : memref<1x1x128xi32, #tpu.memory_space<vmem>> -> memref<1x128xi32, #tpu.memory_space<vmem>>
          %dma_start3A_368 = arith.constant 0 : i32
          %dma_start3A_369 = tpu.memref_slice %arg4[%dma_start3A_368, %mul3A_355] : memref<1x16384xi32, #tpu.memory_space<hbm>> -> memref<1x128xi32, #tpu.memory_space<hbm>>
          tpu.enqueue_dma source(%dma_start3A_369 : memref<1x128xi32, #tpu.memory_space<hbm>>) target(%dma_start3A_367 : memref<1x128xi32, #tpu.memory_space<vmem>>) target_semaphore(%dma_start3A_363 : memref<!tpu.dma_semaphore, #tpu.memory_space<semaphore_mem>>)
          "tpu.trace_stop"() : () -> ()
        } else {
        }
        %and3A_209 = arith.constant true
        %and3A_210 = arith.andi %and3A_205, %and3A_209 : i1
        %add3A_211 = arith.constant 1 : i32
        %add3A_212 = arith.addi %scan3A_152, %add3A_211 : i32
        %select_n3A_213 = arith.select %and3A_210, %add3A_212, %scan3A_152 : i32
        %ne3A_214 = arith.cmpi ne, %add3A_161, %add3A_179 : i32
        %or3A_215 = arith.constant false
        %or3A_216 = arith.ori %or3A_215, %ne3A_214 : i1
        %or3A_217 = arith.constant false
        %or3A_218 = arith.ori %or3A_216, %or3A_217 : i1
        %ge3A_219 = arith.constant 3 : i32
        %ge3A_220 = arith.cmpi sge, %scan3A_149, %ge3A_219 : i32
        %not3A_221 = arith.constant true
        %not3A_222 = arith.xori %ge3A_220, %not3A_221 : i1
        %and3A_223 = arith.andi %or3A_218, %not3A_222 : i1
        %ne3A_224 = arith.cmpi ne, %add3A_161, %add3A_170 : i32
        %or3A_225 = arith.constant false
        %or3A_226 = arith.ori %or3A_225, %ne3A_224 : i1
        %or3A_227 = arith.ori %or3A_226, %eq3A_158 : i1
        %convert_element_type3A_228 = arith.extui %or3A_227 : i1 to i32
        %cond3A_229 = arith.constant 0 : i32
        %cond3A_230 = arith.cmpi ne, %convert_element_type3A_228, %cond3A_229 : i32
        scf.if %cond3A_230 {
          "tpu.trace_start"() <{level = 10 : i32, message = "ep_wait_in"}> : () -> ()
          %mul3A_352 = arith.constant 128 : i32
          %mul3A_353 = arith.muli %mul3A_352, %add3A_161 : i32
          %rem3A_354 = arith.constant 2 : i32
          %rem3A_355 = arith.remui %scan3A_151, %rem3A_354 : i32
          %dma_wait3A_356 = arith.constant 0 : i32
          %dma_wait3A_357 = arith.constant 0 : i32
          %dma_wait3A_358 = tpu.memref_slice %run_scoped3A[%rem3A_355, %dma_wait3A_356, %dma_wait3A_357] : memref<2x1x128xi32, #tpu.memory_space<vmem>> -> memref<1x1x128xi32, #tpu.memory_space<vmem>>
          %dma_wait3A_359 = tpu.memref_squeeze %dma_wait3A_358 : memref<1x1x128xi32, #tpu.memory_space<vmem>> -> memref<1x128xi32, #tpu.memory_space<vmem>>
          %dma_wait3A_360 = arith.constant 0 : i32
          %dma_wait3A_361 = tpu.memref_slice %arg3[%dma_wait3A_360, %mul3A_353] : memref<1x16384xi32, #tpu.memory_space<hbm>> -> memref<1x128xi32, #tpu.memory_space<hbm>>
          %dma_wait3A_362 = tpu.memref_slice %run_scoped3A_7[%rem3A_355] : memref<2x!tpu.dma_semaphore, #tpu.memory_space<semaphore_mem>> -> memref<1x!tpu.dma_semaphore, #tpu.memory_space<semaphore_mem>>
          %dma_wait3A_363 = tpu.memref_squeeze %dma_wait3A_362 : memref<1x!tpu.dma_semaphore, #tpu.memory_space<semaphore_mem>> -> memref<!tpu.dma_semaphore, #tpu.memory_space<semaphore_mem>>
          %dma_wait3A_364 = arith.constant 0 : i32
          %dma_wait3A_365 = arith.constant 0 : i32
          %dma_wait3A_366 = tpu.memref_slice %run_scoped3A[%rem3A_355, %dma_wait3A_364, %dma_wait3A_365] : memref<2x1x128xi32, #tpu.memory_space<vmem>> -> memref<1x1x128xi32, #tpu.memory_space<vmem>>
          %dma_wait3A_367 = tpu.memref_squeeze %dma_wait3A_366 : memref<1x1x128xi32, #tpu.memory_space<vmem>> -> memref<1x128xi32, #tpu.memory_space<vmem>>
          %dma_wait3A_368 = arith.constant 0 : i32
          %dma_wait3A_369 = tpu.memref_slice %arg3[%dma_wait3A_368, %mul3A_353] : memref<1x16384xi32, #tpu.memory_space<hbm>> -> memref<1x128xi32, #tpu.memory_space<hbm>>
          tpu.wait_dma2 semaphore(%dma_wait3A_363 : memref<!tpu.dma_semaphore, #tpu.memory_space<semaphore_mem>>) src(%dma_wait3A_369 : memref<1x128xi32, #tpu.memory_space<hbm>>) dst(%dma_wait3A_367 : memref<1x128xi32, #tpu.memory_space<vmem>>)
          "tpu.trace_stop"() : () -> ()
        } else {
        }
        %ne3A_231 = arith.cmpi ne, %add3A_161, %add3A_170 : i32
        %or3A_232 = arith.constant false
        %or3A_233 = arith.ori %or3A_232, %ne3A_231 : i1
        %or3A_234 = arith.ori %or3A_233, %eq3A_158 : i1
        %convert_element_type3A_235 = arith.extui %or3A_234 : i1 to i32
        %cond3A_236 = arith.constant 0 : i32
        %cond3A_237 = arith.cmpi ne, %convert_element_type3A_235, %cond3A_236 : i32
        scf.if %cond3A_237 {
          "tpu.trace_start"() <{level = 10 : i32, message = "ep_wait_in"}> : () -> ()
          %mul3A_352 = arith.constant 128 : i32
          %mul3A_353 = arith.muli %mul3A_352, %add3A_161 : i32
          %rem3A_354 = arith.constant 2 : i32
          %rem3A_355 = arith.remui %scan3A_153, %rem3A_354 : i32
          %dma_wait3A_356 = arith.constant 0 : i32
          %dma_wait3A_357 = arith.constant 0 : i32
          %dma_wait3A_358 = tpu.memref_slice %run_scoped3A_8[%rem3A_355, %dma_wait3A_356, %dma_wait3A_357] : memref<2x1x128xi32, #tpu.memory_space<vmem>> -> memref<1x1x128xi32, #tpu.memory_space<vmem>>
          %dma_wait3A_359 = tpu.memref_squeeze %dma_wait3A_358 : memref<1x1x128xi32, #tpu.memory_space<vmem>> -> memref<1x128xi32, #tpu.memory_space<vmem>>
          %dma_wait3A_360 = arith.constant 0 : i32
          %dma_wait3A_361 = tpu.memref_slice %arg4[%dma_wait3A_360, %mul3A_353] : memref<1x16384xi32, #tpu.memory_space<hbm>> -> memref<1x128xi32, #tpu.memory_space<hbm>>
          %dma_wait3A_362 = tpu.memref_slice %run_scoped3A_9[%rem3A_355] : memref<2x!tpu.dma_semaphore, #tpu.memory_space<semaphore_mem>> -> memref<1x!tpu.dma_semaphore, #tpu.memory_space<semaphore_mem>>
          %dma_wait3A_363 = tpu.memref_squeeze %dma_wait3A_362 : memref<1x!tpu.dma_semaphore, #tpu.memory_space<semaphore_mem>> -> memref<!tpu.dma_semaphore, #tpu.memory_space<semaphore_mem>>
          %dma_wait3A_364 = arith.constant 0 : i32
          %dma_wait3A_365 = arith.constant 0 : i32
          %dma_wait3A_366 = tpu.memref_slice %run_scoped3A_8[%rem3A_355, %dma_wait3A_364, %dma_wait3A_365] : memref<2x1x128xi32, #tpu.memory_space<vmem>> -> memref<1x1x128xi32, #tpu.memory_space<vmem>>
          %dma_wait3A_367 = tpu.memref_squeeze %dma_wait3A_366 : memref<1x1x128xi32, #tpu.memory_space<vmem>> -> memref<1x128xi32, #tpu.memory_space<vmem>>
          %dma_wait3A_368 = arith.constant 0 : i32
          %dma_wait3A_369 = tpu.memref_slice %arg4[%dma_wait3A_368, %mul3A_353] : memref<1x16384xi32, #tpu.memory_space<hbm>> -> memref<1x128xi32, #tpu.memory_space<hbm>>
          tpu.wait_dma2 semaphore(%dma_wait3A_363 : memref<!tpu.dma_semaphore, #tpu.memory_space<semaphore_mem>>) src(%dma_wait3A_369 : memref<1x128xi32, #tpu.memory_space<hbm>>) dst(%dma_wait3A_367 : memref<1x128xi32, #tpu.memory_space<vmem>>)
          "tpu.trace_stop"() : () -> ()
        } else {
        }
        %ne3A_238 = arith.cmpi ne, %add3A_161, %add3A_170 : i32
        %or3A_239 = arith.constant false
        %or3A_240 = arith.ori %or3A_239, %ne3A_238 : i1
        %or3A_241 = arith.constant false
        %or3A_242 = arith.ori %or3A_240, %or3A_241 : i1
        %or3A_243 = arith.ori %or3A_242, %eq3A_158 : i1
        %convert_element_type3A_244 = arith.extui %or3A_243 : i1 to i32
        %cond3A_245 = arith.constant 0 : i32
        %cond3A_246 = arith.cmpi ne, %convert_element_type3A_244, %cond3A_245 : i32
        scf.if %cond3A_246 {
        } else {
        }
        %rem3A_247 = arith.constant 2 : i32
        %rem3A_248 = arith.remui %scan3A_151, %rem3A_247 : i32
        %rem3A_249 = arith.constant 2 : i32
        %rem3A_250 = arith.remui %scan3A_153, %rem3A_249 : i32
        %rem3A_251 = arith.constant 2 : i32
        %rem3A_252 = arith.remui %scan3A_154, %rem3A_251 : i32
        %run_scoped3A_253 = arith.constant 0 : i32
        "tpu.trace_start"() <{level = 10 : i32, message = "ep_run_kernel"}> : () -> ()
        "tpu.region"() ({
          %run_scoped3A_352 = tpu.sem_alloc : memref<!tpu.dma_semaphore, #tpu.memory_space<semaphore_mem>>
          %dma_start3A_353 = arith.constant 0 : i32
          %dma_start3A_354 = arith.constant 0 : i32
          %dma_start3A_355 = tpu.memref_slice %run_scoped3A_10[%rem3A_252, %dma_start3A_353, %dma_start3A_354] : memref<2x128x128xf32, #tpu.memory_space<vmem>> -> memref<1x128x128xf32, #tpu.memory_space<vmem>>
          %dma_start3A_356 = tpu.memref_squeeze %dma_start3A_355 : memref<1x128x128xf32, #tpu.memory_space<vmem>> -> memref<128x128xf32, #tpu.memory_space<vmem>>
          %dma_start3A_357 = arith.constant 0 : i32
          %dma_start3A_358 = arith.constant 0 : i32
          %dma_start3A_359 = tpu.memref_slice %run_scoped3A[%rem3A_248, %dma_start3A_357, %dma_start3A_358] : memref<2x1x128xi32, #tpu.memory_space<vmem>> -> memref<1x1x128xi32, #tpu.memory_space<vmem>>
          %dma_start3A_360 = tpu.memref_squeeze %dma_start3A_359 : memref<1x1x128xi32, #tpu.memory_space<vmem>> -> memref<1x128xi32, #tpu.memory_space<vmem>>
          %dma_start3A_361 = arith.constant 0 : i32
          %dma_start3A_362 = tpu.memref_slice %dma_start3A_360[%run_scoped3A_253, %dma_start3A_361] : memref<1x128xi32, #tpu.memory_space<vmem>> -> memref<1x128xi32, #tpu.memory_space<vmem>>
          %dma_start3A_363 = tpu.memref_squeeze %dma_start3A_362 : memref<1x128xi32, #tpu.memory_space<vmem>> -> memref<128xi32, #tpu.memory_space<vmem>>
          %dma_start3A_364 = arith.constant 0 : i32
          %dma_start3A_365 = arith.constant 0 : i32
          %dma_start3A_366 = tpu.memref_slice %arg2[%dma_start3A_364, %dma_start3A_365] : memref<40960x128xf32, #tpu.memory_space<hbm>> -> memref<40960x128xf32, #tpu.memory_space<hbm>>
          tpu.enqueue_indirect_dma source(%dma_start3A_366 : memref<40960x128xf32, #tpu.memory_space<hbm>>) target(%dma_start3A_356 : memref<128x128xf32, #tpu.memory_space<vmem>>) offsets(%dma_start3A_363 : memref<128xi32, #tpu.memory_space<vmem>>) semaphore(%run_scoped3A_352 : memref<!tpu.dma_semaphore, #tpu.memory_space<semaphore_mem>>)
          %dma_wait3A_367 = arith.constant 0 : i32
          %dma_wait3A_368 = arith.constant 0 : i32
          %dma_wait3A_369 = tpu.memref_slice %run_scoped3A_10[%rem3A_252, %dma_wait3A_367, %dma_wait3A_368] : memref<2x128x128xf32, #tpu.memory_space<vmem>> -> memref<1x128x128xf32, #tpu.memory_space<vmem>>
          %dma_wait3A_370 = tpu.memref_squeeze %dma_wait3A_369 : memref<1x128x128xf32, #tpu.memory_space<vmem>> -> memref<128x128xf32, #tpu.memory_space<vmem>>
          %dma_wait3A_371 = arith.constant 0 : i32
          %dma_wait3A_372 = arith.constant 0 : i32
          %dma_wait3A_373 = tpu.memref_slice %run_scoped3A[%rem3A_248, %dma_wait3A_371, %dma_wait3A_372] : memref<2x1x128xi32, #tpu.memory_space<vmem>> -> memref<1x1x128xi32, #tpu.memory_space<vmem>>
          %dma_wait3A_374 = tpu.memref_squeeze %dma_wait3A_373 : memref<1x1x128xi32, #tpu.memory_space<vmem>> -> memref<1x128xi32, #tpu.memory_space<vmem>>
          %dma_wait3A_375 = arith.constant 0 : i32
          %dma_wait3A_376 = tpu.memref_slice %dma_wait3A_374[%run_scoped3A_253, %dma_wait3A_375] : memref<1x128xi32, #tpu.memory_space<vmem>> -> memref<1x128xi32, #tpu.memory_space<vmem>>
          %dma_wait3A_377 = tpu.memref_squeeze %dma_wait3A_376 : memref<1x128xi32, #tpu.memory_space<vmem>> -> memref<128xi32, #tpu.memory_space<vmem>>
          %dma_wait3A_378 = arith.constant 0 : i32
          %dma_wait3A_379 = arith.constant 0 : i32
          %dma_wait3A_380 = tpu.memref_slice %arg2[%dma_wait3A_378, %dma_wait3A_379] : memref<40960x128xf32, #tpu.memory_space<hbm>> -> memref<40960x128xf32, #tpu.memory_space<hbm>>
          tpu.wait_indirect_dma semaphore(%run_scoped3A_352 : memref<!tpu.dma_semaphore, #tpu.memory_space<semaphore_mem>>) src(%dma_wait3A_380 : memref<40960x128xf32, #tpu.memory_space<hbm>>) dst(%dma_wait3A_370 : memref<128x128xf32, #tpu.memory_space<vmem>>)
          tpu.yield
        }) : () -> ()
        %run_scoped3A_254 = arith.constant 0 : i32
        "tpu.region"() ({
          %run_scoped3A_352 = tpu.sem_alloc : memref<!tpu.dma_semaphore, #tpu.memory_space<semaphore_mem>>
          %dma_start3A_353 = arith.constant 0 : i32
          %dma_start3A_354 = arith.constant 0 : i32
          %dma_start3A_355 = tpu.memref_slice %run_scoped3A_8[%rem3A_250, %dma_start3A_353, %dma_start3A_354] : memref<2x1x128xi32, #tpu.memory_space<vmem>> -> memref<1x1x128xi32, #tpu.memory_space<vmem>>
          %dma_start3A_356 = tpu.memref_squeeze %dma_start3A_355 : memref<1x1x128xi32, #tpu.memory_space<vmem>> -> memref<1x128xi32, #tpu.memory_space<vmem>>
          %dma_start3A_357 = arith.constant 0 : i32
          %dma_start3A_358 = tpu.memref_slice %dma_start3A_356[%run_scoped3A_254, %dma_start3A_357] : memref<1x128xi32, #tpu.memory_space<vmem>> -> memref<1x128xi32, #tpu.memory_space<vmem>>
          %dma_start3A_359 = tpu.memref_squeeze %dma_start3A_358 : memref<1x128xi32, #tpu.memory_space<vmem>> -> memref<128xi32, #tpu.memory_space<vmem>>
          %dma_start3A_360 = arith.constant 0 : i32
          %dma_start3A_361 = arith.constant 0 : i32
          %dma_start3A_362 = tpu.memref_slice %arg2[%dma_start3A_360, %dma_start3A_361] : memref<40960x128xf32, #tpu.memory_space<hbm>> -> memref<40960x128xf32, #tpu.memory_space<hbm>>
          tpu.enqueue_indirect_dma source(%dma_start3A_362 : memref<40960x128xf32, #tpu.memory_space<hbm>>) target(%arg6 : memref<128x128xf32, #tpu.memory_space<vmem>>) offsets(%dma_start3A_359 : memref<128xi32, #tpu.memory_space<vmem>>) semaphore(%run_scoped3A_352 : memref<!tpu.dma_semaphore, #tpu.memory_space<semaphore_mem>>)
          %dma_wait3A_363 = arith.constant 0 : i32
          %dma_wait3A_364 = arith.constant 0 : i32
          %dma_wait3A_365 = tpu.memref_slice %run_scoped3A_8[%rem3A_250, %dma_wait3A_363, %dma_wait3A_364] : memref<2x1x128xi32, #tpu.memory_space<vmem>> -> memref<1x1x128xi32, #tpu.memory_space<vmem>>
          %dma_wait3A_366 = tpu.memref_squeeze %dma_wait3A_365 : memref<1x1x128xi32, #tpu.memory_space<vmem>> -> memref<1x128xi32, #tpu.memory_space<vmem>>
          %dma_wait3A_367 = arith.constant 0 : i32
          %dma_wait3A_368 = tpu.memref_slice %dma_wait3A_366[%run_scoped3A_254, %dma_wait3A_367] : memref<1x128xi32, #tpu.memory_space<vmem>> -> memref<1x128xi32, #tpu.memory_space<vmem>>
          %dma_wait3A_369 = tpu.memref_squeeze %dma_wait3A_368 : memref<1x128xi32, #tpu.memory_space<vmem>> -> memref<128xi32, #tpu.memory_space<vmem>>
          %dma_wait3A_370 = arith.constant 0 : i32
          %dma_wait3A_371 = arith.constant 0 : i32
          %dma_wait3A_372 = tpu.memref_slice %arg2[%dma_wait3A_370, %dma_wait3A_371] : memref<40960x128xf32, #tpu.memory_space<hbm>> -> memref<40960x128xf32, #tpu.memory_space<hbm>>
          tpu.wait_indirect_dma semaphore(%run_scoped3A_352 : memref<!tpu.dma_semaphore, #tpu.memory_space<semaphore_mem>>) src(%dma_wait3A_372 : memref<40960x128xf32, #tpu.memory_space<hbm>>) dst(%arg6 : memref<128x128xf32, #tpu.memory_space<vmem>>)
          tpu.yield
        }) : () -> ()
        %scan3A_255 = arith.constant 0 : i32
        %scan3A_256 = arith.constant 128 : i32
        %scan3A_257 = arith.addi %scan3A_255, %scan3A_256 : i32
        %scan3A_258 = arith.constant 1 : i32
        scf.for %scan3A_352 = %scan3A_255 to %scan3A_257 step %scan3A_258  : i32 {
          %mul3A_353 = arith.constant 1 : i32
          %mul3A_354 = arith.muli %scan3A_352, %mul3A_353 : i32
          %add3A_355 = arith.constant 0 : i32
          %add3A_356 = arith.addi %add3A_355, %mul3A_354 : i32
          %scan3A_357 = arith.constant 0 : i32
          %scan3A_358 = arith.constant 8 : i32
          %scan3A_359 = arith.addi %scan3A_357, %scan3A_358 : i32
          %scan3A_360 = arith.constant 1 : i32
          scf.for %scan3A_362 = %scan3A_357 to %scan3A_359 step %scan3A_360  : i32 {
            %mul3A_363 = arith.constant 16 : i32
            %mul3A_364 = arith.muli %scan3A_362, %mul3A_363 : i32
            %add3A_365 = arith.constant 0 : i32
            %add3A_366 = arith.addi %add3A_365, %mul3A_364 : i32
            %get3A = arith.constant 0 : i32
            %get3A_367 = arith.constant 0 : i32
            %get3A_368 = tpu.memref_slice %run_scoped3A_10[%rem3A_252, %get3A, %get3A_367] : memref<2x128x128xf32, #tpu.memory_space<vmem>> -> memref<1x128x128xf32, #tpu.memory_space<vmem>>
            %get3A_369 = tpu.memref_squeeze %get3A_368 : memref<1x128x128xf32, #tpu.memory_space<vmem>> -> memref<128x128xf32, #tpu.memory_space<vmem>>
            %get3A_370 = arith.index_cast %add3A_356 : i32 to index
            %get3A_371 = arith.index_cast %add3A_366 : i32 to index
            %get3A_372 = tpu.vector_load %get3A_369[%get3A_370, %get3A_371] {strides = array<i32>} : memref<128x128xf32, #tpu.memory_space<vmem>>, vector<16xf32>,
            %get3A_373 = arith.index_cast %add3A_356 : i32 to index
            %get3A_374 = arith.index_cast %add3A_366 : i32 to index
            %get3A_375 = tpu.vector_load %arg6[%get3A_373, %get3A_374] {strides = array<i32>} : memref<128x128xf32, #tpu.memory_space<vmem>>, vector<16xf32>,
            %add3A_376 = arith.addf %get3A_372, %get3A_375 : vector<16xf32>
            %swap3A = arith.constant 0 : i32
            %swap3A_377 = arith.constant 0 : i32
            %swap3A_378 = tpu.memref_slice %run_scoped3A_10[%rem3A_252, %swap3A, %swap3A_377] : memref<2x128x128xf32, #tpu.memory_space<vmem>> -> memref<1x128x128xf32, #tpu.memory_space<vmem>>
            %swap3A_379 = tpu.memref_squeeze %swap3A_378 : memref<1x128x128xf32, #tpu.memory_space<vmem>> -> memref<128x128xf32, #tpu.memory_space<vmem>>
            %swap3A_380 = arith.index_cast %add3A_356 : i32 to index
            %swap3A_381 = arith.index_cast %add3A_366 : i32 to index
            %swap3A_382 = tpu.vector_load %swap3A_379[%swap3A_380, %swap3A_381] {strides = array<i32>} : memref<128x128xf32, #tpu.memory_space<vmem>>, vector<16xf32>,
            tpu.vector_store %swap3A_379[%swap3A_380, %swap3A_381], %add3A_376 {strides = array<i32>} : memref<128x128xf32, #tpu.memory_space<vmem>>, vector<16xf32>,
          }
          %scan3A_361 = arith.constant 8 : i32
        }
        %scan3A_259 = arith.constant 128 : i32
        "tpu.trace_stop"() : () -> ()
        %ne3A_260 = arith.cmpi ne, %add3A_161, %add3A_179 : i32
        %or3A_261 = arith.constant false
        %or3A_262 = arith.ori %or3A_261, %ne3A_260 : i1
        %or3A_263 = arith.ori %or3A_262, %eq3A_160 : i1
        %convert_element_type3A_264 = arith.extui %or3A_263 : i1 to i32
        %cond3A_265 = arith.constant 0 : i32
        %cond3A_266 = arith.cmpi ne, %convert_element_type3A_264, %cond3A_265 : i32
        scf.if %cond3A_266 {
        } else {
        }
        %and3A_267 = arith.constant false
        %and3A_268 = arith.andi %or3A_263, %and3A_267 : i1
        %ne3A_269 = arith.cmpi ne, %add3A_161, %add3A_179 : i32
        %or3A_270 = arith.constant false
        %or3A_271 = arith.ori %or3A_270, %ne3A_269 : i1
        %or3A_272 = arith.ori %or3A_271, %eq3A_160 : i1
        %convert_element_type3A_273 = arith.extui %or3A_272 : i1 to i32
        %cond3A_274 = arith.constant 0 : i32
        %cond3A_275 = arith.cmpi ne, %convert_element_type3A_273, %cond3A_274 : i32
        scf.if %cond3A_275 {
        } else {
        }
        %and3A_276 = arith.constant false
        %and3A_277 = arith.andi %or3A_272, %and3A_276 : i1
        %ne3A_278 = arith.cmpi ne, %add3A_161, %add3A_179 : i32
        %or3A_279 = arith.constant false
        %or3A_280 = arith.ori %or3A_279, %ne3A_278 : i1
        %or3A_281 = arith.constant false
        %or3A_282 = arith.ori %or3A_280, %or3A_281 : i1
        %or3A_283 = arith.ori %or3A_282, %eq3A_160 : i1
        %convert_element_type3A_284 = arith.extui %or3A_283 : i1 to i32
        %cond3A_285 = arith.constant 0 : i32
        %cond3A_286 = arith.cmpi ne, %convert_element_type3A_284, %cond3A_285 : i32
        scf.if %cond3A_286 {
          "tpu.trace_start"() <{level = 10 : i32, message = "ep_copy_out"}> : () -> ()
          %rem3A_352 = arith.constant 2 : i32
          %rem3A_353 = arith.remui %scan3A_154, %rem3A_352 : i32
          %mul3A_354 = arith.constant 128 : i32
          %mul3A_355 = arith.muli %mul3A_354, %add3A_161 : i32
          %dma_start3A_356 = arith.constant 0 : i32
          %dma_start3A_357 = arith.constant 0 : i32
          %dma_start3A_358 = tpu.memref_slice %run_scoped3A_10[%rem3A_353, %dma_start3A_356, %dma_start3A_357] : memref<2x128x128xf32, #tpu.memory_space<vmem>> -> memref<1x128x128xf32, #tpu.memory_space<vmem>>
          %dma_start3A_359 = tpu.memref_squeeze %dma_start3A_358 : memref<1x128x128xf32, #tpu.memory_space<vmem>> -> memref<128x128xf32, #tpu.memory_space<vmem>>
          %dma_start3A_360 = arith.constant 0 : i32
          %dma_start3A_361 = tpu.memref_slice %arg5[%mul3A_355, %dma_start3A_360] : memref<16384x128xf32, #tpu.memory_space<hbm>> -> memref<128x128xf32, #tpu.memory_space<hbm>>
          %dma_start3A_362 = tpu.memref_slice %run_scoped3A_11[%rem3A_353] : memref<2x!tpu.dma_semaphore, #tpu.memory_space<semaphore_mem>> -> memref<1x!tpu.dma_semaphore, #tpu.memory_space<semaphore_mem>>
          %dma_start3A_363 = tpu.memref_squeeze %dma_start3A_362 : memref<1x!tpu.dma_semaphore, #tpu.memory_space<semaphore_mem>> -> memref<!tpu.dma_semaphore, #tpu.memory_space<semaphore_mem>>
          %dma_start3A_364 = arith.constant 0 : i32
          %dma_start3A_365 = tpu.memref_slice %arg5[%mul3A_355, %dma_start3A_364] : memref<16384x128xf32, #tpu.memory_space<hbm>> -> memref<128x128xf32, #tpu.memory_space<hbm>>
          %dma_start3A_366 = arith.constant 0 : i32
          %dma_start3A_367 = arith.constant 0 : i32
          %dma_start3A_368 = tpu.memref_slice %run_scoped3A_10[%rem3A_353, %dma_start3A_366, %dma_start3A_367] : memref<2x128x128xf32, #tpu.memory_space<vmem>> -> memref<1x128x128xf32, #tpu.memory_space<vmem>>
          %dma_start3A_369 = tpu.memref_squeeze %dma_start3A_368 : memref<1x128x128xf32, #tpu.memory_space<vmem>> -> memref<128x128xf32, #tpu.memory_space<vmem>>
          tpu.enqueue_dma source(%dma_start3A_369 : memref<128x128xf32, #tpu.memory_space<vmem>>) target(%dma_start3A_365 : memref<128x128xf32, #tpu.memory_space<hbm>>) target_semaphore(%dma_start3A_363 : memref<!tpu.dma_semaphore, #tpu.memory_space<semaphore_mem>>)
          "tpu.trace_stop"() : () -> ()
        } else {
        }
        %and3A_287 = arith.constant true
        %and3A_288 = arith.andi %or3A_283, %and3A_287 : i1
        %add3A_289 = arith.constant 1 : i32
        %add3A_290 = arith.addi %scan3A_154, %add3A_289 : i32
        %select_n3A_291 = arith.select %and3A_288, %add3A_290, %scan3A_154 : i32
        %ne3A_292 = arith.cmpi ne, %add3A_161, %add3A_170 : i32
        %or3A_293 = arith.constant false
        %or3A_294 = arith.ori %or3A_293, %ne3A_292 : i1
        %not3A_295 = arith.constant true
        %not3A_296 = arith.xori %eq3A_158, %not3A_295 : i1
        %and3A_297 = arith.andi %or3A_294, %not3A_296 : i1
        %convert_element_type3A_298 = arith.extui %and3A_297 : i1 to i32
        %cond3A_299 = arith.constant 0 : i32
        %cond3A_300 = arith.cmpi ne, %convert_element_type3A_298, %cond3A_299 : i32
        scf.if %cond3A_300 {
        } else {
        }
        %and3A_301 = arith.constant false
        %and3A_302 = arith.andi %and3A_297, %and3A_301 : i1
        %ne3A_303 = arith.cmpi ne, %add3A_161, %add3A_170 : i32
        %or3A_304 = arith.constant false
        %or3A_305 = arith.ori %or3A_304, %ne3A_303 : i1
        %not3A_306 = arith.constant true
        %not3A_307 = arith.xori %eq3A_158, %not3A_306 : i1
        %and3A_308 = arith.andi %or3A_305, %not3A_307 : i1
        %convert_element_type3A_309 = arith.extui %and3A_308 : i1 to i32
        %cond3A_310 = arith.constant 0 : i32
        %cond3A_311 = arith.cmpi ne, %convert_element_type3A_309, %cond3A_310 : i32
        scf.if %cond3A_311 {
        } else {
        }
        %and3A_312 = arith.constant false
        %and3A_313 = arith.andi %and3A_308, %and3A_312 : i1
        %ne3A_314 = arith.cmpi ne, %add3A_161, %add3A_170 : i32
        %or3A_315 = arith.constant false
        %or3A_316 = arith.ori %or3A_315, %ne3A_314 : i1
        %or3A_317 = arith.constant false
        %or3A_318 = arith.ori %or3A_316, %or3A_317 : i1
        %not3A_319 = arith.constant true
        %not3A_320 = arith.xori %eq3A_158, %not3A_319 : i1
        %and3A_321 = arith.andi %or3A_318, %not3A_320 : i1
        %convert_element_type3A_322 = arith.extui %and3A_321 : i1 to i32
        %cond3A_323 = arith.constant 0 : i32
        %cond3A_324 = arith.cmpi ne, %convert_element_type3A_322, %cond3A_323 : i32
        scf.if %cond3A_324 {
          "tpu.trace_start"() <{level = 10 : i32, message = "ep_wait_out"}> : () -> ()
          %rem3A_352 = arith.constant 2 : i32
          %rem3A_353 = arith.remui %scan3A_155, %rem3A_352 : i32
          %mul3A_354 = arith.constant 128 : i32
          %mul3A_355 = arith.muli %mul3A_354, %add3A_170 : i32
          %dma_wait3A_356 = arith.constant 0 : i32
          %dma_wait3A_357 = arith.constant 0 : i32
          %dma_wait3A_358 = tpu.memref_slice %run_scoped3A_10[%rem3A_353, %dma_wait3A_356, %dma_wait3A_357] : memref<2x128x128xf32, #tpu.memory_space<vmem>> -> memref<1x128x128xf32, #tpu.memory_space<vmem>>
          %dma_wait3A_359 = tpu.memref_squeeze %dma_wait3A_358 : memref<1x128x128xf32, #tpu.memory_space<vmem>> -> memref<128x128xf32, #tpu.memory_space<vmem>>
          %dma_wait3A_360 = arith.constant 0 : i32
          %dma_wait3A_361 = tpu.memref_slice %arg5[%mul3A_355, %dma_wait3A_360] : memref<16384x128xf32, #tpu.memory_space<hbm>> -> memref<128x128xf32, #tpu.memory_space<hbm>>
          %dma_wait3A_362 = tpu.memref_slice %run_scoped3A_11[%rem3A_353] : memref<2x!tpu.dma_semaphore, #tpu.memory_space<semaphore_mem>> -> memref<1x!tpu.dma_semaphore, #tpu.memory_space<semaphore_mem>>
          %dma_wait3A_363 = tpu.memref_squeeze %dma_wait3A_362 : memref<1x!tpu.dma_semaphore, #tpu.memory_space<semaphore_mem>> -> memref<!tpu.dma_semaphore, #tpu.memory_space<semaphore_mem>>
          %dma_wait3A_364 = arith.constant 0 : i32
          %dma_wait3A_365 = tpu.memref_slice %arg5[%mul3A_355, %dma_wait3A_364] : memref<16384x128xf32, #tpu.memory_space<hbm>> -> memref<128x128xf32, #tpu.memory_space<hbm>>
          %dma_wait3A_366 = arith.constant 0 : i32
          %dma_wait3A_367 = arith.constant 0 : i32
          %dma_wait3A_368 = tpu.memref_slice %run_scoped3A_10[%rem3A_353, %dma_wait3A_366, %dma_wait3A_367] : memref<2x128x128xf32, #tpu.memory_space<vmem>> -> memref<1x128x128xf32, #tpu.memory_space<vmem>>
          %dma_wait3A_369 = tpu.memref_squeeze %dma_wait3A_368 : memref<1x128x128xf32, #tpu.memory_space<vmem>> -> memref<128x128xf32, #tpu.memory_space<vmem>>
          tpu.wait_dma2 semaphore(%dma_wait3A_363 : memref<!tpu.dma_semaphore, #tpu.memory_space<semaphore_mem>>) src(%dma_wait3A_369 : memref<128x128xf32, #tpu.memory_space<vmem>>) dst(%dma_wait3A_365 : memref<128x128xf32, #tpu.memory_space<hbm>>)
          "tpu.trace_stop"() : () -> ()
        } else {
        }
        %and3A_325 = arith.constant true
        %and3A_326 = arith.andi %and3A_321, %and3A_325 : i1
        %add3A_327 = arith.constant 1 : i32
        %add3A_328 = arith.addi %scan3A_155, %add3A_327 : i32
        %select_n3A_329 = arith.select %and3A_326, %add3A_328, %scan3A_155 : i32
        %ne3A_330 = arith.cmpi ne, %add3A_161, %add3A_179 : i32
        %or3A_331 = arith.constant false
        %or3A_332 = arith.ori %or3A_331, %ne3A_330 : i1
        %or3A_333 = arith.ori %or3A_332, %eq3A_160 : i1
        %add3A_334 = arith.constant 1 : i32
        %add3A_335 = arith.addi %scan3A_151, %add3A_334 : i32
        %select_n3A_336 = arith.select %or3A_333, %add3A_335, %scan3A_151 : i32
        %ne3A_337 = arith.cmpi ne, %add3A_161, %add3A_179 : i32
        %or3A_338 = arith.constant false
        %or3A_339 = arith.ori %or3A_338, %ne3A_337 : i1
        %or3A_340 = arith.ori %or3A_339, %eq3A_160 : i1
        %add3A_341 = arith.constant 1 : i32
        %add3A_342 = arith.addi %scan3A_153, %add3A_341 : i32
        %select_n3A_343 = arith.select %or3A_340, %add3A_342, %scan3A_153 : i32
        %add3A_344 = arith.constant 1 : i32
        %add3A_345 = arith.addi %scan3A_156, %add3A_344 : i32
        %select_n3A_346 = arith.constant true
        %select_n3A_347 = arith.select %select_n3A_346, %add3A_345, %scan3A_156 : i32
        %eq3A_348 = arith.constant 4 : i32
        %eq3A_349 = arith.cmpi eq, %select_n3A_347, %eq3A_348 : i32
        %select_n3A_350 = arith.constant 0 : i32
        %select_n3A_351 = arith.select %eq3A_349, %select_n3A_350, %select_n3A_347 : i32
        scf.yield %select_n3A_197, %select_n3A_336, %select_n3A_213, %select_n3A_343, %select_n3A_291, %select_n3A_329, %select_n3A_351 : i32, i32, i32, i32, i32, i32, i32
      }
      %scan3A_96 = arith.constant 4 : i32
      %sub3A = arith.constant 1 : i32
      %sub3A_97 = arith.subi %scan3A_95#6, %sub3A : i32
      %select_n3A_98 = arith.constant true
      %select_n3A_99 = arith.select %select_n3A_98, %sub3A_97, %scan3A_95#6 : i32
      %eq3A_100 = arith.constant -1 : i32
      %eq3A_101 = arith.cmpi eq, %select_n3A_99, %eq3A_100 : i32
      %select_n3A_102 = arith.constant 3 : i32
      %select_n3A_103 = arith.select %eq3A_101, %select_n3A_102, %select_n3A_99 : i32
      %add3A_104 = arith.addi %select_n3A_103, %mul3A_6 : i32
      %sub3A_105 = arith.constant 1 : i32
      %sub3A_106 = arith.subi %select_n3A_103, %sub3A_105 : i32
      %select_n3A_107 = arith.constant true
      %select_n3A_108 = arith.select %select_n3A_107, %sub3A_106, %select_n3A_103 : i32
      %eq3A_109 = arith.constant -1 : i32
      %eq3A_110 = arith.cmpi eq, %select_n3A_108, %eq3A_109 : i32
      %select_n3A_111 = arith.constant 3 : i32
      %select_n3A_112 = arith.select %eq3A_110, %select_n3A_111, %select_n3A_108 : i32
      %add3A_113 = arith.addi %select_n3A_112, %mul3A_6 : i32
      %add3A_114 = arith.constant 1 : i32
      %add3A_115 = arith.addi %select_n3A_103, %add3A_114 : i32
      %select_n3A_116 = arith.constant true
      %select_n3A_117 = arith.select %select_n3A_116, %add3A_115, %select_n3A_103 : i32
      %eq3A_118 = arith.constant 4 : i32
      %eq3A_119 = arith.cmpi eq, %select_n3A_117, %eq3A_118 : i32
      %select_n3A_120 = arith.constant 0 : i32
      %select_n3A_121 = arith.select %eq3A_119, %select_n3A_120, %select_n3A_117 : i32
      %add3A_122 = arith.addi %select_n3A_121, %mul3A_6 : i32
      %add3A_123 = arith.constant 1 : i32
      %add3A_124 = arith.addi %select_n3A_121, %add3A_123 : i32
      %select_n3A_125 = arith.constant true
      %select_n3A_126 = arith.select %select_n3A_125, %add3A_124, %select_n3A_121 : i32
      %eq3A_127 = arith.constant 4 : i32
      %eq3A_128 = arith.cmpi eq, %select_n3A_126, %eq3A_127 : i32
      %select_n3A_129 = arith.constant 0 : i32
      %select_n3A_130 = arith.select %eq3A_128, %select_n3A_129, %select_n3A_126 : i32
      %add3A_131 = arith.addi %select_n3A_130, %mul3A_6 : i32
      "tpu.trace_start"() <{level = 10 : i32, message = "ep_finalize"}> : () -> ()
      %rem3A_132 = arith.constant 2 : i32
      %rem3A_133 = arith.remui %scan3A_95#5, %rem3A_132 : i32
      %mul3A_134 = arith.constant 128 : i32
      %mul3A_135 = arith.muli %mul3A_134, %add3A_104 : i32
      %dma_wait3A = arith.constant 0 : i32
      %dma_wait3A_136 = arith.constant 0 : i32
      %dma_wait3A_137 = tpu.memref_slice %run_scoped3A_10[%rem3A_133, %dma_wait3A, %dma_wait3A_136] : memref<2x128x128xf32, #tpu.memory_space<vmem>> -> memref<1x128x128xf32, #tpu.memory_space<vmem>>
      %dma_wait3A_138 = tpu.memref_squeeze %dma_wait3A_137 : memref<1x128x128xf32, #tpu.memory_space<vmem>> -> memref<128x128xf32, #tpu.memory_space<vmem>>
      %dma_wait3A_139 = arith.constant 0 : i32
      %dma_wait3A_140 = tpu.memref_slice %arg5[%mul3A_135, %dma_wait3A_139] : memref<16384x128xf32, #tpu.memory_space<hbm>> -> memref<128x128xf32, #tpu.memory_space<hbm>>
      %dma_wait3A_141 = tpu.memref_slice %run_scoped3A_11[%rem3A_133] : memref<2x!tpu.dma_semaphore, #tpu.memory_space<semaphore_mem>> -> memref<1x!tpu.dma_semaphore, #tpu.memory_space<semaphore_mem>>
      %dma_wait3A_142 = tpu.memref_squeeze %dma_wait3A_141 : memref<1x!tpu.dma_semaphore, #tpu.memory_space<semaphore_mem>> -> memref<!tpu.dma_semaphore, #tpu.memory_space<semaphore_mem>>
      %dma_wait3A_143 = arith.constant 0 : i32
      %dma_wait3A_144 = tpu.memref_slice %arg5[%mul3A_135, %dma_wait3A_143] : memref<16384x128xf32, #tpu.memory_space<hbm>> -> memref<128x128xf32, #tpu.memory_space<hbm>>
      %dma_wait3A_145 = arith.constant 0 : i32
      %dma_wait3A_146 = arith.constant 0 : i32
      %dma_wait3A_147 = tpu.memref_slice %run_scoped3A_10[%rem3A_133, %dma_wait3A_145, %dma_wait3A_146] : memref<2x128x128xf32, #tpu.memory_space<vmem>> -> memref<1x128x128xf32, #tpu.memory_space<vmem>>
      %dma_wait3A_148 = tpu.memref_squeeze %dma_wait3A_147 : memref<1x128x128xf32, #tpu.memory_space<vmem>> -> memref<128x128xf32, #tpu.memory_space<vmem>>
      tpu.wait_dma2 semaphore(%dma_wait3A_142 : memref<!tpu.dma_semaphore, #tpu.memory_space<semaphore_mem>>) src(%dma_wait3A_148 : memref<128x128xf32, #tpu.memory_space<vmem>>) dst(%dma_wait3A_144 : memref<128x128xf32, #tpu.memory_space<hbm>>)
      "tpu.trace_stop"() : () -> ()
      tpu.yield
    }) : () -> ()
    return
  }
}

module attributes {stable_mosaic.version = 14 : i64} {
  func.func @_gate_body(%arg0: i32, %arg1: memref<2048x1024xf32, #tpu.memory_space<vmem>>, %arg2: memref<1024x8xf32, #tpu.memory_space<vmem>>, %arg3: memref<1x8xf32, #tpu.memory_space<vmem>>, %arg4: memref<2048x2xi32, #tpu.memory_space<vmem>>, %arg5: memref<2048x2xf32, #tpu.memory_space<vmem>>) attributes {dimension_semantics = [#tpu.dimension_semantics<arbitrary>], iteration_bounds = array<i64: 1>, scalar_prefetch = 0 : i64, scratch_operands = 0 : i64, tpu.core_type = #tpu.core_type<tc>, window_params = [{pipeline_mode = #tpu.pipeline_mode<synchronous>, transform_indices = @transform_0, window_bounds = array<i64: 2048, 1024>}, {pipeline_mode = #tpu.pipeline_mode<synchronous>, transform_indices = @transform_1, window_bounds = array<i64: 1024, 8>}, {pipeline_mode = #tpu.pipeline_mode<synchronous>, transform_indices = @transform_2, window_bounds = array<i64: 1, 8>}, {pipeline_mode = #tpu.pipeline_mode<synchronous>, transform_indices = @transform_3, window_bounds = array<i64: 2048, 2>}, {pipeline_mode = #tpu.pipeline_mode<synchronous>, transform_indices = @transform_4, window_bounds = array<i64: 2048, 2>}]} {
    %get3A = arith.constant 0 : index
    %get3A_0 = arith.constant 0 : index
    %get3A_1 = vector.load %arg1[%get3A, %get3A_0] : memref<2048x1024xf32, #tpu.memory_space<vmem>>, vector<2048x1024xf32>
    %get3A_2 = arith.constant 0 : index
    %get3A_3 = arith.constant 0 : index
    %get3A_4 = vector.load %arg2[%get3A_2, %get3A_3] : memref<1024x8xf32, #tpu.memory_space<vmem>>, vector<1024x8xf32>
    %dot_general3A = arith.constant dense<0.000000e+00> : vector<2048x8xf32>
    %dot_general3A_5 = tpu.matmul %get3A_1, %get3A_4, %dot_general3A {dimension_numbers = #tpu.dot_dimension_numbers<[1], [0], [0], [1], [0, 0, 1, 1], [], []>, transpose_lhs_hint = false} : vector<2048x1024xf32>, vector<1024x8xf32>, vector<2048x8xf32> -> vector<2048x8xf32>
    %get3A_6 = arith.constant 0 : index
    %get3A_7 = arith.constant 0 : index
    %get3A_8 = vector.load %arg3[%get3A_6, %get3A_7] : memref<1x8xf32, #tpu.memory_space<vmem>>, vector<1x8xf32>
    %add3A = vector.broadcast %get3A_8 : vector<1x8xf32> to vector<2048x8xf32>
    %add3A_9 = arith.addf %dot_general3A_5, %add3A : vector<2048x8xf32>
    %iota3A = tpu.iota {dimensions = array<i32: 1>} : vector<2048x8xi32>
    %reduce_max3A = arith.constant dense<0xFF800000> : vector<2048xf32>
    %reduce_max3A_10 = vector.multi_reduction <maximumf>, %add3A_9, %reduce_max3A [1] : vector<2048x8xf32> to vector<2048xf32>
    %broadcast_in_dim3A = vector.shape_cast %reduce_max3A_10 : vector<2048xf32> to vector<2048x1xf32>
    %eq3A = vector.broadcast %broadcast_in_dim3A : vector<2048x1xf32> to vector<2048x8xf32>
    %eq3A_11 = arith.cmpf oeq, %add3A_9, %eq3A : vector<2048x8xf32>
    %jit3A = arith.constant 8 : i32
    %broadcast_in_dim3A_12 = vector.broadcast %jit3A : i32 to vector<2048x8xi32>
    %select_n3A = arith.select %eq3A_11, %iota3A, %broadcast_in_dim3A_12 : vector<2048x8xi1>, vector<2048x8xi32>
    %reduce_min3A = arith.constant dense<2147483647> : vector<2048xi32>
    %reduce_min3A_13 = vector.multi_reduction <minsi>, %select_n3A, %reduce_min3A [1] : vector<2048x8xi32> to vector<2048xi32>
    %broadcast_in_dim3A_14 = vector.shape_cast %reduce_min3A_13 : vector<2048xi32> to vector<2048x1xi32>
    %eq3A_15 = vector.broadcast %broadcast_in_dim3A_14 : vector<2048x1xi32> to vector<2048x8xi32>
    %eq3A_16 = arith.cmpi eq, %iota3A, %eq3A_15 : vector<2048x8xi32>
    %jit3A_17 = arith.constant 0xFF800000 : f32
    %broadcast_in_dim3A_18 = vector.broadcast %jit3A_17 : f32 to vector<2048x8xf32>
    %select_n3A_19 = arith.select %eq3A_16, %broadcast_in_dim3A_18, %add3A_9 : vector<2048x8xi1>, vector<2048x8xf32>
    %reduce_max3A_20 = arith.constant dense<0xFF800000> : vector<2048xf32>
    %reduce_max3A_21 = vector.multi_reduction <maximumf>, %select_n3A_19, %reduce_max3A_20 [1] : vector<2048x8xf32> to vector<2048xf32>
    %broadcast_in_dim3A_22 = vector.shape_cast %reduce_max3A_21 : vector<2048xf32> to vector<2048x1xf32>
    %eq3A_23 = vector.broadcast %broadcast_in_dim3A_22 : vector<2048x1xf32> to vector<2048x8xf32>
    %eq3A_24 = arith.cmpf oeq, %select_n3A_19, %eq3A_23 : vector<2048x8xf32>
    %jit3A_25 = arith.constant 8 : i32
    %broadcast_in_dim3A_26 = vector.broadcast %jit3A_25 : i32 to vector<2048x8xi32>
    %select_n3A_27 = arith.select %eq3A_24, %iota3A, %broadcast_in_dim3A_26 : vector<2048x8xi1>, vector<2048x8xi32>
    %reduce_min3A_28 = arith.constant dense<2147483647> : vector<2048xi32>
    %reduce_min3A_29 = vector.multi_reduction <minsi>, %select_n3A_27, %reduce_min3A_28 [1] : vector<2048x8xi32> to vector<2048xi32>
    %broadcast_in_dim3A_30 = vector.shape_cast %reduce_min3A_29 : vector<2048xi32> to vector<2048x1xi32>
    %sub3A = arith.subf %broadcast_in_dim3A_22, %broadcast_in_dim3A : vector<2048x1xf32>
    %exp3A = math.exp %sub3A : vector<2048x1xf32>
    %add3A_31 = arith.constant 1.000000e+00 : f32
    %add3A_32 = vector.broadcast %add3A_31 : f32 to vector<2048x1xf32>
    %add3A_33 = arith.addf %add3A_32, %exp3A : vector<2048x1xf32>
    %div3A = arith.constant 1.000000e+00 : f32
    %div3A_34 = vector.broadcast %div3A : f32 to vector<2048x1xf32>
    %div3A_35 = arith.divf %div3A_34, %add3A_33 : vector<2048x1xf32>
    %add3A_36 = arith.constant 1.000000e+00 : f32
    %add3A_37 = vector.broadcast %add3A_36 : f32 to vector<2048x1xf32>
    %add3A_38 = arith.addf %add3A_37, %exp3A : vector<2048x1xf32>
    %div3A_39 = arith.divf %exp3A, %add3A_38 : vector<2048x1xf32>
    %concatenate3A = tpu.concatenate %broadcast_in_dim3A_14, %broadcast_in_dim3A_30 in 1 : vector<2048x1xi32>, vector<2048x1xi32> -> vector<2048x2xi32>
    %swap3A = arith.constant 0 : index
    %swap3A_40 = arith.constant 0 : index
    %swap3A_41 = vector.load %arg4[%swap3A, %swap3A_40] : memref<2048x2xi32, #tpu.memory_space<vmem>>, vector<2048x2xi32>
    tpu.vector_store %arg4[%swap3A, %swap3A_40], %concatenate3A {strides = array<i32>} : memref<2048x2xi32, #tpu.memory_space<vmem>>, vector<2048x2xi32>,
    %concatenate3A_42 = tpu.concatenate %div3A_35, %div3A_39 in 1 : vector<2048x1xf32>, vector<2048x1xf32> -> vector<2048x2xf32>
    %swap3A_43 = arith.constant 0 : index
    %swap3A_44 = arith.constant 0 : index
    %swap3A_45 = vector.load %arg5[%swap3A_43, %swap3A_44] : memref<2048x2xf32, #tpu.memory_space<vmem>>, vector<2048x2xf32>
    tpu.vector_store %arg5[%swap3A_43, %swap3A_44], %concatenate3A_42 {strides = array<i32>} : memref<2048x2xf32, #tpu.memory_space<vmem>>, vector<2048x2xf32>,
    return
  }
  func.func @transform_0(%arg0: i32) -> (i32, i32) {
    %c0_i32 = arith.constant 0 : i32
    %c0_i32_0 = arith.constant 0 : i32
    %c0_i32_1 = arith.constant 0 : i32
    return %c0_i32, %c0_i32_0 : i32, i32
  }
  func.func @transform_1(%arg0: i32) -> (i32, i32) {
    %c0_i32 = arith.constant 0 : i32
    %c0_i32_0 = arith.constant 0 : i32
    %c0_i32_1 = arith.constant 0 : i32
    return %c0_i32, %c0_i32_0 : i32, i32
  }
  func.func @transform_2(%arg0: i32) -> (i32, i32) {
    %c0_i32 = arith.constant 0 : i32
    %c0_i32_0 = arith.constant 0 : i32
    %c0_i32_1 = arith.constant 0 : i32
    return %c0_i32, %c0_i32_0 : i32, i32
  }
  func.func @transform_3(%arg0: i32) -> (i32, i32) {
    %c0_i32 = arith.constant 0 : i32
    %c0_i32_0 = arith.constant 0 : i32
    %c0_i32_1 = arith.constant 0 : i32
    return %c0_i32, %c0_i32_0 : i32, i32
  }
  func.func @transform_4(%arg0: i32) -> (i32, i32) {
    %c0_i32 = arith.constant 0 : i32
    %c0_i32_0 = arith.constant 0 : i32
    %c0_i32_1 = arith.constant 0 : i32
    return %c0_i32, %c0_i32_0 : i32, i32
  }
}

module attributes {stable_mosaic.version = 14 : i64} {
  func.func @_gmm_body(%arg0: i32, %arg1: memref<40xi32, #tpu.memory_space<smem>>, %arg2: memref<128x1024xf32, #tpu.memory_space<vmem>>, %arg3: memref<128x128xf32, #tpu.memory_space<vmem>>, %arg4: memref<1x1024x1024xbf16, #tpu.memory_space<vmem>>, %arg5: memref<1x1x1024xf32, #tpu.memory_space<vmem>>, %arg6: memref<1x1024x1024xbf16, #tpu.memory_space<vmem>>, %arg7: memref<1x1x1024xf32, #tpu.memory_space<vmem>>, %arg8: memref<128x1024xf32, #tpu.memory_space<vmem>>) attributes {dimension_semantics = [#tpu.dimension_semantics<arbitrary>], iteration_bounds = array<i64: 40>, scalar_prefetch = 1 : i64, scratch_operands = 0 : i64, tpu.core_type = #tpu.core_type<tc>, window_params = [{transform_indices = @transform_0, window_bounds = array<i64: 128, 1024>}, {transform_indices = @transform_1, window_bounds = array<i64: 128, 128>}, {transform_indices = @transform_2, window_bounds = array<i64: 1, 1024, 1024>}, {transform_indices = @transform_3, window_bounds = array<i64: 1, 1, 1024>}, {transform_indices = @transform_4, window_bounds = array<i64: 1, 1024, 1024>}, {transform_indices = @transform_5, window_bounds = array<i64: 1, 1, 1024>}, {transform_indices = @transform_6, window_bounds = array<i64: 128, 1024>}]} {
    %get3A = arith.constant 0 : index
    %get3A_0 = arith.constant 0 : index
    %get3A_1 = vector.load %arg2[%get3A, %get3A_0] : memref<128x1024xf32, #tpu.memory_space<vmem>>, vector<128x1024xf32>
    %convert_element_type3A = arith.truncf %get3A_1 : vector<128x1024xf32> to vector<128x1024xbf16>
    %get3A_2 = arith.constant 0 : index
    %get3A_3 = arith.constant 0 : index
    %get3A_4 = arith.constant 0 : index
    %get3A_5 = vector.load %arg4[%get3A_2, %get3A_3, %get3A_4] : memref<1x1024x1024xbf16, #tpu.memory_space<vmem>>, vector<1x1024x1024xbf16>
    %get3A_6 = vector.shape_cast %get3A_5 : vector<1x1024x1024xbf16> to vector<1024x1024xbf16>
    %dot_general3A = arith.constant dense<0.000000e+00> : vector<128x1024xf32>
    %dot_general3A_7 = tpu.matmul %convert_element_type3A, %get3A_6, %dot_general3A {dimension_numbers = #tpu.dot_dimension_numbers<[1], [0], [0], [1], [0, 0, 1, 1], [], []>, transpose_lhs_hint = false} : vector<128x1024xbf16>, vector<1024x1024xbf16>, vector<128x1024xf32> -> vector<128x1024xf32>
    %get3A_8 = arith.constant 0 : index
    %get3A_9 = arith.constant 0 : index
    %get3A_10 = arith.constant 0 : index
    %get3A_11 = vector.load %arg5[%get3A_8, %get3A_9, %get3A_10] : memref<1x1x1024xf32, #tpu.memory_space<vmem>>, vector<1x1x1024xf32>
    %get3A_12 = vector.shape_cast %get3A_11 : vector<1x1x1024xf32> to vector<1x1024xf32>
    %add3A = vector.broadcast %get3A_12 : vector<1x1024xf32> to vector<128x1024xf32>
    %add3A_13 = arith.addf %dot_general3A_7, %add3A : vector<128x1024xf32>
    %max3A = arith.constant 0.000000e+00 : f32
    %max3A_14 = vector.broadcast %max3A : f32 to vector<128x1024xf32>
    %max3A_15 = arith.maximumf %add3A_13, %max3A_14 : vector<128x1024xf32>
    %convert_element_type3A_16 = arith.truncf %max3A_15 : vector<128x1024xf32> to vector<128x1024xbf16>
    %get3A_17 = arith.constant 0 : index
    %get3A_18 = arith.constant 0 : index
    %get3A_19 = arith.constant 0 : index
    %get3A_20 = vector.load %arg6[%get3A_17, %get3A_18, %get3A_19] : memref<1x1024x1024xbf16, #tpu.memory_space<vmem>>, vector<1x1024x1024xbf16>
    %get3A_21 = vector.shape_cast %get3A_20 : vector<1x1024x1024xbf16> to vector<1024x1024xbf16>
    %dot_general3A_22 = arith.constant dense<0.000000e+00> : vector<128x1024xf32>
    %dot_general3A_23 = tpu.matmul %convert_element_type3A_16, %get3A_21, %dot_general3A_22 {dimension_numbers = #tpu.dot_dimension_numbers<[1], [0], [0], [1], [0, 0, 1, 1], [], []>, transpose_lhs_hint = false} : vector<128x1024xbf16>, vector<1024x1024xbf16>, vector<128x1024xf32> -> vector<128x1024xf32>
    %get3A_24 = arith.constant 0 : index
    %get3A_25 = arith.constant 0 : index
    %get3A_26 = arith.constant 0 : index
    %get3A_27 = vector.load %arg7[%get3A_24, %get3A_25, %get3A_26] : memref<1x1x1024xf32, #tpu.memory_space<vmem>>, vector<1x1x1024xf32>
    %get3A_28 = vector.shape_cast %get3A_27 : vector<1x1x1024xf32> to vector<1x1024xf32>
    %add3A_29 = vector.broadcast %get3A_28 : vector<1x1024xf32> to vector<128x1024xf32>
    %add3A_30 = arith.addf %dot_general3A_23, %add3A_29 : vector<128x1024xf32>
    %get3A_31 = arith.constant 0 : index
    %get3A_32 = arith.constant 0 : index
    %get3A_33 = vector.load %arg3[%get3A_31, %get3A_32] : memref<128x128xf32, #tpu.memory_space<vmem>>, vector<128x1xf32>
    %mul3A = vector.broadcast %get3A_33 : vector<128x1xf32> to vector<128x1024xf32>
    %mul3A_34 = arith.mulf %add3A_30, %mul3A : vector<128x1024xf32>
    %swap3A = arith.constant 0 : index
    %swap3A_35 = arith.constant 0 : index
    %swap3A_36 = vector.load %arg8[%swap3A, %swap3A_35] : memref<128x1024xf32, #tpu.memory_space<vmem>>, vector<128x1024xf32>
    tpu.vector_store %arg8[%swap3A, %swap3A_35], %mul3A_34 {strides = array<i32>} : memref<128x1024xf32, #tpu.memory_space<vmem>>, vector<128x1024xf32>,
    return
  }
  func.func @transform_0(%arg0: i32, %arg1: memref<40xi32, #tpu.memory_space<smem>>) -> (i32, i32) {
    %c0_i32 = arith.constant 0 : i32
    %c0_i32_0 = arith.constant 0 : i32
    return %arg0, %c0_i32 : i32, i32
  }
  func.func @transform_1(%arg0: i32, %arg1: memref<40xi32, #tpu.memory_space<smem>>) -> (i32, i32) {
    %c0_i32 = arith.constant 0 : i32
    %c0_i32_0 = arith.constant 0 : i32
    return %arg0, %c0_i32 : i32, i32
  }
  func.func @transform_2(%arg0: i32, %arg1: memref<40xi32, #tpu.memory_space<smem>>) -> (i32, i32, i32) {
    %get3A = arith.index_cast %arg0 : i32 to index
    %get3A_0 = memref.load %arg1[%get3A] : memref<40xi32, #tpu.memory_space<smem>>
    %c0_i32 = arith.constant 0 : i32
    %c0_i32_1 = arith.constant 0 : i32
    %c0_i32_2 = arith.constant 0 : i32
    return %get3A_0, %c0_i32, %c0_i32_1 : i32, i32, i32
  }
  func.func @transform_3(%arg0: i32, %arg1: memref<40xi32, #tpu.memory_space<smem>>) -> (i32, i32, i32) {
    %get3A = arith.index_cast %arg0 : i32 to index
    %get3A_0 = memref.load %arg1[%get3A] : memref<40xi32, #tpu.memory_space<smem>>
    %c0_i32 = arith.constant 0 : i32
    %c0_i32_1 = arith.constant 0 : i32
    %c0_i32_2 = arith.constant 0 : i32
    return %get3A_0, %c0_i32, %c0_i32_1 : i32, i32, i32
  }
  func.func @transform_4(%arg0: i32, %arg1: memref<40xi32, #tpu.memory_space<smem>>) -> (i32, i32, i32) {
    %get3A = arith.index_cast %arg0 : i32 to index
    %get3A_0 = memref.load %arg1[%get3A] : memref<40xi32, #tpu.memory_space<smem>>
    %c0_i32 = arith.constant 0 : i32
    %c0_i32_1 = arith.constant 0 : i32
    %c0_i32_2 = arith.constant 0 : i32
    return %get3A_0, %c0_i32, %c0_i32_1 : i32, i32, i32
  }
  func.func @transform_5(%arg0: i32, %arg1: memref<40xi32, #tpu.memory_space<smem>>) -> (i32, i32, i32) {
    %get3A = arith.index_cast %arg0 : i32 to index
    %get3A_0 = memref.load %arg1[%get3A] : memref<40xi32, #tpu.memory_space<smem>>
    %c0_i32 = arith.constant 0 : i32
    %c0_i32_1 = arith.constant 0 : i32
    %c0_i32_2 = arith.constant 0 : i32
    return %get3A_0, %c0_i32, %c0_i32_1 : i32, i32, i32
  }
  func.func @transform_6(%arg0: i32, %arg1: memref<40xi32, #tpu.memory_space<smem>>) -> (i32, i32) {
    %c0_i32 = arith.constant 0 : i32
    %c0_i32_0 = arith.constant 0 : i32
    return %arg0, %c0_i32 : i32, i32
  }
}

</mosaic_0001>

<sc_bundles>
// kernel: kernel.6.cloned.1.call-start
scs
__scs_entry_jumppad:
0x0: {  	(pc) =	sbr.rel $0x88, $3  }
0x1: {  	(tag) =	ssettag $0x0;
	lr =	simm.s32 $0x1  }
0x2: {  	[smem:$0x3F9A] =	sst lr;
	_ =	strace $0xD0000000  }
0x3: {  	_ = 	snop  }
0x4: {  	_ = 	snop  }
0x5: {  	_ = 	snop  }
0x6: {  	_ = 	snop  }
0x7: {  	_ = 	snop  }
__scs_overlays_trampoline_lowered:
0x8: {  	[smem:$0x3FA9] =	sst s0  }
0x9: {  	[smem:$0x3FAA] =	sst s1  }
0xa: {  	[smem:$0x3FAB] =	sst s2  }
0xb: {  	[smem:$0x3FAC] =	sst s3  }
0xc: {  	[smem:$0x3FAD] =	sst s4  }
0xd: {  	[smem:$0x3FAE] =	sst s5  }
0xe: {  	[smem:$0x3FAF] =	sst s6  }
0xf: {  	[smem:$0x3FB0] =	sst s7  }
0x10: {  	[smem:$0x3FB1] =	sst s8  }
0x11: {  	[smem:$0x3FB2] =	sst s9;
	s0 =	simm.s32 @!p0 $0x0  }
0x12: {  	s1 =	sld [smem:$0x3F98];
	s0 =	simm.s32 @p0 $0x1  }
0x13: {  	[smem:$0x3FB3] =	sst s0;
	s0 =	simm.s32 @!p1 $0x0  }
0x14: {  	s2 =	sld [smem:$0x3F97];
	s0 =	simm.s32 @p1 $0x1  }
0x15: {  	[smem:$0x3FB4] =	sst s0;
	s0 =	simm.s32 @!p2 $0x0  }
0x16: {  	s3 =	sld [smem:$0x3FDB];
	s0 =	simm.s32 @p2 $0x1  }
0x17: {  	s4 =	simm.s32 $0x1BF5;
	[smem:$0x3FB6] =	sst s0  }
0x18: {  	s0 =	sld [smem:$0x3F99];
	_ =	swait.ge [sflag:s4], $0x0  }
0x19: {  	s7 =	sld [smem:$0x3F9A]  }
0x1a: {  	s8 =	sadd.s32 $0xFFFFE003, lr  }
0x1b: {  	s9 =	sadd.s32 $0xFFFFFEF7, lr;
	s5 =	simm.s32 $0xFFFFFFFF;
	p2 =	slt.u32 s8, $0xFFFFF086  }
0x1c: {  	p1 =	slt.u32 s9, $0xF7A;
	s5 =	simm.s32 @!p2 $0x0  }
0x1d: {  	s5 =	simm.s32 @p1 $0x1;
	p0 =	seq.s32 s7, s2  }
0x1e: {  	s7 =	smul.u32 @!p0 $0xF7A, s2;
	p2 =	seq.s32 @!p0 s5, $0x0  }
0x1f: {  	s9 =	smul.u32 $0xF7A, s1;
	s8 =	simm.s32 @!p0 $0x1BF5;
	p2 =	por !p2, p0  }
0x20: {  	[sflag:s8] =	ssyncset.s32 @!p0 $0xFFFFF086;
	s6 =	sadd.s32 @!p0 s3, s7;
	s7 =	simm.s32 @!p0 $0x108  }
0x21: {  	s3 =	sadd.s32 s3, s9;
	s6 =	sadd.s32 @!p0 $0x88, s6;
	s7 =	simm.s32 @p2 $0x1082  }
0x22: {  	[simem:s7], [sflag:s8] =	dma.local @!p0 [hbm:s6], $0xF7A  }
0x23: {  	s9 =	sor.u32 $0xD0000000, s2;
	s6 =	simm.s32 $0x108;
	_ =	swait.ge @!p0 [sflag:s8], $0x0  }
0x24: {  	s3 =	sadd.s32 $0x88, s3;
	s6 =	simm.s32 @!p1 $0x1082;
	[sflag:s4] =	ssyncset.s32 $0xFFFFF086  }
0x25: {  	[simem:s6], [sflag:s4] =	dma.local [hbm:s3], $0xF7A  }
0x26: {  	[smem:$0x3F9A] =	sst s1;
	(tag) =	ssettag s2;
	_ =	strace s9  }
0x27: {  	s1 =	sld [smem:$0x3FAA]  }
0x28: {  	s2 =	sld [smem:$0x3FAB]  }
0x29: {  	s4 =	sld [smem:$0x3FAD]  }
0x2a: {  	p0 =	seq.s32 s5, $0x0;
	s5 =	sld [smem:$0x3FAE]  }
0x2b: {  	s6 =	sld [smem:$0x3FAF]  }
0x2c: {  	s7 =	sld [smem:$0x3FB0]  }
0x2d: {  	s3 =	simm.s32 $0x108;
	s8 =	sld [smem:$0x3FB1]  }
0x2e: {  	s3 =	simm.s32 @!p0 $0x1082;
	s9 =	sld [smem:$0x3FB2]  }
0x2f: {  	lr =	sadd.s32 s0, s3;
	s0 =	sld [smem:$0x3FA9]  }
0x30: {  	s3 =	sld [smem:$0x3FAC]  }
0x31: {  	[smem:$0x3FB5] =	sst s10  }
0x32: {  	s10 =	sld [smem:$0x3FB3];
	_ =	sdelay $0x3  }
0x33: {  	p0 =	seq.s32 s10, $0x1;
	s10 =	sld [smem:$0x3FB5];
	_ =	sdelay $0x3  }
0x34: {  	[smem:$0x3FB5] =	sst s10  }
0x35: {  	s10 =	sld [smem:$0x3FB4];
	_ =	sdelay $0x3  }
0x36: {  	p1 =	seq.s32 s10, $0x1;
	s10 =	sld [smem:$0x3FB5];
	_ =	sdelay $0x3  }
0x37: {  	[smem:$0x3FB5] =	sst s10  }
0x38: {  	s10 =	sld [smem:$0x3FB6]  }
0x39: {  	_ = 	snop;
	(pc) =	sbr.ind lr, $3  }
0x3a: {  	_ = 	snop  }
0x3b: {  	_ = 	snop  }
0x3c: {  	p2 =	seq.s32 s10, $0x1;
	s10 =	sld [smem:$0x3FB5]  }
0x3d: {  	_ =	shalt  }
0x3e: {  	_ =	shalt  }
0x3f: {  	_ =	shalt  }
0x40: {  	_ =	shalt  }
0x41: {  	_ =	shalt  }
0x42: {  	_ =	shalt  }
0x43: {  	_ =	shalt  }
0x44: {  	_ =	shalt  }
0x45: {  	_ =	shalt  }
0x46: {  	_ =	shalt  }
0x47: {  	_ =	shalt  }
0x48: {  	_ =	shalt  }
0x49: {  	_ =	shalt  }
0x4a: {  	_ =	shalt  }
0x4b: {  	_ =	shalt  }
0x4c: {  	_ =	shalt  }
0x4d: {  	_ =	shalt  }
0x4e: {  	_ =	shalt  }
0x4f: {  	_ =	shalt  }
0x50: {  	_ =	shalt  }
0x51: {  	_ =	shalt  }
0x52: {  	_ =	shalt  }
0x53: {  	_ =	shalt  }
0x54: {  	_ =	shalt  }
0x55: {  	_ =	shalt  }
0x56: {  	_ =	shalt  }
0x57: {  	_ =	shalt  }
0x58: {  	_ =	shalt  }
0x59: {  	_ =	shalt  }
0x5a: {  	_ =	shalt  }
0x5b: {  	_ =	shalt  }
0x5c: {  	_ =	shalt  }
0x5d: {  	_ =	shalt  }
0x5e: {  	_ =	shalt  }
0x5f: {  	_ =	shalt  }
0x60: {  	_ =	shalt  }
0x61: {  	_ =	shalt  }
0x62: {  	_ =	shalt  }
0x63: {  	_ =	shalt  }
0x64: {  	_ =	shalt  }
0x65: {  	_ =	shalt  }
0x66: {  	_ =	shalt  }
0x67: {  	_ =	shalt  }
0x68: {  	_ =	shalt  }
0x69: {  	_ =	shalt  }
0x6a: {  	_ =	shalt  }
0x6b: {  	_ =	shalt  }
0x6c: {  	_ =	shalt  }
0x6d: {  	_ =	shalt  }
0x6e: {  	_ =	shalt  }
0x6f: {  	_ =	shalt  }
0x70: {  	_ =	shalt  }
0x71: {  	_ =	shalt  }
0x72: {  	_ =	shalt  }
0x73: {  	_ =	shalt  }
0x74: {  	_ =	shalt  }
0x75: {  	_ =	shalt  }
0x76: {  	_ =	shalt  }
0x77: {  	_ =	shalt  }
0x78: {  	_ =	shalt  }
0x79: {  	_ =	shalt  }
0x7a: {  	_ =	shalt  }
0x7b: {  	_ =	shalt  }
0x7c: {  	_ =	shalt  }
0x7d: {  	_ =	shalt  }
0x7e: {  	_ =	shalt  }
0x7f: {  	_ =	shalt  }
0x80: {  	_ =	shalt  }
0x81: {  	_ =	shalt  }
0x82: {  	_ =	shalt  }
0x83: {  	_ =	shalt  }
0x84: {  	_ =	shalt  }
0x85: {  	_ =	shalt  }
0x86: {  	_ =	shalt  }
0x87: {  	_ =	shalt  }
.Lfunc_end0:
.L_simem_size_0:
called_computation_lowered:
.L_overlay_start_0:
0x88: {  	s2 =	sld [smem:$0x3FD9]  }
0x89: {  	s3 =	sld [smem:$0x3FFE];
	_ =	sdelay $0x1  }
0x8a: {  	s1 =	srdreg.scid  }
0x8b: {  	s0 =	sand.u32 $0x1, s1  }
0x8c: {  	s17 =	sshll.u32 s0, $0xA;
	s2 =	sadd.s32 s3, s2  }
0x8d: {  	s2 =	sadd.s32 s2, s17  }
0x8e: {  	[smem:$0x3FC1] =	sst s2  }
0x8f: {  	_ = 	snop  }
0x90: {  	s2 =	sld [smem:$0x3FD0];
	(tm) =	ssettm $0x1  }
0x91: {  	s18 =	sld [smem:$0x3FFB];
	_ =	sdelay $0x3  }
0x92: {  	_ =	strace s18  }
0x93: {  	s3 =	sld [smem:$0x3FFC];
	_ =	sdelay $0x3  }
0x94: {  	_ =	strace s3  }
0x95: {  	s3 =	sld [smem:$0x3FFD];
	_ =	sdelay $0x3  }
0x96: {  	_ =	strace s3  }
0x97: {  	_ =	strace $0x8FFFFFFF  }
0x98: {  	s19 =	sld [smem:$0x3FDB];
	_ =	sdelay $0x1  }
0x99: {  	s4 =	simm.s32 $_scs_section_size  }
0x9a: {  	s5 =	simm.s32 $_size__tile_overlayer_lowered;
	s6 =	simm.s32 $_tile_overlayer_lowered  }
0x9b: {  	s22 =	simm.s32 $0x1BFF;
	s21 =	sshll.u32 s6, $0x1;
	s3 =	sadd.s32 s4, s19  }
0x9c: {  	s7 =	simm.s32 $0x0;
	s20 =	sshll.u32 s5, $0x1;
	s5 =	sadd.s32 s21, s3  }
0x9d: {  	[timem:s7], [sflag:s22] =	dma.local [hbm:s5], s20  }
0x9e: {  	_ =	swait.ge [sflag:s22], s20  }
0x9f: {  	s4 =	ssub.s32 $0x0, s20;
	[sflag:s22] =	ssyncset.done $0x0  }
0xa0: {  	[sflag:s22] =	ssyncadd.s32 s4;
	_ =	sdelay $0x1  }
0xa1: {  	s23 =	simm.s32 $0x1B8B  }
0xa2: {  	_ =	swait.ge [sflag:s23], $0x1  }
0xa3: {  	[sflag:s23] =	ssyncset.done $0x0  }
0xa4: {  	s25 =	simm.s32 $0x1B8E;
	s24 =	sld [smem:$0x3FFE];
	[sflag:s23] =	ssyncadd.s32 $0xFFFFFFFF  }
0xa5: {  	s26 =	simm.s32 $execute0_lowered;
	[smem:$0x3FD2] =	sst s25  }
0xa6: {  	s5 =	sshll.u32 s26, $0x1;
	_ =	strace $0x80000046;
	[dreg:$0x1] =	wrdreg $0xFFFFFFFF  }
0xa7: {  	s28 =	simm.s32 $_size_execute0_lowered;
	s3 =	sadd.s32 s3, s5;
	[dreg:$0x0] =	wrdreg $0x0  }
0xa8: {  	s5 =	sshll.u32 s28, $0x1;
	[dreg:$0x2] =	wrdreg s3  }
0xa9: {  	[dreg:$0x3] =	wrdreg s5  }
0xaa: {  	[dreg:$0x4] =	wrdreg $0xC0  }
0xab: {  	_ =	task [dreg:s7], $0x5FFFF  }
0xac: {  	[dreg:$0x1] =	wrdreg $0xFFFFFFFF  }
0xad: {  	[dreg:$0x0] =	wrdreg $0x60  }
0xae: {  	[dreg:$0x2] =	wrdreg s2  }
0xaf: {  	[dreg:$0x3] =	wrdreg s24  }
0xb0: {  	[dreg:$0x4] =	wrdreg $0x9  }
0xb1: {  	_ =	task.clear_ibuf [dreg:s7], $0x5FFFF;
	_ =	strace $0x90000046  }
0xb2: {  	s29 =	simm.s32 $0x9;
	_ =	strace $0x80000060  }
0xb3: {  	_ =	swait.ge [sflag:s29], $0x1  }
0xb4: {  	[sflag:s29] =	ssyncadd.s32 $0xFFFFFFFF  }
0xb5: {  	_ =	strace $0x90000060  }
0xb6: {  	_ =	sfence  }
0xb7: {  	s30 =	sld [smem:$0x0];
	_ =	sdelay $0x2  }
0xb8: {  	s31 =	sshll.u32 s1, $0xD;
	s1 =	sshrl.u32 s1, $0x2  }
0xb9: {  	s3 =	sand.u32 $0x4000, s31;
	s1 =	sadd.s32 s1, s30  }
0xba: {  	s0 =	sor.u32 s3, s0;
	s1 =	sshll.u32 s1, $0x11  }
0xbb: {  	s0 =	sor.u32 s1, s0  }
0xbc: {  	s0 =	sadd.s32 $0x8F2B, s0  }
0xbd: {  	[sflag:s0] =	ssyncadd.remote.s32 $0x1  }
0xbe: {  	_ =	sfence.sel $0xFFFF  }
0xbf: {  	[dreg:$0x0] =	wrdreg $0xFFFFFFFF;
	(pc) =	sbr.abs _section_cstart, $3  }
0xc0: {  	[dreg:$0x1] =	wrdreg $0xFFFFFFFF  }
0xc1: {  	_ =	task.clear_ibuf [dreg:s7], $0x2FFFF;
	_ =	strace $0x9FFFFFFF  }
0xc2: {  	(tm) =	ssettm $0x7FFFFFFF  }
0xc3: {  	_ =	shalt  }
tec
execute0_lowered:
.L_overlay_start_1:
0x0: {  	(tag) =	ssettag $0x1  }
0x1: {  	s19 =	rddreg [dreg:$0x0];
	s1 =	srdreg.scid  }
0x2: {  	s0 =	rddreg [dreg:$0x1];
	s1 =	sand.u32 $0x1, s1  }
0x3: {  	s2 =	simm.s32 $0x0;
	s4 =	stileid.u32;
	s3 =	sshll.u32 s1, $0x4  }
0x4: {  	[smem:$0x7FF] =	sst s2;
	s24 =	sor.u32 s4, s3  }
0x5: {  	s20 =	sadd.s32 $0x400, s0;
	s23 =	sadd.s32 $0xC00, s0;
	s5 =	sshll.u32 s24, $0x6  }
0x6: {  	_ =	strace $0x80000047;
	s3 =	smin.u32 s24, $0x10;
	s15 =	sadd.s32 s20, s5  }
0x7: {  	s14 =	sshll.u32 s3, $0xB;
	s16 =	sadd.s32 s23, s5;
	[dreg:$0x3] =	wrdreg s15  }
0x8: {  	s3 =	sshll.u32 s3, $0x4;
	s6 =	sadd.s32 s14, s0;
	[dreg:$0x4] =	wrdreg s16  }
0x9: {  	s3 =	sadd.s32 s0, s3;
	[dreg:$0x9] =	wrdreg s6;
	s17 =	sadd.s32 $0x9400, s6  }
0xa: {  	s18 =	sadd.s32 $0x200, s3;
	[dreg:$0x5] =	wrdreg s17  }
0xb: {  	s21 =	sshll.u32 s24, $0xD;
	[dreg:$0x6] =	wrdreg s18  }
0xc: {  	s4 =	sadd.s32 s19, s21;
	s15 =	sshll.u32 s24, $0x2;
	_ =	strace $0x80000048  }
0xd: {  	[tilespmem:s2], [sflag:$0x1] =	stream.linear.gather [hbm4b:s4+s2], $0x4000, $0x200038;
	[tilespmem:$0x8100] =	vst v63  }
0xe: {  	s5 =	simm.s32 $0x8000;
	s8 =	sor.u32 $0x1, s15;
	s22 =	rddreg [dreg:$0x3]  }
0xf: {  	[tilespmem:s5], [sflag:$0x3] =	stream.linear.gather [hbm4b:s22+s2], $0x80, $0x200038;
	[tilespmem:$0x8100] =	vst v63  }
0x10: {  	s7 =	simm.s32 $0x4000;
	s25 =	sshll.u32 s8, $0xB;
	_ =	strace $0x90000048  }
0x11: {  	s21 =	sshll.u32 s8, $0x4;
	s6 =	sadd.s32 s19, s25;
	_ =	strace $0x80000049  }
0x12: {  	[tilespmem:s7], [sflag:$0x2] =	stream.linear.gather [hbm4b:s6+s2], $0x4000, $0x200038;
	[tilespmem:$0x8100] =	vst v63  }
0x13: {  	s8 =	sadd.s32 s20, s21;
	_ =	strace $0x90000049  }
0x14: {  	s9 =	simm.s32 $0x8080;
	_ =	strace $0x8000004A;
	[dreg:$0x7] =	wrdreg s8  }
0x15: {  	[tilespmem:s9], [sflag:$0x4] =	stream.linear.gather [hbm4b:s8+s2], $0x80, $0x200038;
	[tilespmem:$0x8100] =	vst v63  }
0x16: {  	_ =	strace $0x9000004A  }
0x17: {  	s10 =	simm.s32 $0x1;
	_ =	strace $0x8000004B  }
0x18: {  	_ =	swait.ge [sflag:s10], $0x4000  }
0x19: {  	[sflag:s10] =	ssyncset.done $0x0  }
0x1a: {  	[sflag:s10] =	ssyncadd.s32 $0xFFFFC000  }
0x1b: {  	_ =	strace $0x9000004B  }
0x1c: {  	s11 =	simm.s32 $0x3;
	_ =	strace $0x8000004C  }
0x1d: {  	_ =	swait.ge [sflag:s11], $0x80  }
0x1e: {  	[sflag:s11] =	ssyncset.done $0x0  }
0x1f: {  	[sflag:s11] =	ssyncadd.s32 $0xFFFFFF80  }
0x20: {  	s13 =	simm.s32 $0x80;
	_ =	strace $0x9000004C  }
0x21: {  	s12 =	sadd.s32 $0x11400, s0;
	s14 =	simm.s32 $0x5;
	_ =	strace $0x8000004D  }
0x22: {  	[hbm4b:s12+s13] =	stream.indirect.scatter [tilespmem:s2], [sflag:$0x5], $0x80, s5, s13, $0x2000b8;
	[tilespmem:$0x8100] =	vst v63  }
0x23: {  	_ =	swait.ge [sflag:s14], $0x4000  }
0x24: {  	[sflag:s14] =	ssyncset.done $0x0  }
0x25: {  	s16 =	sor.u32 $0x2, s15;
	[sflag:s14] =	ssyncadd.s32 $0xFFFFC000  }
0x26: {  	s15 =	sshll.u32 s16, $0xB;
	_ =	strace $0x9000004D  }
0x27: {  	s15 =	sadd.s32 s19, s15;
	s22 =	sshll.u32 s16, $0x4;
	_ =	strace $0x80000049  }
0x28: {  	[tilespmem:s2], [sflag:$0x1] =	stream.linear.gather [hbm4b:s15+s2], $0x4000, $0x200038;
	[tilespmem:$0x8100] =	vst v63  }
0x29: {  	s26 =	sadd.s32 s20, s22;
	_ =	strace $0x90000049  }
0x2a: {  	_ =	strace $0x8000004A;
	[dreg:$0x8] =	wrdreg s26  }
0x2b: {  	[tilespmem:s5], [sflag:$0x3] =	stream.linear.gather [hbm4b:s26+s2], $0x80, $0x200038;
	[tilespmem:$0x8100] =	vst v63  }
0x2c: {  	_ =	strace $0x9000004A  }
0x2d: {  	s17 =	simm.s32 $0x2;
	_ =	strace $0x8000004B  }
0x2e: {  	_ =	swait.ge [sflag:s17], $0x4000  }
0x2f: {  	[sflag:s17] =	ssyncset.done $0x0  }
0x30: {  	[sflag:s17] =	ssyncadd.s32 $0xFFFFC000  }
0x31: {  	_ =	strace $0x9000004B  }
0x32: {  	s18 =	simm.s32 $0x4;
	_ =	strace $0x8000004C  }
0x33: {  	_ =	swait.ge [sflag:s18], $0x80  }
0x34: {  	[sflag:s18] =	ssyncset.done $0x0  }
0x35: {  	[sflag:s18] =	ssyncadd.s32 $0xFFFFFF80  }
0x36: {  	_ =	strace $0x9000004C  }
0x37: {  	_ =	strace $0x8000004D  }
0x38: {  	[hbm4b:s12+s13] =	stream.indirect.scatter [tilespmem:s7], [sflag:$0x5], $0x80, s9, s13, $0x2000b8;
	[tilespmem:$0x8100] =	vst v63  }
0x39: {  	_ =	swait.ge [sflag:s14], $0x4000  }
0x3a: {  	[sflag:s14] =	ssyncset.done $0x0  }
0x3b: {  	s24 =	sshllo.u32 s24, $0x2;
	[sflag:s14] =	ssyncadd.s32 $0xFFFFC000  }
0x3c: {  	s25 =	sshll.u32 s24, $0xB;
	_ =	strace $0x9000004D  }
0x3d: {  	s19 =	sadd.s32 s19, s25;
	_ =	strace $0x80000049  }
0x3e: {  	[tilespmem:s7], [sflag:$0x2] =	stream.linear.gather [hbm4b:s19+s2], $0x4000, $0x200038;
	[tilespmem:$0x8100] =	vst v63  }
0x3f: {  	s24 =	sshll.u32 s24, $0x4;
	_ =	strace $0x90000049  }
0x40: {  	s20 =	sadd.s32 s20, s24;
	_ =	strace $0x8000004A  }
0x41: {  	[tilespmem:s9], [sflag:$0x4] =	stream.linear.gather [hbm4b:s20+s2], $0x80, $0x200038;
	[tilespmem:$0x8100] =	vst v63  }
0x42: {  	_ =	strace $0x9000004A  }
0x43: {  	_ =	strace $0x8000004B  }
0x44: {  	_ =	swait.ge [sflag:s10], $0x4000  }
0x45: {  	[sflag:s10] =	ssyncset.done $0x0  }
0x46: {  	[sflag:s10] =	ssyncadd.s32 $0xFFFFC000  }
0x47: {  	_ =	strace $0x9000004B  }
0x48: {  	_ =	strace $0x8000004C  }
0x49: {  	_ =	swait.ge [sflag:s11], $0x80  }
0x4a: {  	[sflag:s11] =	ssyncset.done $0x0  }
0x4b: {  	[sflag:s11] =	ssyncadd.s32 $0xFFFFFF80  }
0x4c: {  	_ =	strace $0x9000004C  }
0x4d: {  	_ =	strace $0x8000004D  }
0x4e: {  	[hbm4b:s12+s13] =	stream.indirect.scatter [tilespmem:s2], [sflag:$0x5], $0x80, s5, s13, $0x2000b8;
	[tilespmem:$0x8100] =	vst v63  }
0x4f: {  	_ =	swait.ge [sflag:s14], $0x4000  }
0x50: {  	[sflag:s14] =	ssyncset.done $0x0  }
0x51: {  	[sflag:s14] =	ssyncadd.s32 $0xFFFFC000  }
0x52: {  	_ =	strace $0x9000004D  }
0x53: {  	_ =	strace $0x8000004B  }
0x54: {  	_ =	swait.ge [sflag:s17], $0x4000  }
0x55: {  	[sflag:s17] =	ssyncset.done $0x0  }
0x56: {  	[sflag:s17] =	ssyncadd.s32 $0xFFFFC000  }
0x57: {  	_ =	strace $0x9000004B  }
0x58: {  	_ =	strace $0x8000004C  }
0x59: {  	_ =	swait.ge [sflag:s18], $0x80  }
0x5a: {  	[sflag:s18] =	ssyncset.done $0x0  }
0x5b: {  	[sflag:s18] =	ssyncadd.s32 $0xFFFFFF80  }
0x5c: {  	_ =	strace $0x9000004C  }
0x5d: {  	_ =	strace $0x8000004D  }
0x5e: {  	[hbm4b:s12+s13] =	stream.indirect.scatter [tilespmem:s7], [sflag:$0x5], $0x80, s9, s13, $0x2000b8;
	[tilespmem:$0x8100] =	vst v63  }
0x5f: {  	_ =	swait.ge [sflag:s14], $0x4000  }
0x60: {  	[sflag:s14] =	ssyncset.done $0x0  }
0x61: {  	[sflag:s14] =	ssyncadd.s32 $0xFFFFC000  }
0x62: {  	_ =	strace $0x9000004D  }
0x63: {  	_ =	strace $0x8000004E  }
0x64: {  	[tilespmem:s2], [sflag:$0x1] =	stream.linear.gather [hbm4b:s4+s2], $0x4000, $0x200038;
	[tilespmem:$0x8100] =	vst v63  }
0x65: {  	s8 =	rddreg [dreg:$0x4]  }
0x66: {  	[tilespmem:s5], [sflag:$0x3] =	stream.linear.gather [hbm4b:s8+s2], $0x80, $0x200038;
	[tilespmem:$0x8100] =	vst v63  }
0x67: {  	_ =	strace $0x9000004E  }
0x68: {  	_ =	strace $0x8000004F  }
0x69: {  	[tilespmem:s7], [sflag:$0x2] =	stream.linear.gather [hbm4b:s6+s2], $0x4000, $0x200038;
	[tilespmem:$0x8100] =	vst v63  }
0x6a: {  	_ =	strace $0x9000004F  }
0x6b: {  	s21 =	sadd.s32 s23, s21;
	_ =	strace $0x80000050  }
0x6c: {  	[tilespmem:s9], [sflag:$0x4] =	stream.linear.gather [hbm4b:s21+s2], $0x80, $0x200038;
	[tilespmem:$0x8100] =	vst v63  }
0x6d: {  	_ =	strace $0x90000050  }
0x6e: {  	_ =	strace $0x80000051  }
0x6f: {  	_ =	swait.ge [sflag:s10], $0x4000  }
0x70: {  	[sflag:s10] =	ssyncset.done $0x0  }
0x71: {  	[sflag:s10] =	ssyncadd.s32 $0xFFFFC000  }
0x72: {  	_ =	strace $0x90000051  }
0x73: {  	_ =	strace $0x80000052  }
0x74: {  	_ =	swait.ge [sflag:s11], $0x80  }
0x75: {  	[sflag:s11] =	ssyncset.done $0x0  }
0x76: {  	[sflag:s11] =	ssyncadd.s32 $0xFFFFFF80  }
0x77: {  	_ =	strace $0x90000052  }
0x78: {  	_ =	strace $0x80000053  }
0x79: {  	[hbm4b:s12+s13] =	stream.indirect.scatter [tilespmem:s2], [sflag:$0x5], $0x80, s5, s13, $0x2000b8;
	[tilespmem:$0x8100] =	vst v63  }
0x7a: {  	_ =	swait.ge [sflag:s14], $0x4000  }
0x7b: {  	[sflag:s14] =	ssyncset.done $0x0  }
0x7c: {  	[sflag:s14] =	ssyncadd.s32 $0xFFFFC000  }
0x7d: {  	_ =	strace $0x90000053  }
0x7e: {  	_ =	strace $0x8000004F  }
0x7f: {  	[tilespmem:s2], [sflag:$0x1] =	stream.linear.gather [hbm4b:s15+s2], $0x4000, $0x200038;
	[tilespmem:$0x8100] =	vst v63  }
0x80: {  	_ =	strace $0x9000004F  }
0x81: {  	s22 =	sadd.s32 s23, s22;
	_ =	strace $0x80000050  }
0x82: {  	[tilespmem:s5], [sflag:$0x3] =	stream.linear.gather [hbm4b:s22+s2], $0x80, $0x200038;
	[tilespmem:$0x8100] =	vst v63  }
0x83: {  	_ =	strace $0x90000050  }
0x84: {  	_ =	strace $0x80000051  }
0x85: {  	_ =	swait.ge [sflag:s17], $0x4000  }
0x86: {  	[sflag:s17] =	ssyncset.done $0x0  }
0x87: {  	[sflag:s17] =	ssyncadd.s32 $0xFFFFC000  }
0x88: {  	_ =	strace $0x90000051  }
0x89: {  	_ =	strace $0x80000052  }
0x8a: {  	_ =	swait.ge [sflag:s18], $0x80  }
0x8b: {  	[sflag:s18] =	ssyncset.done $0x0  }
0x8c: {  	[sflag:s18] =	ssyncadd.s32 $0xFFFFFF80  }
0x8d: {  	_ =	strace $0x90000052  }
0x8e: {  	_ =	strace $0x80000053  }
0x8f: {  	[hbm4b:s12+s13] =	stream.indirect.scatter [tilespmem:s7], [sflag:$0x5], $0x80, s9, s13, $0x2000b8;
	[tilespmem:$0x8100] =	vst v63  }
0x90: {  	_ =	swait.ge [sflag:s14], $0x4000  }
0x91: {  	[sflag:s14] =	ssyncset.done $0x0  }
0x92: {  	[sflag:s14] =	ssyncadd.s32 $0xFFFFC000  }
0x93: {  	_ =	strace $0x90000053  }
0x94: {  	_ =	strace $0x8000004F  }
0x95: {  	[tilespmem:s7], [sflag:$0x2] =	stream.linear.gather [hbm4b:s19+s2], $0x4000, $0x200038;
	[tilespmem:$0x8100] =	vst v63  }
0x96: {  	_ =	strace $0x9000004F  }
0x97: {  	s23 =	sadd.s32 s23, s24;
	_ =	strace $0x80000050  }
0x98: {  	[tilespmem:s9], [sflag:$0x4] =	stream.linear.gather [hbm4b:s23+s2], $0x80, $0x200038;
	[tilespmem:$0x8100] =	vst v63  }
0x99: {  	_ =	strace $0x90000050  }
0x9a: {  	_ =	strace $0x80000051  }
0x9b: {  	_ =	swait.ge [sflag:s10], $0x4000  }
0x9c: {  	[sflag:s10] =	ssyncset.done $0x0  }
0x9d: {  	[sflag:s10] =	ssyncadd.s32 $0xFFFFC000  }
0x9e: {  	_ =	strace $0x90000051  }
0x9f: {  	_ =	strace $0x80000052  }
0xa0: {  	_ =	swait.ge [sflag:s11], $0x80  }
0xa1: {  	[sflag:s11] =	ssyncset.done $0x0  }
0xa2: {  	[sflag:s11] =	ssyncadd.s32 $0xFFFFFF80  }
0xa3: {  	_ =	strace $0x90000052  }
0xa4: {  	_ =	strace $0x80000053  }
0xa5: {  	[hbm4b:s12+s13] =	stream.indirect.scatter [tilespmem:s2], [sflag:$0x5], $0x80, s5, s13, $0x2000b8;
	[tilespmem:$0x8100] =	vst v63  }
0xa6: {  	_ =	swait.ge [sflag:s14], $0x4000  }
0xa7: {  	[sflag:s14] =	ssyncset.done $0x0  }
0xa8: {  	[sflag:s14] =	ssyncadd.s32 $0xFFFFC000  }
0xa9: {  	_ =	strace $0x90000053  }
0xaa: {  	_ =	strace $0x80000051  }
0xab: {  	_ =	swait.ge [sflag:s17], $0x4000  }
0xac: {  	[sflag:s17] =	ssyncset.done $0x0  }
0xad: {  	[sflag:s17] =	ssyncadd.s32 $0xFFFFC000  }
0xae: {  	_ =	strace $0x90000051  }
0xaf: {  	_ =	strace $0x80000052  }
0xb0: {  	_ =	swait.ge [sflag:s18], $0x80  }
0xb1: {  	[sflag:s18] =	ssyncset.done $0x0  }
0xb2: {  	[sflag:s18] =	ssyncadd.s32 $0xFFFFFF80  }
0xb3: {  	_ =	strace $0x90000052  }
0xb4: {  	_ =	strace $0x80000053  }
0xb5: {  	[hbm4b:s12+s13] =	stream.indirect.scatter [tilespmem:s7], [sflag:$0x5], $0x80, s9, s13, $0x2000b8;
	[tilespmem:$0x8100] =	vst v63  }
0xb6: {  	_ =	swait.ge [sflag:s14], $0x4000  }
0xb7: {  	[sflag:s14] =	ssyncset.done $0x0  }
0xb8: {  	[sflag:s14] =	ssyncadd.s32 $0xFFFFC000  }
0xb9: {  	p0 =	sne.s32 s1, $0x0;
	_ =	strace $0x90000053  }
0xba: {  	_ =	strace @!p0 $0x80000054  }
0xbb: {  	s24 =	simm.s32 @!p0 $0x0;
	s25 =	rddreg [dreg:$0x5]  }
0xbc: {  	[tilespmem:s24], [sflag:$0x1] =	stream.linear.gather @!p0 [hbm4b:s25+s24], $0x4000, $0x200038;
	[tilespmem:$0x8100] =	vst v63  }
0xbd: {  	s26 =	rddreg [dreg:$0x6];
	s25 =	simm.s32 @!p0 $0x8000  }
0xbe: {  	[tilespmem:s25], [sflag:$0x3] =	stream.linear.gather @!p0 [hbm4b:s26+s24], $0x80, $0x200038;
	[tilespmem:$0x8100] =	vst v63  }
0xbf: {  	_ =	strace @!p0 $0x90000054  }
0xc0: {  	s26 =	simm.s32 @!p0 $0x1;
	_ =	strace @!p0 $0x80000057  }
0xc1: {  	_ =	swait.ge @!p0 [sflag:s26], $0x4000  }
0xc2: {  	[sflag:s26] =	ssyncset.done @!p0 $0x0  }
0xc3: {  	[sflag:s26] =	ssyncadd.s32 @!p0 $0xFFFFC000  }
0xc4: {  	_ =	strace @!p0 $0x90000057  }
0xc5: {  	s28 =	simm.s32 @!p0 $0x3;
	_ =	strace @!p0 $0x80000058  }
0xc6: {  	_ =	swait.ge @!p0 [sflag:s28], $0x80  }
0xc7: {  	[sflag:s28] =	ssyncset.done @!p0 $0x0  }
0xc8: {  	[sflag:s28] =	ssyncadd.s32 @!p0 $0xFFFFFF80  }
0xc9: {  	s29 =	sadd.s32 $0xB1400, s0;
	_ =	strace @!p0 $0x90000058  }
0xca: {  	s30 =	simm.s32 @!p0 $0x80;
	s31 =	simm.s32 @!p0 $0x5;
	_ =	strace @!p0 $0x80000059  }
0xcb: {  	[hbm4b:s29+s30] =	stream.indirect.scatter @!p0 [tilespmem:s24], [sflag:$0x5], $0x80, s25, s30, $0x2000b8;
	[tilespmem:$0x8100] =	vst v63  }
0xcc: {  	_ =	swait.ge @!p0 [sflag:s31], $0x4000  }
0xcd: {  	[sflag:s31] =	ssyncset.done @!p0 $0x0  }
0xce: {  	[sflag:s31] =	ssyncadd.s32 @!p0 $0xFFFFC000  }
0xcf: {  	_ =	strace @!p0 $0x90000059  }
0xd0: {  	s16 =	rddreg [dreg:$0x9]  }
0xd1: {  	_ =	strace @!p0 $0x8000005A;
	s0 =	sadd.s32 $0x1400, s16  }
0xd2: {  	[tilespmem:s24], [sflag:$0x1] =	stream.linear.gather @!p0 [hbm4b:s0+s24], $0x4000, $0x200038;
	[tilespmem:$0x8100] =	vst v63  }
0xd3: {  	_ = 	snop  }
0xd4: {  	[tilespmem:s25], [sflag:$0x3] =	stream.linear.gather @!p0 [hbm4b:s3+s24], $0x80, $0x200038;
	[tilespmem:$0x8100] =	vst v63  }
0xd5: {  	_ =	strace @!p0 $0x9000005A  }
0xd6: {  	_ =	strace @!p0 $0x8000005D  }
0xd7: {  	_ =	swait.ge @!p0 [sflag:s26], $0x4000  }
0xd8: {  	[sflag:s26] =	ssyncset.done @!p0 $0x0  }
0xd9: {  	[sflag:s26] =	ssyncadd.s32 @!p0 $0xFFFFC000  }
0xda: {  	s8 =	ssub.s32 $0x2, s1;
	_ =	strace @!p0 $0x9000005D  }
0xdb: {  	s1 =	sshrl.u32 s8, $0x1;
	_ =	strace @!p0 $0x8000005E  }
0xdc: {  	s1 =	ssub.s32 s8, s1;
	_ =	swait.ge @!p0 [sflag:s28], $0x80  }
0xdd: {  	s1 =	smax.u32 s1, $0x1;
	[sflag:s28] =	ssyncset.done @!p0 $0x0  }
0xde: {  	s1 =	sadd.s32 $0xFFFFFFFF, s1;
	[sflag:s28] =	ssyncadd.s32 @!p0 $0xFFFFFF80  }
0xdf: {  	p1 =	sne.s32 s1, $0x0;
	_ =	strace @!p0 $0x9000005E  }
.Ltmp0:
0xe0: {  	_ =	strace @!p0 $0x8000005F;
	(pc) =	sbr.rel @!p1 .LBB2_2-.Ltmp0, $4  }
0xe1: {  	[hbm4b:s29+s30] =	stream.indirect.scatter @!p0 [tilespmem:s24], [sflag:$0x5], $0x80, s25, s30, $0x2000b8;
	[tilespmem:$0x8100] =	vst v63  }
0xe2: {  	_ =	swait.ge @!p0 [sflag:s31], $0x4000  }
0xe3: {  	[sflag:s31] =	ssyncset.done @!p0 $0x0  }
0xe4: {  	s16 =	smov.u32 s3;
	[sflag:s31] =	ssyncadd.s32 @!p0 $0xFFFFC000  }
.LBB2_1:
0xe5: {  	_ =	strace @!p0 $0x9000005F  }
0xe6: {  	_ =	strace $0x80000048  }
0xe7: {  	[tilespmem:s2], [sflag:$0x1] =	stream.linear.gather [hbm4b:s4+s2], $0x4000, $0x200038;
	[tilespmem:$0x8100] =	vst v63  }
0xe8: {  	s3 =	rddreg [dreg:$0x3]  }
0xe9: {  	[tilespmem:s5], [sflag:$0x3] =	stream.linear.gather [hbm4b:s3+s2], $0x80, $0x200038;
	[tilespmem:$0x8100] =	vst v63  }
0xea: {  	_ =	strace $0x90000048  }
0xeb: {  	_ =	strace $0x80000049  }
0xec: {  	[tilespmem:s7], [sflag:$0x2] =	stream.linear.gather [hbm4b:s6+s2], $0x4000, $0x200038;
	[tilespmem:$0x8100] =	vst v63  }
0xed: {  	_ =	strace $0x90000049  }
0xee: {  	_ =	strace $0x8000004A  }
0xef: {  	s8 =	rddreg [dreg:$0x7]  }
0xf0: {  	[tilespmem:s9], [sflag:$0x4] =	stream.linear.gather [hbm4b:s8+s2], $0x80, $0x200038;
	[tilespmem:$0x8100] =	vst v63  }
0xf1: {  	_ =	strace $0x9000004A  }
0xf2: {  	_ =	strace $0x8000004B  }
0xf3: {  	_ =	swait.ge [sflag:s10], $0x4000  }
0xf4: {  	[sflag:s10] =	ssyncset.done $0x0  }
0xf5: {  	[sflag:s10] =	ssyncadd.s32 $0xFFFFC000  }
0xf6: {  	_ =	strace $0x9000004B  }
0xf7: {  	_ =	strace $0x8000004C  }
0xf8: {  	_ =	swait.ge [sflag:s11], $0x80  }
0xf9: {  	[sflag:s11] =	ssyncset.done $0x0  }
0xfa: {  	[sflag:s11] =	ssyncadd.s32 $0xFFFFFF80  }
0xfb: {  	_ =	strace $0x9000004C  }
0xfc: {  	_ =	strace $0x8000004D  }
0xfd: {  	[hbm4b:s12+s13] =	stream.indirect.scatter [tilespmem:s2], [sflag:$0x5], $0x80, s5, s13, $0x2000b8;
	[tilespmem:$0x8100] =	vst v63  }
0xfe: {  	_ =	swait.ge [sflag:s14], $0x4000  }
0xff: {  	[sflag:s14] =	ssyncset.done $0x0  }
0x100: {  	[sflag:s14] =	ssyncadd.s32 $0xFFFFC000  }
0x101: {  	_ =	strace $0x9000004D  }
0x102: {  	_ =	strace $0x80000049  }
0x103: {  	[tilespmem:s2], [sflag:$0x1] =	stream.linear.gather [hbm4b:s15+s2], $0x4000, $0x200038;
	[tilespmem:$0x8100] =	vst v63  }
0x104: {  	_ =	strace $0x90000049  }
0x105: {  	_ =	strace $0x8000004A  }
0x106: {  	s8 =	rddreg [dreg:$0x8]  }
0x107: {  	[tilespmem:s5], [sflag:$0x3] =	stream.linear.gather [hbm4b:s8+s2], $0x80, $0x200038;
	[tilespmem:$0x8100] =	vst v63  }
0x108: {  	_ =	strace $0x9000004A  }
0x109: {  	_ =	strace $0x8000004B  }
0x10a: {  	_ =	swait.ge [sflag:s17], $0x4000  }
0x10b: {  	[sflag:s17] =	ssyncset.done $0x0  }
0x10c: {  	[sflag:s17] =	ssyncadd.s32 $0xFFFFC000  }
0x10d: {  	_ =	strace $0x9000004B  }
0x10e: {  	_ =	strace $0x8000004C  }
0x10f: {  	_ =	swait.ge [sflag:s18], $0x80  }
0x110: {  	[sflag:s18] =	ssyncset.done $0x0  }
0x111: {  	[sflag:s18] =	ssyncadd.s32 $0xFFFFFF80  }
0x112: {  	_ =	strace $0x9000004C  }
0x113: {  	_ =	strace $0x8000004D  }
0x114: {  	[hbm4b:s12+s13] =	stream.indirect.scatter [tilespmem:s7], [sflag:$0x5], $0x80, s9, s13, $0x2000b8;
	[tilespmem:$0x8100] =	vst v63  }
0x115: {  	_ =	swait.ge [sflag:s14], $0x4000  }
0x116: {  	[sflag:s14] =	ssyncset.done $0x0  }
0x117: {  	[sflag:s14] =	ssyncadd.s32 $0xFFFFC000  }
0x118: {  	_ =	strace $0x9000004D  }
0x119: {  	_ =	strace $0x80000049  }
0x11a: {  	[tilespmem:s7], [sflag:$0x2] =	stream.linear.gather [hbm4b:s19+s2], $0x4000, $0x200038;
	[tilespmem:$0x8100] =	vst v63  }
0x11b: {  	_ =	strace $0x90000049  }
0x11c: {  	_ =	strace $0x8000004A  }
0x11d: {  	[tilespmem:s9], [sflag:$0x4] =	stream.linear.gather [hbm4b:s20+s2], $0x80, $0x200038;
	[tilespmem:$0x8100] =	vst v63  }
0x11e: {  	_ =	strace $0x9000004A  }
0x11f: {  	_ =	strace $0x8000004B  }
0x120: {  	_ =	swait.ge [sflag:s10], $0x4000  }
0x121: {  	[sflag:s10] =	ssyncset.done $0x0  }
0x122: {  	[sflag:s10] =	ssyncadd.s32 $0xFFFFC000  }
0x123: {  	_ =	strace $0x9000004B  }
0x124: {  	_ =	strace $0x8000004C  }
0x125: {  	_ =	swait.ge [sflag:s11], $0x80  }
0x126: {  	[sflag:s11] =	ssyncset.done $0x0  }
0x127: {  	[sflag:s11] =	ssyncadd.s32 $0xFFFFFF80  }
0x128: {  	_ =	strace $0x9000004C  }
0x129: {  	_ =	strace $0x8000004D  }
0x12a: {  	[hbm4b:s12+s13] =	stream.indirect.scatter [tilespmem:s2], [sflag:$0x5], $0x80, s5, s13, $0x2000b8;
	[tilespmem:$0x8100] =	vst v63  }
0x12b: {  	_ =	swait.ge [sflag:s14], $0x4000  }
0x12c: {  	[sflag:s14] =	ssyncset.done $0x0  }
0x12d: {  	[sflag:s14] =	ssyncadd.s32 $0xFFFFC000  }
0x12e: {  	_ =	strace $0x9000004D  }
0x12f: {  	_ =	strace $0x8000004B  }
0x130: {  	_ =	swait.ge [sflag:s17], $0x4000  }
0x131: {  	[sflag:s17] =	ssyncset.done $0x0  }
0x132: {  	[sflag:s17] =	ssyncadd.s32 $0xFFFFC000  }
0x133: {  	_ =	strace $0x9000004B  }
0x134: {  	_ =	strace $0x8000004C  }
0x135: {  	_ =	swait.ge [sflag:s18], $0x80  }
0x136: {  	[sflag:s18] =	ssyncset.done $0x0  }
0x137: {  	[sflag:s18] =	ssyncadd.s32 $0xFFFFFF80  }
0x138: {  	_ =	strace $0x9000004C  }
0x139: {  	_ =	strace $0x8000004D  }
0x13a: {  	[hbm4b:s12+s13] =	stream.indirect.scatter [tilespmem:s7], [sflag:$0x5], $0x80, s9, s13, $0x2000b8;
	[tilespmem:$0x8100] =	vst v63  }
0x13b: {  	_ =	swait.ge [sflag:s14], $0x4000  }
0x13c: {  	[sflag:s14] =	ssyncset.done $0x0  }
0x13d: {  	[sflag:s14] =	ssyncadd.s32 $0xFFFFC000  }
0x13e: {  	_ =	strace $0x9000004D  }
0x13f: {  	_ =	strace $0x8000004E  }
0x140: {  	[tilespmem:s2], [sflag:$0x1] =	stream.linear.gather [hbm4b:s4+s2], $0x4000, $0x200038;
	[tilespmem:$0x8100] =	vst v63  }
0x141: {  	s8 =	rddreg [dreg:$0x4]  }
0x142: {  	[tilespmem:s5], [sflag:$0x3] =	stream.linear.gather [hbm4b:s8+s2], $0x80, $0x200038;
	[tilespmem:$0x8100] =	vst v63  }
0x143: {  	_ =	strace $0x9000004E  }
0x144: {  	_ =	strace $0x8000004F  }
0x145: {  	[tilespmem:s7], [sflag:$0x2] =	stream.linear.gather [hbm4b:s6+s2], $0x4000, $0x200038;
	[tilespmem:$0x8100] =	vst v63  }
0x146: {  	_ =	strace $0x9000004F  }
0x147: {  	_ =	strace $0x80000050  }
0x148: {  	[tilespmem:s9], [sflag:$0x4] =	stream.linear.gather [hbm4b:s21+s2], $0x80, $0x200038;
	[tilespmem:$0x8100] =	vst v63  }
0x149: {  	_ =	strace $0x90000050  }
0x14a: {  	_ =	strace $0x80000051  }
0x14b: {  	_ =	swait.ge [sflag:s10], $0x4000  }
0x14c: {  	[sflag:s10] =	ssyncset.done $0x0  }
0x14d: {  	[sflag:s10] =	ssyncadd.s32 $0xFFFFC000  }
0x14e: {  	_ =	strace $0x90000051  }
0x14f: {  	_ =	strace $0x80000052  }
0x150: {  	_ =	swait.ge [sflag:s11], $0x80  }
0x151: {  	[sflag:s11] =	ssyncset.done $0x0  }
0x152: {  	[sflag:s11] =	ssyncadd.s32 $0xFFFFFF80  }
0x153: {  	_ =	strace $0x90000052  }
0x154: {  	_ =	strace $0x80000053  }
0x155: {  	[hbm4b:s12+s13] =	stream.indirect.scatter [tilespmem:s2], [sflag:$0x5], $0x80, s5, s13, $0x2000b8;
	[tilespmem:$0x8100] =	vst v63  }
0x156: {  	_ =	swait.ge [sflag:s14], $0x4000  }
0x157: {  	[sflag:s14] =	ssyncset.done $0x0  }
0x158: {  	[sflag:s14] =	ssyncadd.s32 $0xFFFFC000  }
0x159: {  	_ =	strace $0x90000053  }
0x15a: {  	_ =	strace $0x8000004F  }
0x15b: {  	[tilespmem:s2], [sflag:$0x1] =	stream.linear.gather [hbm4b:s15+s2], $0x4000, $0x200038;
	[tilespmem:$0x8100] =	vst v63  }
0x15c: {  	_ =	strace $0x9000004F  }
0x15d: {  	_ =	strace $0x80000050  }
0x15e: {  	[tilespmem:s5], [sflag:$0x3] =	stream.linear.gather [hbm4b:s22+s2], $0x80, $0x200038;
	[tilespmem:$0x8100] =	vst v63  }
0x15f: {  	_ =	strace $0x90000050  }
0x160: {  	_ =	strace $0x80000051  }
0x161: {  	_ =	swait.ge [sflag:s17], $0x4000  }
0x162: {  	[sflag:s17] =	ssyncset.done $0x0  }
0x163: {  	[sflag:s17] =	ssyncadd.s32 $0xFFFFC000  }
0x164: {  	_ =	strace $0x90000051  }
0x165: {  	_ =	strace $0x80000052  }
0x166: {  	_ =	swait.ge [sflag:s18], $0x80  }
0x167: {  	[sflag:s18] =	ssyncset.done $0x0  }
0x168: {  	[sflag:s18] =	ssyncadd.s32 $0xFFFFFF80  }
0x169: {  	_ =	strace $0x90000052  }
0x16a: {  	_ =	strace $0x80000053  }
0x16b: {  	[hbm4b:s12+s13] =	stream.indirect.scatter [tilespmem:s7], [sflag:$0x5], $0x80, s9, s13, $0x2000b8;
	[tilespmem:$0x8100] =	vst v63  }
0x16c: {  	_ =	swait.ge [sflag:s14], $0x4000  }
0x16d: {  	[sflag:s14] =	ssyncset.done $0x0  }
0x16e: {  	[sflag:s14] =	ssyncadd.s32 $0xFFFFC000  }
0x16f: {  	_ =	strace $0x90000053  }
0x170: {  	_ =	strace $0x8000004F  }
0x171: {  	[tilespmem:s7], [sflag:$0x2] =	stream.linear.gather [hbm4b:s19+s2], $0x4000, $0x200038;
	[tilespmem:$0x8100] =	vst v63  }
0x172: {  	_ =	strace $0x9000004F  }
0x173: {  	_ =	strace $0x80000050  }
0x174: {  	[tilespmem:s9], [sflag:$0x4] =	stream.linear.gather [hbm4b:s23+s2], $0x80, $0x200038;
	[tilespmem:$0x8100] =	vst v63  }
0x175: {  	_ =	strace $0x90000050  }
0x176: {  	_ =	strace $0x80000051  }
0x177: {  	_ =	swait.ge [sflag:s10], $0x4000  }
0x178: {  	[sflag:s10] =	ssyncset.done $0x0  }
0x179: {  	[sflag:s10] =	ssyncadd.s32 $0xFFFFC000  }
0x17a: {  	_ =	strace $0x90000051  }
0x17b: {  	_ =	strace $0x80000052  }
0x17c: {  	_ =	swait.ge [sflag:s11], $0x80  }
0x17d: {  	[sflag:s11] =	ssyncset.done $0x0  }
0x17e: {  	[sflag:s11] =	ssyncadd.s32 $0xFFFFFF80  }
0x17f: {  	_ =	strace $0x90000052  }
0x180: {  	_ =	strace $0x80000053  }
0x181: {  	[hbm4b:s12+s13] =	stream.indirect.scatter [tilespmem:s2], [sflag:$0x5], $0x80, s5, s13, $0x2000b8;
	[tilespmem:$0x8100] =	vst v63  }
0x182: {  	_ =	swait.ge [sflag:s14], $0x4000  }
0x183: {  	[sflag:s14] =	ssyncset.done $0x0  }
0x184: {  	[sflag:s14] =	ssyncadd.s32 $0xFFFFC000  }
0x185: {  	_ =	strace $0x90000053  }
0x186: {  	_ =	strace $0x80000051  }
0x187: {  	_ =	swait.ge [sflag:s17], $0x4000  }
0x188: {  	[sflag:s17] =	ssyncset.done $0x0  }
0x189: {  	[sflag:s17] =	ssyncadd.s32 $0xFFFFC000  }
0x18a: {  	_ =	strace $0x90000051  }
0x18b: {  	_ =	strace $0x80000052  }
0x18c: {  	_ =	swait.ge [sflag:s18], $0x80  }
0x18d: {  	[sflag:s18] =	ssyncset.done $0x0  }
0x18e: {  	[sflag:s18] =	ssyncadd.s32 $0xFFFFFF80  }
0x18f: {  	_ =	strace $0x90000052  }
0x190: {  	_ =	strace $0x80000053  }
0x191: {  	[hbm4b:s12+s13] =	stream.indirect.scatter [tilespmem:s7], [sflag:$0x5], $0x80, s9, s13, $0x2000b8;
	[tilespmem:$0x8100] =	vst v63  }
0x192: {  	_ =	swait.ge [sflag:s14], $0x4000  }
0x193: {  	[sflag:s14] =	ssyncset.done $0x0  }
0x194: {  	[sflag:s14] =	ssyncadd.s32 $0xFFFFC000  }
0x195: {  	_ =	strace $0x90000053  }
0x196: {  	_ =	strace @!p0 $0x80000054  }
0x197: {  	s3 =	rddreg [dreg:$0x5]  }
0x198: {  	[tilespmem:s24], [sflag:$0x1] =	stream.linear.gather @!p0 [hbm4b:s3+s24], $0x4000, $0x200038;
	[tilespmem:$0x8100] =	vst v63  }
0x199: {  	s8 =	rddreg [dreg:$0x6]  }
0x19a: {  	[tilespmem:s25], [sflag:$0x3] =	stream.linear.gather @!p0 [hbm4b:s8+s24], $0x80, $0x200038;
	[tilespmem:$0x8100] =	vst v63  }
0x19b: {  	_ =	strace @!p0 $0x90000054  }
0x19c: {  	_ =	strace @!p0 $0x80000057  }
0x19d: {  	_ =	swait.ge @!p0 [sflag:s26], $0x4000  }
0x19e: {  	[sflag:s26] =	ssyncset.done @!p0 $0x0  }
0x19f: {  	[sflag:s26] =	ssyncadd.s32 @!p0 $0xFFFFC000  }
0x1a0: {  	_ =	strace @!p0 $0x90000057  }
0x1a1: {  	_ =	strace @!p0 $0x80000058  }
0x1a2: {  	_ =	swait.ge @!p0 [sflag:s28], $0x80  }
0x1a3: {  	[sflag:s28] =	ssyncset.done @!p0 $0x0  }
0x1a4: {  	[sflag:s28] =	ssyncadd.s32 @!p0 $0xFFFFFF80  }
0x1a5: {  	_ =	strace @!p0 $0x90000058  }
0x1a6: {  	_ =	strace @!p0 $0x80000059  }
0x1a7: {  	[hbm4b:s29+s30] =	stream.indirect.scatter @!p0 [tilespmem:s24], [sflag:$0x5], $0x80, s25, s30, $0x2000b8;
	[tilespmem:$0x8100] =	vst v63  }
0x1a8: {  	_ =	swait.ge @!p0 [sflag:s31], $0x4000  }
0x1a9: {  	[sflag:s31] =	ssyncset.done @!p0 $0x0  }
0x1aa: {  	[sflag:s31] =	ssyncadd.s32 @!p0 $0xFFFFC000  }
0x1ab: {  	_ =	strace @!p0 $0x90000059  }
0x1ac: {  	_ =	strace @!p0 $0x8000005A  }
0x1ad: {  	[tilespmem:s24], [sflag:$0x1] =	stream.linear.gather @!p0 [hbm4b:s0+s24], $0x4000, $0x200038;
	[tilespmem:$0x8100] =	vst v63  }
0x1ae: {  	_ = 	snop  }
0x1af: {  	[tilespmem:s25], [sflag:$0x3] =	stream.linear.gather @!p0 [hbm4b:s16+s24], $0x80, $0x200038;
	[tilespmem:$0x8100] =	vst v63  }
0x1b0: {  	_ =	strace @!p0 $0x9000005A  }
0x1b1: {  	_ =	strace @!p0 $0x8000005D  }
0x1b2: {  	_ =	swait.ge @!p0 [sflag:s26], $0x4000  }
0x1b3: {  	[sflag:s26] =	ssyncset.done @!p0 $0x0  }
0x1b4: {  	[sflag:s26] =	ssyncadd.s32 @!p0 $0xFFFFC000  }
0x1b5: {  	_ =	strace @!p0 $0x9000005D  }
0x1b6: {  	_ =	strace @!p0 $0x8000005E  }
0x1b7: {  	_ =	swait.ge @!p0 [sflag:s28], $0x80  }
0x1b8: {  	[sflag:s28] =	ssyncset.done @!p0 $0x0  }
0x1b9: {  	s1 =	sadd.s32 $0xFFFFFFFF, s1;
	[sflag:s28] =	ssyncadd.s32 @!p0 $0xFFFFFF80  }
0x1ba: {  	p1 =	sne.s32 s1, $0x0;
	_ =	strace @!p0 $0x9000005E  }
.Ltmp1:
0x1bb: {  	_ =	strace @!p0 $0x8000005F;
	(pc) =	sbr.rel @p1 .LBB2_1-.Ltmp1, $4  }
0x1bc: {  	[hbm4b:s29+s30] =	stream.indirect.scatter @!p0 [tilespmem:s24], [sflag:$0x5], $0x80, s25, s30, $0x2000b8;
	[tilespmem:$0x8100] =	vst v63  }
0x1bd: {  	_ =	swait.ge @!p0 [sflag:s31], $0x4000  }
0x1be: {  	[sflag:s31] =	ssyncset.done @!p0 $0x0  }
0x1bf: {  	[sflag:s31] =	ssyncadd.s32 @!p0 $0xFFFFC000  }
.LBB2_2:
0x1c0: {  	_ =	strace @!p0 $0x9000005F  }
0x1c1: {  	_ =	sfence.sel $0x180000  }
0x1c2: {  	[bflag:$0x0] =	sbarrier.arrive $0xFFFF  }
0x1c3: {  	_ =	strace $0x90000047  }
0x1c4: {  	s0 =	stileid.u32;
	[bflag:$0x2] =	sbarrier.arrive $0xFFFF  }
0x1c5: {  	p0 =	sne.s32 s0, $0x0;
	s0 =	rddreg [dreg:$0x2]  }
0x1c6: {  	s0 =	sadd.s32 @!p0 $0x100000, s0  }
0x1c7: {  	[sflag:s0] =	ssyncadd.tile.s32 @!p0 $0x1;
	_ =	shalt  }
.Lfunc_end2:
_tile_overlayer_lowered:
.L_overlay_start_2:
0x1c8: {  	(tag) =	ssettag $0x2  }
0x1c9: {  	s0 =	rddreg [dreg:$0x0];
	s2 =	stileid.u32  }
0x1ca: {  	s1 =	rddreg [dreg:$0x1];
	p0 =	sne.s32 s2, $0x0  }
0x1cb: {  	s3 =	rddreg [dreg:$0x2];
	[bflag:$0x3] =	sbarrier.arrive $0xFFFF;
	s2 =	simm.s32 @!p0 $0x1C01  }
0x1cc: {  	[timem:s3], [sflag:s2] =	dma.local @!p0 [hbm:s0], s1  }
0x1cd: {  	s0 =	simm.s32 @!p0 $0x1  }
0x1ce: {  	_ =	swait.ge @!p0 [sflag:s0], s1  }
0x1cf: {  	s1 =	ssub.s32 @!p0 $0x0, s1;
	[sflag:s0] =	ssyncset.done @!p0 $0x0  }
0x1d0: {  	[sflag:s0] =	ssyncadd.s32 @!p0 s1  }
0x1d1: {  	[bflag:$0x3] =	sbarrier.arrive $0xFFFF  }
0x1d2: {  	_ =	shalt  }

// kernel: kernel.9.cloned.1.call-start
scs
__scs_entry_jumppad:
0x0: {  	(pc) =	sbr.rel $0x88, $3  }
0x1: {  	(tag) =	ssettag $0x0;
	lr =	simm.s32 $0x1  }
0x2: {  	[smem:$0x3F9A] =	sst lr;
	_ =	strace $0xD0000000  }
0x3: {  	_ = 	snop  }
0x4: {  	_ = 	snop  }
0x5: {  	_ = 	snop  }
0x6: {  	_ = 	snop  }
0x7: {  	_ = 	snop  }
__scs_overlays_trampoline_lowered:
0x8: {  	[smem:$0x3FA9] =	sst s0  }
0x9: {  	[smem:$0x3FAA] =	sst s1  }
0xa: {  	[smem:$0x3FAB] =	sst s2  }
0xb: {  	[smem:$0x3FAC] =	sst s3  }
0xc: {  	[smem:$0x3FAD] =	sst s4  }
0xd: {  	[smem:$0x3FAE] =	sst s5  }
0xe: {  	[smem:$0x3FAF] =	sst s6  }
0xf: {  	[smem:$0x3FB0] =	sst s7  }
0x10: {  	[smem:$0x3FB1] =	sst s8  }
0x11: {  	[smem:$0x3FB2] =	sst s9;
	s0 =	simm.s32 @!p0 $0x0  }
0x12: {  	s1 =	sld [smem:$0x3F98];
	s0 =	simm.s32 @p0 $0x1  }
0x13: {  	[smem:$0x3FB3] =	sst s0;
	s0 =	simm.s32 @!p1 $0x0  }
0x14: {  	s2 =	sld [smem:$0x3F97];
	s0 =	simm.s32 @p1 $0x1  }
0x15: {  	[smem:$0x3FB4] =	sst s0;
	s0 =	simm.s32 @!p2 $0x0  }
0x16: {  	s3 =	sld [smem:$0x3FDB];
	s0 =	simm.s32 @p2 $0x1  }
0x17: {  	s4 =	simm.s32 $0x1BF5;
	[smem:$0x3FB6] =	sst s0  }
0x18: {  	s0 =	sld [smem:$0x3F99];
	_ =	swait.ge [sflag:s4], $0x0  }
0x19: {  	s7 =	sld [smem:$0x3F9A]  }
0x1a: {  	s8 =	sadd.s32 $0xFFFFE003, lr  }
0x1b: {  	s9 =	sadd.s32 $0xFFFFFEF7, lr;
	s5 =	simm.s32 $0xFFFFFFFF;
	p2 =	slt.u32 s8, $0xFFFFF086  }
0x1c: {  	p1 =	slt.u32 s9, $0xF7A;
	s5 =	simm.s32 @!p2 $0x0  }
0x1d: {  	s5 =	simm.s32 @p1 $0x1;
	p0 =	seq.s32 s7, s2  }
0x1e: {  	s7 =	smul.u32 @!p0 $0xF7A, s2;
	p2 =	seq.s32 @!p0 s5, $0x0  }
0x1f: {  	s9 =	smul.u32 $0xF7A, s1;
	s8 =	simm.s32 @!p0 $0x1BF5;
	p2 =	por !p2, p0  }
0x20: {  	[sflag:s8] =	ssyncset.s32 @!p0 $0xFFFFF086;
	s6 =	sadd.s32 @!p0 s3, s7;
	s7 =	simm.s32 @!p0 $0x108  }
0x21: {  	s3 =	sadd.s32 s3, s9;
	s6 =	sadd.s32 @!p0 $0x88, s6;
	s7 =	simm.s32 @p2 $0x1082  }
0x22: {  	[simem:s7], [sflag:s8] =	dma.local @!p0 [hbm:s6], $0xF7A  }
0x23: {  	s9 =	sor.u32 $0xD0000000, s2;
	s6 =	simm.s32 $0x108;
	_ =	swait.ge @!p0 [sflag:s8], $0x0  }
0x24: {  	s3 =	sadd.s32 $0x88, s3;
	s6 =	simm.s32 @!p1 $0x1082;
	[sflag:s4] =	ssyncset.s32 $0xFFFFF086  }
0x25: {  	[simem:s6], [sflag:s4] =	dma.local [hbm:s3], $0xF7A  }
0x26: {  	[smem:$0x3F9A] =	sst s1;
	(tag) =	ssettag s2;
	_ =	strace s9  }
0x27: {  	s1 =	sld [smem:$0x3FAA]  }
0x28: {  	s2 =	sld [smem:$0x3FAB]  }
0x29: {  	s4 =	sld [smem:$0x3FAD]  }
0x2a: {  	p0 =	seq.s32 s5, $0x0;
	s5 =	sld [smem:$0x3FAE]  }
0x2b: {  	s6 =	sld [smem:$0x3FAF]  }
0x2c: {  	s7 =	sld [smem:$0x3FB0]  }
0x2d: {  	s3 =	simm.s32 $0x108;
	s8 =	sld [smem:$0x3FB1]  }
0x2e: {  	s3 =	simm.s32 @!p0 $0x1082;
	s9 =	sld [smem:$0x3FB2]  }
0x2f: {  	lr =	sadd.s32 s0, s3;
	s0 =	sld [smem:$0x3FA9]  }
0x30: {  	s3 =	sld [smem:$0x3FAC]  }
0x31: {  	[smem:$0x3FB5] =	sst s10  }
0x32: {  	s10 =	sld [smem:$0x3FB3];
	_ =	sdelay $0x3  }
0x33: {  	p0 =	seq.s32 s10, $0x1;
	s10 =	sld [smem:$0x3FB5];
	_ =	sdelay $0x3  }
0x34: {  	[smem:$0x3FB5] =	sst s10  }
0x35: {  	s10 =	sld [smem:$0x3FB4];
	_ =	sdelay $0x3  }
0x36: {  	p1 =	seq.s32 s10, $0x1;
	s10 =	sld [smem:$0x3FB5];
	_ =	sdelay $0x3  }
0x37: {  	[smem:$0x3FB5] =	sst s10  }
0x38: {  	s10 =	sld [smem:$0x3FB6]  }
0x39: {  	_ = 	snop;
	(pc) =	sbr.ind lr, $3  }
0x3a: {  	_ = 	snop  }
0x3b: {  	_ = 	snop  }
0x3c: {  	p2 =	seq.s32 s10, $0x1;
	s10 =	sld [smem:$0x3FB5]  }
0x3d: {  	_ =	shalt  }
0x3e: {  	_ =	shalt  }
0x3f: {  	_ =	shalt  }
0x40: {  	_ =	shalt  }
0x41: {  	_ =	shalt  }
0x42: {  	_ =	shalt  }
0x43: {  	_ =	shalt  }
0x44: {  	_ =	shalt  }
0x45: {  	_ =	shalt  }
0x46: {  	_ =	shalt  }
0x47: {  	_ =	shalt  }
0x48: {  	_ =	shalt  }
0x49: {  	_ =	shalt  }
0x4a: {  	_ =	shalt  }
0x4b: {  	_ =	shalt  }
0x4c: {  	_ =	shalt  }
0x4d: {  	_ =	shalt  }
0x4e: {  	_ =	shalt  }
0x4f: {  	_ =	shalt  }
0x50: {  	_ =	shalt  }
0x51: {  	_ =	shalt  }
0x52: {  	_ =	shalt  }
0x53: {  	_ =	shalt  }
0x54: {  	_ =	shalt  }
0x55: {  	_ =	shalt  }
0x56: {  	_ =	shalt  }
0x57: {  	_ =	shalt  }
0x58: {  	_ =	shalt  }
0x59: {  	_ =	shalt  }
0x5a: {  	_ =	shalt  }
0x5b: {  	_ =	shalt  }
0x5c: {  	_ =	shalt  }
0x5d: {  	_ =	shalt  }
0x5e: {  	_ =	shalt  }
0x5f: {  	_ =	shalt  }
0x60: {  	_ =	shalt  }
0x61: {  	_ =	shalt  }
0x62: {  	_ =	shalt  }
0x63: {  	_ =	shalt  }
0x64: {  	_ =	shalt  }
0x65: {  	_ =	shalt  }
0x66: {  	_ =	shalt  }
0x67: {  	_ =	shalt  }
0x68: {  	_ =	shalt  }
0x69: {  	_ =	shalt  }
0x6a: {  	_ =	shalt  }
0x6b: {  	_ =	shalt  }
0x6c: {  	_ =	shalt  }
0x6d: {  	_ =	shalt  }
0x6e: {  	_ =	shalt  }
0x6f: {  	_ =	shalt  }
0x70: {  	_ =	shalt  }
0x71: {  	_ =	shalt  }
0x72: {  	_ =	shalt  }
0x73: {  	_ =	shalt  }
0x74: {  	_ =	shalt  }
0x75: {  	_ =	shalt  }
0x76: {  	_ =	shalt  }
0x77: {  	_ =	shalt  }
0x78: {  	_ =	shalt  }
0x79: {  	_ =	shalt  }
0x7a: {  	_ =	shalt  }
0x7b: {  	_ =	shalt  }
0x7c: {  	_ =	shalt  }
0x7d: {  	_ =	shalt  }
0x7e: {  	_ =	shalt  }
0x7f: {  	_ =	shalt  }
0x80: {  	_ =	shalt  }
0x81: {  	_ =	shalt  }
0x82: {  	_ =	shalt  }
0x83: {  	_ =	shalt  }
0x84: {  	_ =	shalt  }
0x85: {  	_ =	shalt  }
0x86: {  	_ =	shalt  }
0x87: {  	_ =	shalt  }
.Lfunc_end0:
.L_simem_size_0:
called_computation.1_lowered:
.L_overlay_start_0:
0x88: {  	s2 =	sld [smem:$0x3FD9]  }
0x89: {  	s3 =	sld [smem:$0x3FFE];
	_ =	sdelay $0x1  }
0x8a: {  	s1 =	srdreg.scid  }
0x8b: {  	s0 =	sand.u32 $0x1, s1  }
0x8c: {  	s16 =	sshll.u32 s0, $0xA;
	s2 =	sadd.s32 s3, s2  }
0x8d: {  	s2 =	sadd.s32 s2, s16  }
0x8e: {  	[smem:$0x3FC1] =	sst s2  }
0x8f: {  	_ = 	snop  }
0x90: {  	(tm) =	ssettm $0x1  }
0x91: {  	s17 =	sld [smem:$0x3FFB];
	_ =	sdelay $0x3  }
0x92: {  	_ =	strace s17  }
0x93: {  	s2 =	sld [smem:$0x3FFC];
	_ =	sdelay $0x3  }
0x94: {  	_ =	strace s2  }
0x95: {  	s2 =	sld [smem:$0x3FFD];
	_ =	sdelay $0x3  }
0x96: {  	_ =	strace s2  }
0x97: {  	_ =	strace $0x8FFFFFFF  }
0x98: {  	s18 =	sld [smem:$0x3FDB];
	_ =	sdelay $0x1  }
0x99: {  	s19 =	simm.s32 $_scs_section_size  }
0x9a: {  	s4 =	simm.s32 $_size__tile_overlayer_lowered;
	s5 =	simm.s32 $_tile_overlayer_lowered  }
0x9b: {  	s22 =	simm.s32 $0x1BFF;
	s21 =	sshll.u32 s5, $0x1;
	s2 =	sadd.s32 s19, s18  }
0x9c: {  	s6 =	simm.s32 $0x0;
	s20 =	sshll.u32 s4, $0x1;
	s4 =	sadd.s32 s21, s2  }
0x9d: {  	[timem:s6], [sflag:s22] =	dma.local [hbm:s4], s20  }
0x9e: {  	_ =	swait.ge [sflag:s22], s20  }
0x9f: {  	s3 =	ssub.s32 $0x0, s20;
	[sflag:s22] =	ssyncset.done $0x0  }
0xa0: {  	[sflag:s22] =	ssyncadd.s32 s3;
	_ =	sdelay $0x1  }
0xa1: {  	s23 =	simm.s32 $0x1B8B  }
0xa2: {  	_ =	swait.ge [sflag:s23], $0x1  }
0xa3: {  	[sflag:s23] =	ssyncset.done $0x0  }
0xa4: {  	s25 =	simm.s32 $0x1B8E;
	s24 =	sld [smem:$0x3FFE];
	[sflag:s23] =	ssyncadd.s32 $0xFFFFFFFF  }
0xa5: {  	s26 =	simm.s32 $execute0_lowered;
	[smem:$0x3FD2] =	sst s25  }
0xa6: {  	s4 =	sshll.u32 s26, $0x1;
	_ =	strace $0x80000061;
	[dreg:$0x1] =	wrdreg $0xFFFFFFFF  }
0xa7: {  	s28 =	simm.s32 $_size_execute0_lowered;
	s2 =	sadd.s32 s2, s4;
	[dreg:$0x0] =	wrdreg $0x0  }
0xa8: {  	s4 =	sshll.u32 s28, $0x1;
	[dreg:$0x2] =	wrdreg s2  }
0xa9: {  	[dreg:$0x3] =	wrdreg s4  }
0xaa: {  	[dreg:$0x4] =	wrdreg $0xC0  }
0xab: {  	_ =	task [dreg:s6], $0x5FFFF  }
0xac: {  	[dreg:$0x1] =	wrdreg $0xFFFFFFFF  }
0xad: {  	[dreg:$0x0] =	wrdreg $0x60  }
0xae: {  	[dreg:$0x2] =	wrdreg s24  }
0xaf: {  	[dreg:$0x3] =	wrdreg $0x9  }
0xb0: {  	_ =	task.clear_ibuf [dreg:s6], $0x4FFFF;
	_ =	strace $0x90000061  }
0xb1: {  	s29 =	simm.s32 $0x9;
	_ =	strace $0x8000006C  }
0xb2: {  	_ =	swait.ge [sflag:s29], $0x1  }
0xb3: {  	[sflag:s29] =	ssyncadd.s32 $0xFFFFFFFF  }
0xb4: {  	_ =	strace $0x9000006C  }
0xb5: {  	_ =	sfence  }
0xb6: {  	s30 =	sld [smem:$0x0];
	_ =	sdelay $0x2  }
0xb7: {  	s31 =	sshll.u32 s1, $0xD;
	s1 =	sshrl.u32 s1, $0x2  }
0xb8: {  	s3 =	sand.u32 $0x4000, s31;
	s1 =	sadd.s32 s1, s30  }
0xb9: {  	s0 =	sor.u32 s3, s0;
	s1 =	sshll.u32 s1, $0x11  }
0xba: {  	s0 =	sor.u32 s1, s0  }
0xbb: {  	s0 =	sadd.s32 $0x8F2B, s0  }
0xbc: {  	[sflag:s0] =	ssyncadd.remote.s32 $0x1  }
0xbd: {  	_ =	sfence.sel $0xFFFF  }
0xbe: {  	[dreg:$0x0] =	wrdreg $0xFFFFFFFF;
	(pc) =	sbr.abs _section_cstart, $3  }
0xbf: {  	[dreg:$0x1] =	wrdreg $0xFFFFFFFF  }
0xc0: {  	_ =	task.clear_ibuf [dreg:s6], $0x2FFFF;
	_ =	strace $0x9FFFFFFF  }
0xc1: {  	(tm) =	ssettm $0x7FFFFFFF  }
tec
execute0_lowered:
.L_overlay_start_1:
0x0: {  	(tag) =	ssettag $0x1  }
0x1: {  	s0 =	rddreg [dreg:$0x0];
	s1 =	simm.s32 $0x0;
	s3 =	srdreg.scid  }
0x2: {  	s8 =	stileid.u32;
	s11 =	simm.s32 $0x4000;
	s12 =	simm.s32 $0x4100  }
0x3: {  	s13 =	simm.s32 $0x80;
	s14 =	simm.s32 $0x7;
	s15 =	simm.s32 $0x6  }
0x4: {  	s16 =	simm.s32 $0x0;
	[smem:$0x7FF] =	sst s1;
	s2 =	sadd.s32 $0xA1400, s0  }
0x5: {  	s4 =	sadd.s32 $0x400, s0;
	s5 =	sadd.s32 $0xC00, s0;
	s3 =	sand.u32 $0x1, s3  }
0x6: {  	s6 =	sadd.s32 $0x1400, s0;
	s7 =	ssub.s32 $0x2, s3;
	s3 =	sshll.u32 s3, $0x4  }
0x7: {  	_ =	strace $0x80000062;
	s31 =	sshrl.u32 s7, $0x1;
	s3 =	sor.u32 s8, s3  }
0x8: {  	s0 =	ssub.s32 s7, s31;
	s7 =	sshll.u32 s3, $0x2;
	s3 =	sshll.u32 s3, $0x6  }
0x9: {  	s8 =	sadd.s32 s4, s3;
	s9 =	sadd.s32 s5, s3;
	s10 =	smax.u32 s0, $0x1  }
.LBB2_1:
0xa: {  	_ =	strace $0x80000063  }
0xb: {  	s25 =	simm.s32 $0x0;
	s17 =	simm.s32 $0x0;
	s18 =	simm.s32 $0x0  }
0xc: {  	[tilespmem:s11], [sflag:$0x1] =	stream.linear.gather [hbm4b:s8+s1], $0x80, $0x200038;
	[tilespmem:$0xC200] =	vst v63  }
0xd: {  	s19 =	simm.s32 $0x0;
	s20 =	simm.s32 $0x1;
	s21 =	simm.s32 $0x0  }
0xe: {  	[tilespmem:s12], [sflag:$0x3] =	stream.linear.gather [hbm4b:s9+s1], $0x80, $0x200038;
	[tilespmem:$0xC200] =	vst v63  }
0xf: {  	s22 =	simm.s32 $0x1;
	s23 =	simm.s32 $0x0;
	_ =	strace $0x90000063  }
.LBB2_2:
0x10: {  	s24 =	sadd.s32 $0x1, s25  }
0x11: {  	p0 =	seq.s32 s24, $0x4  }
0x12: {  	s24 =	simm.s32 @p0 $0x0;
	p0 =	seq.s32 s23, $0x3  }
0x13: {  	p1 =	seq.s32 @!p0 s25, s24  }
0x14: {  	p2 =	por p1, p0  }
0x15: {  	s3 =	sadd.s32 @!p2 s7, s24  }
0x16: {  	s26 =	sand.u32 @!p2 $0x1, s22;
	_ =	strace @!p2 $0x80000064;
	s3 =	sshll.u32 @!p2 s3, $0x4  }
0x17: {  	s30 =	simm.s32 @!p2 $0x0;
	s28 =	sshll.u32 @!p2 s26, $0x7;
	s3 =	sand.u32 @!p2 $0x1FFFFFF0, s3  }
0x18: {  	s26 =	sadd.s32 @!p2 $0x1, s26;
	s28 =	sor.u32 @!p2 $0x4000, s28;
	s29 =	sadd.s32 @!p2 s4, s3  }
0x19: {  	[tilespmem:s28], [sflag:s26] =	stream.linear.gather @!p2 [hbm4b:s29+s30], $0x80, $0x200038;
	[tilespmem:$0xC200] =	vst v63  }
0x1a: {  	s26 =	sand.u32 @!p2 $0x1, s20  }
0x1b: {  	s3 =	sadd.s32 @!p2 s5, s3;
	_ =	strace @!p2 $0x90000064;
	s28 =	sshll.u32 @!p2 s26, $0x7  }
0x1c: {  	s26 =	sadd.s32 @!p2 $0x3, s26;
	_ =	strace @!p2 $0x80000065;
	s28 =	sor.u32 @!p2 $0x4100, s28  }
0x1d: {  	[tilespmem:s28], [sflag:s26] =	stream.linear.gather @!p2 [hbm4b:s3+s30], $0x80, $0x200038;
	[tilespmem:$0xC200] =	vst v63  }
0x1e: {  	s26 =	sand.u32 $0x1, s21;
	_ =	strace @!p2 $0x90000065  }
0x1f: {  	s3 =	sadd.s32 $0x1, s26;
	_ =	strace $0x80000066  }
0x20: {  	_ =	swait.ge [sflag:s3], $0x80  }
0x21: {  	[sflag:s3] =	ssyncset.done $0x0  }
0x22: {  	[sflag:s3] =	ssyncadd.s32 $0xFFFFFF80  }
0x23: {  	s26 =	sand.u32 $0x1, s19;
	_ =	strace $0x90000066  }
0x24: {  	s3 =	sadd.s32 $0x3, s26;
	_ =	strace $0x80000067  }
0x25: {  	_ =	swait.ge [sflag:s3], $0x80  }
0x26: {  	[sflag:s3] =	ssyncset.done $0x0  }
0x27: {  	s26 =	sand.u32 $0x1, s18;
	[sflag:s3] =	ssyncadd.s32 $0xFFFFFF80;
	s3 =	sshll.u32 s21, $0x7  }
0x28: {  	s29 =	sshll.u32 s26, $0xE;
	_ =	strace $0x90000067;
	s3 =	sand.u32 $0x80, s3  }
0x29: {  	s28 =	sadd.s32 $0x4200, s29;
	_ =	strace $0x80000068;
	s3 =	sor.u32 $0x4000, s3  }
0x2a: {  	[tilespmem:s28], [sflag:$0x7] =	stream.indirect.gather [hbm4b:s2+s13], $0x80, s3, s13, $0x2000b8;
	[tilespmem:$0xC200] =	vst v63  }
0x2b: {  	s3 =	sshll.u32 s19, $0x7;
	_ =	swait.ge [sflag:s14], $0x4000  }
0x2c: {  	s29 =	sadd.s32 $0x4240, s29;
	s3 =	sand.u32 $0x80, s3;
	[sflag:s14] =	ssyncset.done $0x0  }
0x2d: {  	s30 =	simm.s32 $0x0;
	v0 =	vmov s29;
	s3 =	sor.u32 $0x4100, s3;
	[sflag:s14] =	ssyncadd.s32 $0xFFFFC000  }
0x2e: {  	[tilespmem:s30], [sflag:$0x7] =	stream.indirect.gather [hbm4b:s2+s13], $0x80, s3, s13, $0x2000b8;
	[tilespmem:$0xC200] =	vst v63  }
0x2f: {  	_ =	swait.ge [sflag:s14], $0x4000  }
0x30: {  	[sflag:s14] =	ssyncset.done $0x0  }
0x31: {  	s31 =	simm.s32 $0x0;
	[sflag:s14] =	ssyncadd.s32 $0xFFFFC000  }
0x32: {  	v1 =	vld.idx.msk [tilespmem:v0+s31+$0xFFFFFFC0 ss:$0x1], $0xffff  }
0x33: {  	v2 =	vld [tilespmem:s31+$0x0];
	_ =	sdelay $0x4  }
0x34: {  	v1 =	vadd.f32 v2, v1;
	_ =	sdelay $0x1  }
0x35: {  	[tilespmem:v0+s31+$0xFFFFFFC0 ss:$0x1] =	vst.idx.msk $0xffff, v1  }
0x36: {  	v1 =	vld.idx.msk [tilespmem:v0+s31+$0xFFFFFFD0 ss:$0x1], $0xffff  }
0x37: {  	v2 =	vld [tilespmem:s31+$0x10];
	_ =	sdelay $0x4  }
0x38: {  	v1 =	vadd.f32 v2, v1;
	_ =	sdelay $0x1  }
0x39: {  	[tilespmem:v0+s31+$0xFFFFFFD0 ss:$0x1] =	vst.idx.msk $0xffff, v1  }
0x3a: {  	v1 =	vld.idx.msk [tilespmem:v0+s31+$0xFFFFFFE0 ss:$0x1], $0xffff  }
0x3b: {  	v2 =	vld [tilespmem:s31+$0x20];
	_ =	sdelay $0x4  }
0x3c: {  	v1 =	vadd.f32 v2, v1;
	_ =	sdelay $0x1  }
0x3d: {  	[tilespmem:v0+s31+$0xFFFFFFE0 ss:$0x1] =	vst.idx.msk $0xffff, v1  }
0x3e: {  	v1 =	vld.idx.msk [tilespmem:v0+s31+$0xFFFFFFF0 ss:$0x1], $0xffff  }
0x3f: {  	v2 =	vld [tilespmem:s31+$0x30];
	_ =	sdelay $0x4  }
0x40: {  	v1 =	vadd.f32 v2, v1;
	_ =	sdelay $0x1  }
0x41: {  	[tilespmem:v0+s31+$0xFFFFFFF0 ss:$0x1] =	vst.idx.msk $0xffff, v1  }
0x42: {  	v1 =	vld.idx.msk [tilespmem:v0+s31+$0x0 ss:$0x1], $0xffff  }
0x43: {  	v2 =	vld [tilespmem:s31+$0x40];
	_ =	sdelay $0x4  }
0x44: {  	v1 =	vadd.f32 v2, v1;
	_ =	sdelay $0x1  }
0x45: {  	[tilespmem:v0+s31+$0x0 ss:$0x1] =	vst.idx.msk $0xffff, v1  }
0x46: {  	v1 =	vld.idx.msk [tilespmem:v0+s31+$0x10 ss:$0x1], $0xffff  }
0x47: {  	v2 =	vld [tilespmem:s31+$0x50];
	_ =	sdelay $0x4  }
0x48: {  	v1 =	vadd.f32 v2, v1;
	_ =	sdelay $0x1  }
0x49: {  	[tilespmem:v0+s31+$0x10 ss:$0x1] =	vst.idx.msk $0xffff, v1  }
0x4a: {  	v1 =	vld.idx.msk [tilespmem:v0+s31+$0x20 ss:$0x1], $0xffff  }
0x4b: {  	v2 =	vld [tilespmem:s31+$0x60];
	_ =	sdelay $0x4  }
0x4c: {  	v1 =	vadd.f32 v2, v1;
	_ =	sdelay $0x1  }
0x4d: {  	[tilespmem:v0+s31+$0x20 ss:$0x1] =	vst.idx.msk $0xffff, v1  }
0x4e: {  	v1 =	vld.idx.msk [tilespmem:v0+s31+$0x30 ss:$0x1], $0xffff  }
0x4f: {  	v2 =	vld [tilespmem:s31+$0x70];
	_ =	sdelay $0x1  }
0x50: {  	p1 =	por !p1, p0;
	s29 =	simm.s32 $0x0  }
0x51: {  	s0 =	smov.u32 s22;
	s29 =	simm.s32 @p1 $0x1;
	s3 =	sadd.s32 @!p2 $0x1, s22  }
0x52: {  	s29 =	simm.s32 @p0 $0x0;
	s30 =	sadd.s32 s7, s25;
	s22 =	smov.u32 @p1 s3  }
0x53: {  	s3 =	simm.s32 $0x400;
	s22 =	smov.u32 @p0 s0;
	s0 =	simm.s32 $0x200;
	v1 =	vadd.f32 v2, v1  }
.LBB2_3:
0x54: {  	p1 =	sne.s32 s3, $0xFE00  }
0x55: {  	[tilespmem:v0+s31+$0x30 ss:$0x1] =	vst.idx.msk $0xffff, v1;
	s31 =	sshra.s32 s0, $0x2;
	s0 =	smov.u32 s3;
	s3 =	sadd.s32 $0x200, s3  }
0x56: {  	v1 =	vld.idx.msk [tilespmem:v0+s31+$0xFFFFFFC0 ss:$0x1], $0xffff  }
0x57: {  	v2 =	vld [tilespmem:s31+$0x0];
	_ =	sdelay $0x4  }
0x58: {  	v1 =	vadd.f32 v2, v1;
	_ =	sdelay $0x1  }
0x59: {  	[tilespmem:v0+s31+$0xFFFFFFC0 ss:$0x1] =	vst.idx.msk $0xffff, v1  }
0x5a: {  	v1 =	vld.idx.msk [tilespmem:v0+s31+$0xFFFFFFD0 ss:$0x1], $0xffff  }
0x5b: {  	v2 =	vld [tilespmem:s31+$0x10];
	_ =	sdelay $0x4  }
0x5c: {  	v1 =	vadd.f32 v2, v1;
	_ =	sdelay $0x1  }
0x5d: {  	[tilespmem:v0+s31+$0xFFFFFFD0 ss:$0x1] =	vst.idx.msk $0xffff, v1  }
0x5e: {  	v1 =	vld.idx.msk [tilespmem:v0+s31+$0xFFFFFFE0 ss:$0x1], $0xffff  }
0x5f: {  	v2 =	vld [tilespmem:s31+$0x20];
	_ =	sdelay $0x4  }
0x60: {  	v1 =	vadd.f32 v2, v1;
	_ =	sdelay $0x1  }
0x61: {  	[tilespmem:v0+s31+$0xFFFFFFE0 ss:$0x1] =	vst.idx.msk $0xffff, v1  }
0x62: {  	v1 =	vld.idx.msk [tilespmem:v0+s31+$0xFFFFFFF0 ss:$0x1], $0xffff  }
0x63: {  	v2 =	vld [tilespmem:s31+$0x30];
	_ =	sdelay $0x4  }
0x64: {  	v1 =	vadd.f32 v2, v1;
	_ =	sdelay $0x1  }
0x65: {  	[tilespmem:v0+s31+$0xFFFFFFF0 ss:$0x1] =	vst.idx.msk $0xffff, v1  }
0x66: {  	v1 =	vld.idx.msk [tilespmem:v0+s31+$0x0 ss:$0x1], $0xffff  }
0x67: {  	v2 =	vld [tilespmem:s31+$0x40];
	_ =	sdelay $0x4  }
0x68: {  	v1 =	vadd.f32 v2, v1;
	_ =	sdelay $0x1  }
0x69: {  	[tilespmem:v0+s31+$0x0 ss:$0x1] =	vst.idx.msk $0xffff, v1  }
0x6a: {  	v1 =	vld.idx.msk [tilespmem:v0+s31+$0x10 ss:$0x1], $0xffff  }
0x6b: {  	v2 =	vld [tilespmem:s31+$0x50];
	_ =	sdelay $0x4  }
0x6c: {  	v1 =	vadd.f32 v2, v1;
	_ =	sdelay $0x1  }
0x6d: {  	[tilespmem:v0+s31+$0x10 ss:$0x1] =	vst.idx.msk $0xffff, v1  }
0x6e: {  	v1 =	vld.idx.msk [tilespmem:v0+s31+$0x20 ss:$0x1], $0xffff  }
0x6f: {  	v2 =	vld [tilespmem:s31+$0x60];
	_ =	sdelay $0x4  }
0x70: {  	v1 =	vadd.f32 v2, v1;
	_ =	sdelay $0x1  }
0x71: {  	[tilespmem:v0+s31+$0x20 ss:$0x1] =	vst.idx.msk $0xffff, v1  }
0x72: {  	v1 =	vld.idx.msk [tilespmem:v0+s31+$0x30 ss:$0x1], $0xffff  }
0x73: {  	v2 =	vld [tilespmem:s31+$0x70]  }
.Ltmp0:
0x74: {  	(pc) =	sbr.rel @p1 .LBB2_3-.Ltmp0, $2  }
0x75: {  	_ =	sdelay $0x2  }
0x76: {  	v1 =	vadd.f32 v2, v1  }
0x77: {  	_ =	sdelay $0x3  }
0x78: {  	s0 =	sshra.s32 s0, $0x2;
	[tilespmem:v0+s31+$0x30 ss:$0x1] =	vst.idx.msk $0xffff, v1  }
0x79: {  	v1 =	vld.idx.msk [tilespmem:v0+s0+$0xFFFFFFC0 ss:$0x1], $0xffff  }
0x7a: {  	v2 =	vld [tilespmem:s0+$0x0];
	_ =	sdelay $0x4  }
0x7b: {  	v1 =	vadd.f32 v2, v1;
	_ =	sdelay $0x1  }
0x7c: {  	[tilespmem:v0+s0+$0xFFFFFFC0 ss:$0x1] =	vst.idx.msk $0xffff, v1  }
0x7d: {  	v1 =	vld.idx.msk [tilespmem:v0+s0+$0xFFFFFFD0 ss:$0x1], $0xffff  }
0x7e: {  	v57 =	vld [tilespmem:s0+$0x10];
	_ =	sdelay $0x4  }
0x7f: {  	v1 =	vadd.f32 v57, v1;
	_ =	sdelay $0x1  }
0x80: {  	[tilespmem:v0+s0+$0xFFFFFFD0 ss:$0x1] =	vst.idx.msk $0xffff, v1  }
0x81: {  	v1 =	vld.idx.msk [tilespmem:v0+s0+$0xFFFFFFE0 ss:$0x1], $0xffff  }
0x82: {  	v58 =	vld [tilespmem:s0+$0x20];
	_ =	sdelay $0x4  }
0x83: {  	v1 =	vadd.f32 v58, v1;
	_ =	sdelay $0x1  }
0x84: {  	[tilespmem:v0+s0+$0xFFFFFFE0 ss:$0x1] =	vst.idx.msk $0xffff, v1  }
0x85: {  	v1 =	vld.idx.msk [tilespmem:v0+s0+$0xFFFFFFF0 ss:$0x1], $0xffff  }
0x86: {  	v59 =	vld [tilespmem:s0+$0x30];
	_ =	sdelay $0x4  }
0x87: {  	v1 =	vadd.f32 v59, v1;
	_ =	sdelay $0x1  }
0x88: {  	[tilespmem:v0+s0+$0xFFFFFFF0 ss:$0x1] =	vst.idx.msk $0xffff, v1  }
0x89: {  	v1 =	vld.idx.msk [tilespmem:v0+s0+$0x0 ss:$0x1], $0xffff  }
0x8a: {  	v60 =	vld [tilespmem:s0+$0x40];
	_ =	sdelay $0x4  }
0x8b: {  	v1 =	vadd.f32 v60, v1;
	_ =	sdelay $0x1  }
0x8c: {  	[tilespmem:v0+s0+$0x0 ss:$0x1] =	vst.idx.msk $0xffff, v1  }
0x8d: {  	v1 =	vld.idx.msk [tilespmem:v0+s0+$0x10 ss:$0x1], $0xffff  }
0x8e: {  	v61 =	vld [tilespmem:s0+$0x50];
	_ =	sdelay $0x4  }
0x8f: {  	v1 =	vadd.f32 v61, v1;
	_ =	sdelay $0x1  }
0x90: {  	[tilespmem:v0+s0+$0x10 ss:$0x1] =	vst.idx.msk $0xffff, v1  }
0x91: {  	v1 =	vld.idx.msk [tilespmem:v0+s0+$0x20 ss:$0x1], $0xffff  }
0x92: {  	v62 =	vld [tilespmem:s0+$0x60];
	_ =	sdelay $0x4  }
0x93: {  	v1 =	vadd.f32 v62, v1;
	_ =	sdelay $0x1  }
0x94: {  	[tilespmem:v0+s0+$0x20 ss:$0x1] =	vst.idx.msk $0xffff, v1  }
0x95: {  	v1 =	vld.idx.msk [tilespmem:v0+s0+$0x30 ss:$0x1], $0xffff  }
0x96: {  	v63 =	vld [tilespmem:s0+$0x70];
	_ =	sdelay $0x4  }
0x97: {  	p1 =	sne.s32 s25, s24;
	v1 =	vadd.f32 v63, v1  }
0x98: {  	p0 =	por p0, p1  }
0x99: {  	p1 =	seq.s32 s23, $0x0;
	[tilespmem:v0+s0+$0x30 ss:$0x1] =	vst.idx.msk $0xffff, v1;
	s0 =	sshll.u32 @p0 s30, $0xB  }
0x9a: {  	s3 =	sadd.s32 @p0 $0x5, s26;
	_ =	strace $0x90000068;
	s0 =	sand.u32 @p0 $0x1FFFF800, s0  }
0x9b: {  	s25 =	simm.s32 @p0 $0x0;
	_ =	strace @p0 $0x80000069;
	s0 =	sadd.s32 @p0 s6, s0  }
0x9c: {  	[hbm4b:s0+s25] =	stream.linear.scatter @p0 [tilespmem:s28], [sflag:s3], $0x4000, $0x200038;
	[tilespmem:$0xC200] =	vst v63  }
0x9d: {  	s0 =	sand.u32 @!p1 $0x1, s17;
	_ =	strace @p0 $0x90000069  }
0x9e: {  	s0 =	sadd.s32 @!p1 $0x5, s0;
	_ =	strace @!p1 $0x8000006A  }
0x9f: {  	s3 =	simm.s32 $0x1;
	_ =	swait.ge @!p1 [sflag:s0], $0x4000  }
0xa0: {  	s3 =	simm.s32 @!p0 $0x0;
	p0 =	sne.s32 s23, $0x0;
	[sflag:s0] =	ssyncset.done @!p1 $0x0  }
0xa1: {  	s23 =	sadd.s32 $0x1, s23;
	[sflag:s0] =	ssyncadd.s32 @!p1 $0xFFFFC000;
	s0 =	simm.s32 $0x1  }
0xa2: {  	s0 =	simm.s32 @!p0 $0x0;
	p0 =	sne.s32 s23, $0x4  }
.Ltmp1:
0xa3: {  	_ = 	snop;
	(pc) =	sbr.rel @p0 .LBB2_2-.Ltmp1, $4  }
0xa4: {  	_ = 	snop  }
0xa5: {  	s20 =	sadd.s32 s20, s29  }
0xa6: {  	s25 =	smov.u32 s24;
	s18 =	sadd.s32 s3, s18;
	s21 =	sadd.s32 s3, s21  }
0xa7: {  	s19 =	sadd.s32 s3, s19;
	_ =	strace @!p1 $0x9000006A;
	s17 =	sadd.s32 s0, s17  }
0xa8: {  	s16 =	sadd.s32 $0x1, s16  }
0xa9: {  	p0 =	sne.s32 s16, s10  }
.Ltmp2:
0xaa: {  	_ =	strace $0x8000006B;
	(pc) =	sbr.rel @p0 .LBB2_1-.Ltmp2, $4  }
0xab: {  	_ =	swait.ge [sflag:s15], $0x4000  }
0xac: {  	[sflag:s15] =	ssyncset.done $0x0  }
0xad: {  	[sflag:s15] =	ssyncadd.s32 $0xFFFFC000  }
0xae: {  	_ =	strace $0x9000006B  }
0xaf: {  	_ =	sfence.sel $0x180000  }
0xb0: {  	[bflag:$0x0] =	sbarrier.arrive $0xFFFF  }
0xb1: {  	_ =	strace $0x90000062  }
0xb2: {  	s0 =	stileid.u32;
	[bflag:$0x2] =	sbarrier.arrive $0xFFFF  }
0xb3: {  	p0 =	sne.s32 s0, $0x0;
	s0 =	rddreg [dreg:$0x1]  }
0xb4: {  	s0 =	sadd.s32 @!p0 $0x100000, s0  }
0xb5: {  	[sflag:s0] =	ssyncadd.tile.s32 @!p0 $0x1;
	_ =	shalt  }
.Lfunc_end2:
_tile_overlayer_lowered:
.L_overlay_start_2:
0xb6: {  	(tag) =	ssettag $0x2  }
0xb7: {  	s0 =	rddreg [dreg:$0x0];
	s2 =	stileid.u32  }
0xb8: {  	s1 =	rddreg [dreg:$0x1];
	p0 =	sne.s32 s2, $0x0  }
0xb9: {  	s3 =	rddreg [dreg:$0x2];
	[bflag:$0x3] =	sbarrier.arrive $0xFFFF;
	s2 =	simm.s32 @!p0 $0x1C01  }
0xba: {  	[timem:s3], [sflag:s2] =	dma.local @!p0 [hbm:s0], s1  }
0xbb: {  	s0 =	simm.s32 @!p0 $0x1  }
0xbc: {  	_ =	swait.ge @!p0 [sflag:s0], s1  }
0xbd: {  	s1 =	ssub.s32 @!p0 $0x0, s1;
	[sflag:s0] =	ssyncset.done @!p0 $0x0  }
0xbe: {  	[sflag:s0] =	ssyncadd.s32 @!p0 s1  }
0xbf: {  	[bflag:$0x3] =	sbarrier.arrive $0xFFFF  }
0xc0: {  	_ =	shalt  }

</sc_bundles>
